<compile_context>
chip_gen: v7x
topology: tpu7x:2x2x1
jax: 0.10.2.dev20260603
libtpu: 0.0.44.dev20260713+nightly
codegen_flags: <defaults>
</compile_context>

<pallas_src>
import functools

import jax
import jax.numpy as jnp
from jax import lax
from jax.experimental import pallas as pl
from jax.experimental.pallas import tpu as pltpu
from jax.experimental.pallas import tpu_sc as plsc

NC = 2
NS = 16
NW = NC * NS
LANES = 16


def _sc_pool(ids2, table, B, H, E, SPG):
    SPW = B // NW
    CPW = SPW // SPG
    CH = E // LANES

    mesh = plsc.VectorSubcoreMesh(core_axis_name="c", subcore_axis_name="s")

    NBUF = 4

    @functools.partial(
        pl.kernel,
        mesh=mesh,
        out_type=jax.ShapeDtypeStruct((B, E), jnp.float32),
        scratch_types=(
            [pltpu.VMEM((CPW, SPG * H), jnp.int32)]
            + [pltpu.VMEM((SPG * H, E), jnp.float32) for _ in range(NBUF)]
            + [pltpu.VMEM((SPW, E), jnp.float32)]
            + [pltpu.SemaphoreType.DMA for _ in range(NBUF)]
        ),
    )
    def k(table_hbm, ids_hbm, out_hbm, idx_v, *rest):
        bufs = rest[:NBUF]
        pool_v = rest[NBUF]
        sems = rest[NBUF + 1:]
        wid = lax.axis_index("s") * NC + lax.axis_index("c")
        base_chunk = wid * CPW
        pltpu.sync_copy(ids_hbm.at[pl.ds(base_chunk, CPW)], idx_v)

        def start(g, buf, sem):
            pltpu.async_copy(table_hbm.at[idx_v.at[g]], buf, sem)

        def wait(g, buf, sem):
            pltpu.make_async_copy(table_hbm.at[idx_v.at[g]], buf, sem
                                  ).wait()

        def accum(buf, g):
            for s in range(SPG):
                zero = jnp.zeros((LANES,), jnp.float32)

                def body(r, accs, s=s):
                    return tuple(
                        accs[c] + buf[r, pl.ds(c * LANES, LANES)]
                        for c in range(CH)
                    )
                accs = plsc.parallel_loop(
                    s * H, (s + 1) * H, unroll=10, carry=(zero,) * CH)(body)
                for c in range(CH):
                    pool_v[g * SPG + s, pl.ds(c * LANES, LANES)] = accs[c]

        for j in range(NBUF):
            start(j, bufs[j], sems[j])

        @pl.loop(0, CPW // NBUF - 1)
        def _(t):
            g0 = NBUF * t
            for j in range(NBUF):
                wait(g0 + j, bufs[j], sems[j])
                accum(bufs[j], g0 + j)
                start(g0 + j + NBUF, bufs[j], sems[j])

        for j in range(NBUF):
            g = CPW - NBUF + j
            wait(g, bufs[j], sems[j])
            accum(bufs[j], g)

        pltpu.sync_copy(pool_v, out_hbm.at[pl.ds(wid * SPW, SPW)])

    return k(table, ids2)


def _mlp(pooled, W1, b1, W2, b2, B, H, E):
    HID = W1.shape[0]
    OUT = W2.shape[0]
    BB = 4096

    def body(x_ref, w1_ref, b1_ref, w2_ref, b2_ref, o_ref):
        w1s = w1_ref[...] * (1.0 / H)
        h = lax.dot_general(x_ref[...], w1s, (((1,), (1,)), ((), ())),
                            preferred_element_type=jnp.float32)
        h = jnp.maximum(h + b1_ref[...], 0.0)
        ot = lax.dot_general(w2_ref[...], h, (((1,), (1,)), ((), ())),
                             preferred_element_type=jnp.float32)
        o_ref[...] = ot + b2_ref[...]

    out_t = pl.pallas_call(
        body,
        grid=(B // BB,),
        in_specs=[
            pl.BlockSpec((BB, E), lambda i: (i, 0)),
            pl.BlockSpec((HID, E), lambda i: (0, 0)),
            pl.BlockSpec((1, HID), lambda i: (0, 0)),
            pl.BlockSpec((OUT, HID), lambda i: (0, 0)),
            pl.BlockSpec((OUT, 1), lambda i: (0, 0)),
        ],
        out_specs=pl.BlockSpec((OUT, BB), lambda i: (0, i)),
        out_shape=jax.ShapeDtypeStruct((OUT, B), jnp.float32),
    )(pooled, W1, b1.reshape(1, HID), W2, b2.reshape(OUT, 1))
    return out_t.T


def kernel(ids, emb_table, W1, b1, W2, b2):
    B, H = ids.shape
    E = emb_table.shape[1]
    SPG = 2
    ids2 = ids.astype(jnp.int32).reshape(B // SPG, SPG * H)
    pooled = _sc_pool(ids2, emb_table, B, H, E, SPG)
    return _mlp(pooled, W1, b1, W2, b2, B, H, E)

# --- scband reference (transcript-rebuilt; emitter-appended) ---
"""Pipeline reference for scband-model-5686536700535 (READ-ONLY COPY).

The authoritative reference and input builder live on the scoring server;
editing this copy changes nothing except your own understanding.
"""

import jax, jax.numpy as jnp
import numpy as np

NTOKENS = 100000
EMB_DIM = 128
HIDDEN_DIM = 128
OUTPUT_DIM = 64
BATCH = 4096
HIST = 50

def setup_inputs(seed: int = 0) -> dict:
    key = jax.random.key(seed)
    k_ids, k_emb, k_w1, k_b1, k_w2, k_b2 = jax.random.split(key, 6)
    ids = jax.random.randint(k_ids, (BATCH, HIST), 0, NTOKENS, dtype=jnp.int64 if jax.config.jax_enable_x64 else jnp.int32)
    emb_table = jax.random.normal(k_emb, (NTOKENS, EMB_DIM), dtype=jnp.float32)
    # padding_idx=0: row 0 initialized to zero
    emb_table = emb_table.at[0].set(0.0)
    W1 = jax.random.normal(k_w1, (HIDDEN_DIM, EMB_DIM), dtype=jnp.float32) * (1.0 / np.sqrt(EMB_DIM))
    b1 = jax.random.normal(k_b1, (HIDDEN_DIM,), dtype=jnp.float32) * 0.01
    W2 = jax.random.normal(k_w2, (OUTPUT_DIM, HIDDEN_DIM), dtype=jnp.float32) * (1.0 / np.sqrt(HIDDEN_DIM))
    b2 = jax.random.normal(k_b2, (OUTPUT_DIM,), dtype=jnp.float32) * 0.01
    return {"ids": ids, "emb_table": emb_table, "W1": W1, "b1": b1, "W2": W2, "b2": b2}

def reference(ids, emb_table, W1, b1, W2, b2):
    # padding_idx=0: row 0 of table acts as all-zeros (and receives no grad)
    table_eff = emb_table.at[0].set(0.0)
    x = jnp.take(table_eff, ids, axis=0)           # [B, L, E] embedding lookup
    x = jnp.mean(x, axis=1)                         # [B, E]
    x = x @ W1.T + b1                               # hidden dense
    x = jax.nn.relu(x)
    x = x @ W2.T + b2                               # last dense
    return x

if __name__ == "__main__":
    import jax
    _d = setup_inputs()
    print(jax.jit(kernel)(*tuple(_d.values())))

</pallas_src>

<mosaic_0001>
#map = affine_map<(d0, d1) -> (0, 0)>
module attributes {stable_mosaic.version = 14 : i64} {
  func.func @k(%arg0: i32, %arg1: i32, %arg2: memref<100000x128xf32, #tpu.memory_space<hbm>>, %arg3: memref<2048x100xi32, #tpu.memory_space<hbm>>, %arg4: memref<4096x128xf32, #tpu.memory_space<hbm>>, %arg5: memref<64x100xi32, #tpu.memory_space<vmem>>, %arg6: memref<100x128xf32, #tpu.memory_space<vmem>>, %arg7: memref<100x128xf32, #tpu.memory_space<vmem>>, %arg8: memref<100x128xf32, #tpu.memory_space<vmem>>, %arg9: memref<100x128xf32, #tpu.memory_space<vmem>>, %arg10: memref<128x128xf32, #tpu.memory_space<vmem>>, %arg11: memref<!tpu.dma_semaphore, #tpu.memory_space<semaphore_mem>>, %arg12: memref<!tpu.dma_semaphore, #tpu.memory_space<semaphore_mem>>, %arg13: memref<!tpu.dma_semaphore, #tpu.memory_space<semaphore_mem>>, %arg14: memref<!tpu.dma_semaphore, #tpu.memory_space<semaphore_mem>>) attributes {dimension_semantics = [#tpu.dimension_semantics<core_parallel>, #tpu.dimension_semantics<subcore_parallel>], iteration_bounds = array<i64: 2, 16>, scalar_prefetch = 0 : i64, scratch_operands = 10 : i64, tpu.core_type = #tpu.core_type<sc_vector_subcore>, window_params = [{transform_indices = #map}, {transform_indices = #map}, {transform_indices = #map}]} {
    %mul3A = arith.constant 2 : i32
    %mul3A_0 = arith.muli %arg1, %mul3A : i32
    %add3A = arith.addi %mul3A_0, %arg0 : i32
    %mul3A_1 = arith.constant 64 : i32
    %mul3A_2 = arith.muli %add3A, %mul3A_1 : i32
    "tpu.region"() ({
      %run_scoped3A = tpu.sem_alloc : memref<!tpu.dma_semaphore, #tpu.memory_space<semaphore_mem>>
      %dma_start3A_492 = arith.constant 0 : i32
      %dma_start3A_493 = tpu.memref_slice %arg3[%mul3A_2, %dma_start3A_492] : memref<2048x100xi32, #tpu.memory_space<hbm>> -> memref<64x100xi32, #tpu.memory_space<hbm>>
      %dma_start3A_494 = arith.constant 0 : i32
      %dma_start3A_495 = tpu.memref_slice %arg3[%mul3A_2, %dma_start3A_494] : memref<2048x100xi32, #tpu.memory_space<hbm>> -> memref<64x100xi32, #tpu.memory_space<hbm>>
      tpu.enqueue_dma source(%dma_start3A_495 : memref<64x100xi32, #tpu.memory_space<hbm>>) target(%arg5 : memref<64x100xi32, #tpu.memory_space<vmem>>) target_semaphore(%run_scoped3A : memref<!tpu.dma_semaphore, #tpu.memory_space<semaphore_mem>>)
      %dma_wait3A_496 = arith.constant 0 : i32
      %dma_wait3A_497 = tpu.memref_slice %arg3[%mul3A_2, %dma_wait3A_496] : memref<2048x100xi32, #tpu.memory_space<hbm>> -> memref<64x100xi32, #tpu.memory_space<hbm>>
      %dma_wait3A_498 = arith.constant 0 : i32
      %dma_wait3A_499 = tpu.memref_slice %arg3[%mul3A_2, %dma_wait3A_498] : memref<2048x100xi32, #tpu.memory_space<hbm>> -> memref<64x100xi32, #tpu.memory_space<hbm>>
      tpu.wait_dma2 semaphore(%run_scoped3A : memref<!tpu.dma_semaphore, #tpu.memory_space<semaphore_mem>>) src(%dma_wait3A_499 : memref<64x100xi32, #tpu.memory_space<hbm>>) dst(%arg5 : memref<64x100xi32, #tpu.memory_space<vmem>>)
      tpu.yield
    }) : () -> ()
    %dma_start3A = arith.constant 0 : i32
    %dma_start3A_3 = arith.constant 0 : i32
    %dma_start3A_4 = tpu.memref_slice %arg5[%dma_start3A, %dma_start3A_3] : memref<64x100xi32, #tpu.memory_space<vmem>> -> memref<1x100xi32, #tpu.memory_space<vmem>>
    %dma_start3A_5 = tpu.memref_squeeze %dma_start3A_4 : memref<1x100xi32, #tpu.memory_space<vmem>> -> memref<100xi32, #tpu.memory_space<vmem>>
    %dma_start3A_6 = arith.constant 0 : i32
    %dma_start3A_7 = arith.constant 0 : i32
    %dma_start3A_8 = tpu.memref_slice %arg2[%dma_start3A_6, %dma_start3A_7] : memref<100000x128xf32, #tpu.memory_space<hbm>> -> memref<100000x128xf32, #tpu.memory_space<hbm>>
    tpu.enqueue_indirect_dma source(%dma_start3A_8 : memref<100000x128xf32, #tpu.memory_space<hbm>>) target(%arg6 : memref<100x128xf32, #tpu.memory_space<vmem>>) offsets(%dma_start3A_5 : memref<100xi32, #tpu.memory_space<vmem>>) semaphore(%arg11 : memref<!tpu.dma_semaphore, #tpu.memory_space<semaphore_mem>>)
    %dma_start3A_9 = arith.constant 1 : i32
    %dma_start3A_10 = arith.constant 0 : i32
    %dma_start3A_11 = tpu.memref_slice %arg5[%dma_start3A_9, %dma_start3A_10] : memref<64x100xi32, #tpu.memory_space<vmem>> -> memref<1x100xi32, #tpu.memory_space<vmem>>
    %dma_start3A_12 = tpu.memref_squeeze %dma_start3A_11 : memref<1x100xi32, #tpu.memory_space<vmem>> -> memref<100xi32, #tpu.memory_space<vmem>>
    %dma_start3A_13 = arith.constant 0 : i32
    %dma_start3A_14 = arith.constant 0 : i32
    %dma_start3A_15 = tpu.memref_slice %arg2[%dma_start3A_13, %dma_start3A_14] : memref<100000x128xf32, #tpu.memory_space<hbm>> -> memref<100000x128xf32, #tpu.memory_space<hbm>>
    tpu.enqueue_indirect_dma source(%dma_start3A_15 : memref<100000x128xf32, #tpu.memory_space<hbm>>) target(%arg7 : memref<100x128xf32, #tpu.memory_space<vmem>>) offsets(%dma_start3A_12 : memref<100xi32, #tpu.memory_space<vmem>>) semaphore(%arg12 : memref<!tpu.dma_semaphore, #tpu.memory_space<semaphore_mem>>)
    %dma_start3A_16 = arith.constant 2 : i32
    %dma_start3A_17 = arith.constant 0 : i32
    %dma_start3A_18 = tpu.memref_slice %arg5[%dma_start3A_16, %dma_start3A_17] : memref<64x100xi32, #tpu.memory_space<vmem>> -> memref<1x100xi32, #tpu.memory_space<vmem>>
    %dma_start3A_19 = tpu.memref_squeeze %dma_start3A_18 : memref<1x100xi32, #tpu.memory_space<vmem>> -> memref<100xi32, #tpu.memory_space<vmem>>
    %dma_start3A_20 = arith.constant 0 : i32
    %dma_start3A_21 = arith.constant 0 : i32
    %dma_start3A_22 = tpu.memref_slice %arg2[%dma_start3A_20, %dma_start3A_21] : memref<100000x128xf32, #tpu.memory_space<hbm>> -> memref<100000x128xf32, #tpu.memory_space<hbm>>
    tpu.enqueue_indirect_dma source(%dma_start3A_22 : memref<100000x128xf32, #tpu.memory_space<hbm>>) target(%arg8 : memref<100x128xf32, #tpu.memory_space<vmem>>) offsets(%dma_start3A_19 : memref<100xi32, #tpu.memory_space<vmem>>) semaphore(%arg13 : memref<!tpu.dma_semaphore, #tpu.memory_space<semaphore_mem>>)
    %dma_start3A_23 = arith.constant 3 : i32
    %dma_start3A_24 = arith.constant 0 : i32
    %dma_start3A_25 = tpu.memref_slice %arg5[%dma_start3A_23, %dma_start3A_24] : memref<64x100xi32, #tpu.memory_space<vmem>> -> memref<1x100xi32, #tpu.memory_space<vmem>>
    %dma_start3A_26 = tpu.memref_squeeze %dma_start3A_25 : memref<1x100xi32, #tpu.memory_space<vmem>> -> memref<100xi32, #tpu.memory_space<vmem>>
    %dma_start3A_27 = arith.constant 0 : i32
    %dma_start3A_28 = arith.constant 0 : i32
    %dma_start3A_29 = tpu.memref_slice %arg2[%dma_start3A_27, %dma_start3A_28] : memref<100000x128xf32, #tpu.memory_space<hbm>> -> memref<100000x128xf32, #tpu.memory_space<hbm>>
    tpu.enqueue_indirect_dma source(%dma_start3A_29 : memref<100000x128xf32, #tpu.memory_space<hbm>>) target(%arg9 : memref<100x128xf32, #tpu.memory_space<vmem>>) offsets(%dma_start3A_26 : memref<100xi32, #tpu.memory_space<vmem>>) semaphore(%arg14 : memref<!tpu.dma_semaphore, #tpu.memory_space<semaphore_mem>>)
    %scan3A = arith.constant 0 : i32
    %scan3A_30 = arith.constant 15 : i32
    %scan3A_31 = arith.addi %scan3A, %scan3A_30 : i32
    %scan3A_32 = arith.constant 1 : i32
    scf.for %scan3A_492 = %scan3A to %scan3A_31 step %scan3A_32  : i32 {
      %mul3A_493 = arith.constant 1 : i32
      %mul3A_494 = arith.muli %scan3A_492, %mul3A_493 : i32
      %add3A_495 = arith.constant 0 : i32
      %add3A_496 = arith.addi %add3A_495, %mul3A_494 : i32
      %mul3A_497 = arith.constant 4 : i32
      %mul3A_498 = arith.muli %mul3A_497, %add3A_496 : i32
      %add3A_499 = arith.constant 0 : i32
      %add3A_500 = arith.addi %mul3A_498, %add3A_499 : i32
      %dma_wait3A_501 = arith.constant 0 : i32
      %dma_wait3A_502 = tpu.memref_slice %arg5[%add3A_500, %dma_wait3A_501] : memref<64x100xi32, #tpu.memory_space<vmem>> -> memref<1x100xi32, #tpu.memory_space<vmem>>
      %dma_wait3A_503 = tpu.memref_squeeze %dma_wait3A_502 : memref<1x100xi32, #tpu.memory_space<vmem>> -> memref<100xi32, #tpu.memory_space<vmem>>
      %dma_wait3A_504 = arith.constant 0 : i32
      %dma_wait3A_505 = arith.constant 0 : i32
      %dma_wait3A_506 = tpu.memref_slice %arg2[%dma_wait3A_504, %dma_wait3A_505] : memref<100000x128xf32, #tpu.memory_space<hbm>> -> memref<100000x128xf32, #tpu.memory_space<hbm>>
      tpu.wait_indirect_dma semaphore(%arg11 : memref<!tpu.dma_semaphore, #tpu.memory_space<semaphore_mem>>) src(%dma_wait3A_506 : memref<100000x128xf32, #tpu.memory_space<hbm>>) dst(%arg6 : memref<100x128xf32, #tpu.memory_space<vmem>>)
      %add3A_507 = arith.constant 0 : i32
      %add3A_508 = arith.addi %mul3A_498, %add3A_507 : i32
      %broadcast_in_dim3A_509 = arith.constant 0.000000e+00 : f32
      %broadcast_in_dim3A_510 = vector.broadcast %broadcast_in_dim3A_509 : f32 to vector<16xf32>
      %parallel_loop3A_511 = arith.constant 0 : i32
      %parallel_loop3A_512 = arith.constant 50 : i32
      %parallel_loop3A_513 = arith.constant 1 : i32
      %parallel_loop3A_514:8 = scf.for %parallel_loop3A_1203 = %parallel_loop3A_511 to %parallel_loop3A_512 step %parallel_loop3A_513 iter_args(%parallel_loop3A_1204 = %broadcast_in_dim3A_510, %parallel_loop3A_1205 = %broadcast_in_dim3A_510, %parallel_loop3A_1206 = %broadcast_in_dim3A_510, %parallel_loop3A_1207 = %broadcast_in_dim3A_510, %parallel_loop3A_1208 = %broadcast_in_dim3A_510, %parallel_loop3A_1209 = %broadcast_in_dim3A_510, %parallel_loop3A_1210 = %broadcast_in_dim3A_510, %parallel_loop3A_1211 = %broadcast_in_dim3A_510) -> (vector<16xf32>, vector<16xf32>, vector<16xf32>, vector<16xf32>, vector<16xf32>, vector<16xf32>, vector<16xf32>, vector<16xf32>)  : i32 {
        %parallel_loop3A_1212 = arith.index_cast %parallel_loop3A_1203 : i32 to index
        %parallel_loop3A_1213 = arith.constant 0 : index
        %parallel_loop3A_1214 = tpu.vector_load %arg6[%parallel_loop3A_1212, %parallel_loop3A_1213] {strides = array<i32>} : memref<100x128xf32, #tpu.memory_space<vmem>>, vector<1x16xf32>,
        %parallel_loop3A_1215 = vector.shape_cast %parallel_loop3A_1214 : vector<1x16xf32> to vector<16xf32>
        %parallel_loop3A_1216 = arith.addf %parallel_loop3A_1204, %parallel_loop3A_1215 : vector<16xf32>
        %parallel_loop3A_1217 = arith.index_cast %parallel_loop3A_1203 : i32 to index
        %parallel_loop3A_1218 = arith.constant 16 : index
        %parallel_loop3A_1219 = tpu.vector_load %arg6[%parallel_loop3A_1217, %parallel_loop3A_1218] {strides = array<i32>} : memref<100x128xf32, #tpu.memory_space<vmem>>, vector<1x16xf32>,
        %parallel_loop3A_1220 = vector.shape_cast %parallel_loop3A_1219 : vector<1x16xf32> to vector<16xf32>
        %parallel_loop3A_1221 = arith.addf %parallel_loop3A_1205, %parallel_loop3A_1220 : vector<16xf32>
        %parallel_loop3A_1222 = arith.index_cast %parallel_loop3A_1203 : i32 to index
        %parallel_loop3A_1223 = arith.constant 32 : index
        %parallel_loop3A_1224 = tpu.vector_load %arg6[%parallel_loop3A_1222, %parallel_loop3A_1223] {strides = array<i32>} : memref<100x128xf32, #tpu.memory_space<vmem>>, vector<1x16xf32>,
        %parallel_loop3A_1225 = vector.shape_cast %parallel_loop3A_1224 : vector<1x16xf32> to vector<16xf32>
        %parallel_loop3A_1226 = arith.addf %parallel_loop3A_1206, %parallel_loop3A_1225 : vector<16xf32>
        %parallel_loop3A_1227 = arith.index_cast %parallel_loop3A_1203 : i32 to index
        %parallel_loop3A_1228 = arith.constant 48 : index
        %parallel_loop3A_1229 = tpu.vector_load %arg6[%parallel_loop3A_1227, %parallel_loop3A_1228] {strides = array<i32>} : memref<100x128xf32, #tpu.memory_space<vmem>>, vector<1x16xf32>,
        %parallel_loop3A_1230 = vector.shape_cast %parallel_loop3A_1229 : vector<1x16xf32> to vector<16xf32>
        %parallel_loop3A_1231 = arith.addf %parallel_loop3A_1207, %parallel_loop3A_1230 : vector<16xf32>
        %parallel_loop3A_1232 = arith.index_cast %parallel_loop3A_1203 : i32 to index
        %parallel_loop3A_1233 = arith.constant 64 : index
        %parallel_loop3A_1234 = tpu.vector_load %arg6[%parallel_loop3A_1232, %parallel_loop3A_1233] {strides = array<i32>} : memref<100x128xf32, #tpu.memory_space<vmem>>, vector<1x16xf32>,
        %parallel_loop3A_1235 = vector.shape_cast %parallel_loop3A_1234 : vector<1x16xf32> to vector<16xf32>
        %parallel_loop3A_1236 = arith.addf %parallel_loop3A_1208, %parallel_loop3A_1235 : vector<16xf32>
        %parallel_loop3A_1237 = arith.index_cast %parallel_loop3A_1203 : i32 to index
        %parallel_loop3A_1238 = arith.constant 80 : index
        %parallel_loop3A_1239 = tpu.vector_load %arg6[%parallel_loop3A_1237, %parallel_loop3A_1238] {strides = array<i32>} : memref<100x128xf32, #tpu.memory_space<vmem>>, vector<1x16xf32>,
        %parallel_loop3A_1240 = vector.shape_cast %parallel_loop3A_1239 : vector<1x16xf32> to vector<16xf32>
        %parallel_loop3A_1241 = arith.addf %parallel_loop3A_1209, %parallel_loop3A_1240 : vector<16xf32>
        %parallel_loop3A_1242 = arith.index_cast %parallel_loop3A_1203 : i32 to index
        %parallel_loop3A_1243 = arith.constant 96 : index
        %parallel_loop3A_1244 = tpu.vector_load %arg6[%parallel_loop3A_1242, %parallel_loop3A_1243] {strides = array<i32>} : memref<100x128xf32, #tpu.memory_space<vmem>>, vector<1x16xf32>,
        %parallel_loop3A_1245 = vector.shape_cast %parallel_loop3A_1244 : vector<1x16xf32> to vector<16xf32>
        %parallel_loop3A_1246 = arith.addf %parallel_loop3A_1210, %parallel_loop3A_1245 : vector<16xf32>
        %parallel_loop3A_1247 = arith.index_cast %parallel_loop3A_1203 : i32 to index
        %parallel_loop3A_1248 = arith.constant 112 : index
        %parallel_loop3A_1249 = tpu.vector_load %arg6[%parallel_loop3A_1247, %parallel_loop3A_1248] {strides = array<i32>} : memref<100x128xf32, #tpu.memory_space<vmem>>, vector<1x16xf32>,
        %parallel_loop3A_1250 = vector.shape_cast %parallel_loop3A_1249 : vector<1x16xf32> to vector<16xf32>
        %parallel_loop3A_1251 = arith.addf %parallel_loop3A_1211, %parallel_loop3A_1250 : vector<16xf32>
        scf.yield %parallel_loop3A_1216, %parallel_loop3A_1221, %parallel_loop3A_1226, %parallel_loop3A_1231, %parallel_loop3A_1236, %parallel_loop3A_1241, %parallel_loop3A_1246, %parallel_loop3A_1251 : vector<16xf32>, vector<16xf32>, vector<16xf32>, vector<16xf32>, vector<16xf32>, vector<16xf32>, vector<16xf32>, vector<16xf32>
      } {sc.loop_unroll_factor = 10 : i64, sc.parallel_access}
      %mul3A_515 = arith.constant 2 : i32
      %mul3A_516 = arith.muli %add3A_508, %mul3A_515 : i32
      %add3A_517 = arith.constant 0 : i32
      %add3A_518 = arith.addi %mul3A_516, %add3A_517 : i32
      %swap3A_519 = arith.index_cast %add3A_518 : i32 to index
      %swap3A_520 = arith.constant 0 : index
      %swap3A_521 = tpu.vector_load %arg10[%swap3A_519, %swap3A_520] {strides = array<i32>} : memref<128x128xf32, #tpu.memory_space<vmem>>, vector<1x16xf32>,
      %swap3A_522 = vector.shape_cast %swap3A_521 : vector<1x16xf32> to vector<16xf32>
      %swap3A_523 = vector.shape_cast %parallel_loop3A_514#0 : vector<16xf32> to vector<1x16xf32>
      tpu.vector_store %arg10[%swap3A_519, %swap3A_520], %swap3A_523 {strides = array<i32>} : memref<128x128xf32, #tpu.memory_space<vmem>>, vector<1x16xf32>,
      %mul3A_524 = arith.constant 2 : i32
      %mul3A_525 = arith.muli %add3A_508, %mul3A_524 : i32
      %add3A_526 = arith.constant 0 : i32
      %add3A_527 = arith.addi %mul3A_525, %add3A_526 : i32
      %swap3A_528 = arith.index_cast %add3A_527 : i32 to index
      %swap3A_529 = arith.constant 16 : index
      %swap3A_530 = tpu.vector_load %arg10[%swap3A_528, %swap3A_529] {strides = array<i32>} : memref<128x128xf32, #tpu.memory_space<vmem>>, vector<1x16xf32>,
      %swap3A_531 = vector.shape_cast %swap3A_530 : vector<1x16xf32> to vector<16xf32>
      %swap3A_532 = vector.shape_cast %parallel_loop3A_514#1 : vector<16xf32> to vector<1x16xf32>
      tpu.vector_store %arg10[%swap3A_528, %swap3A_529], %swap3A_532 {strides = array<i32>} : memref<128x128xf32, #tpu.memory_space<vmem>>, vector<1x16xf32>,
      %mul3A_533 = arith.constant 2 : i32
      %mul3A_534 = arith.muli %add3A_508, %mul3A_533 : i32
      %add3A_535 = arith.constant 0 : i32
      %add3A_536 = arith.addi %mul3A_534, %add3A_535 : i32
      %swap3A_537 = arith.index_cast %add3A_536 : i32 to index
      %swap3A_538 = arith.constant 32 : index
      %swap3A_539 = tpu.vector_load %arg10[%swap3A_537, %swap3A_538] {strides = array<i32>} : memref<128x128xf32, #tpu.memory_space<vmem>>, vector<1x16xf32>,
      %swap3A_540 = vector.shape_cast %swap3A_539 : vector<1x16xf32> to vector<16xf32>
      %swap3A_541 = vector.shape_cast %parallel_loop3A_514#2 : vector<16xf32> to vector<1x16xf32>
      tpu.vector_store %arg10[%swap3A_537, %swap3A_538], %swap3A_541 {strides = array<i32>} : memref<128x128xf32, #tpu.memory_space<vmem>>, vector<1x16xf32>,
      %mul3A_542 = arith.constant 2 : i32
      %mul3A_543 = arith.muli %add3A_508, %mul3A_542 : i32
      %add3A_544 = arith.constant 0 : i32
      %add3A_545 = arith.addi %mul3A_543, %add3A_544 : i32
      %swap3A_546 = arith.index_cast %add3A_545 : i32 to index
      %swap3A_547 = arith.constant 48 : index
      %swap3A_548 = tpu.vector_load %arg10[%swap3A_546, %swap3A_547] {strides = array<i32>} : memref<128x128xf32, #tpu.memory_space<vmem>>, vector<1x16xf32>,
      %swap3A_549 = vector.shape_cast %swap3A_548 : vector<1x16xf32> to vector<16xf32>
      %swap3A_550 = vector.shape_cast %parallel_loop3A_514#3 : vector<16xf32> to vector<1x16xf32>
      tpu.vector_store %arg10[%swap3A_546, %swap3A_547], %swap3A_550 {strides = array<i32>} : memref<128x128xf32, #tpu.memory_space<vmem>>, vector<1x16xf32>,
      %mul3A_551 = arith.constant 2 : i32
      %mul3A_552 = arith.muli %add3A_508, %mul3A_551 : i32
      %add3A_553 = arith.constant 0 : i32
      %add3A_554 = arith.addi %mul3A_552, %add3A_553 : i32
      %swap3A_555 = arith.index_cast %add3A_554 : i32 to index
      %swap3A_556 = arith.constant 64 : index
      %swap3A_557 = tpu.vector_load %arg10[%swap3A_555, %swap3A_556] {strides = array<i32>} : memref<128x128xf32, #tpu.memory_space<vmem>>, vector<1x16xf32>,
      %swap3A_558 = vector.shape_cast %swap3A_557 : vector<1x16xf32> to vector<16xf32>
      %swap3A_559 = vector.shape_cast %parallel_loop3A_514#4 : vector<16xf32> to vector<1x16xf32>
      tpu.vector_store %arg10[%swap3A_555, %swap3A_556], %swap3A_559 {strides = array<i32>} : memref<128x128xf32, #tpu.memory_space<vmem>>, vector<1x16xf32>,
      %mul3A_560 = arith.constant 2 : i32
      %mul3A_561 = arith.muli %add3A_508, %mul3A_560 : i32
      %add3A_562 = arith.constant 0 : i32
      %add3A_563 = arith.addi %mul3A_561, %add3A_562 : i32
      %swap3A_564 = arith.index_cast %add3A_563 : i32 to index
      %swap3A_565 = arith.constant 80 : index
      %swap3A_566 = tpu.vector_load %arg10[%swap3A_564, %swap3A_565] {strides = array<i32>} : memref<128x128xf32, #tpu.memory_space<vmem>>, vector<1x16xf32>,
      %swap3A_567 = vector.shape_cast %swap3A_566 : vector<1x16xf32> to vector<16xf32>
      %swap3A_568 = vector.shape_cast %parallel_loop3A_514#5 : vector<16xf32> to vector<1x16xf32>
      tpu.vector_store %arg10[%swap3A_564, %swap3A_565], %swap3A_568 {strides = array<i32>} : memref<128x128xf32, #tpu.memory_space<vmem>>, vector<1x16xf32>,
      %mul3A_569 = arith.constant 2 : i32
      %mul3A_570 = arith.muli %add3A_508, %mul3A_569 : i32
      %add3A_571 = arith.constant 0 : i32
      %add3A_572 = arith.addi %mul3A_570, %add3A_571 : i32
      %swap3A_573 = arith.index_cast %add3A_572 : i32 to index
      %swap3A_574 = arith.constant 96 : index
      %swap3A_575 = tpu.vector_load %arg10[%swap3A_573, %swap3A_574] {strides = array<i32>} : memref<128x128xf32, #tpu.memory_space<vmem>>, vector<1x16xf32>,
      %swap3A_576 = vector.shape_cast %swap3A_575 : vector<1x16xf32> to vector<16xf32>
      %swap3A_577 = vector.shape_cast %parallel_loop3A_514#6 : vector<16xf32> to vector<1x16xf32>
      tpu.vector_store %arg10[%swap3A_573, %swap3A_574], %swap3A_577 {strides = array<i32>} : memref<128x128xf32, #tpu.memory_space<vmem>>, vector<1x16xf32>,
      %mul3A_578 = arith.constant 2 : i32
      %mul3A_579 = arith.muli %add3A_508, %mul3A_578 : i32
      %add3A_580 = arith.constant 0 : i32
      %add3A_581 = arith.addi %mul3A_579, %add3A_580 : i32
      %swap3A_582 = arith.index_cast %add3A_581 : i32 to index
      %swap3A_583 = arith.constant 112 : index
      %swap3A_584 = tpu.vector_load %arg10[%swap3A_582, %swap3A_583] {strides = array<i32>} : memref<128x128xf32, #tpu.memory_space<vmem>>, vector<1x16xf32>,
      %swap3A_585 = vector.shape_cast %swap3A_584 : vector<1x16xf32> to vector<16xf32>
      %swap3A_586 = vector.shape_cast %parallel_loop3A_514#7 : vector<16xf32> to vector<1x16xf32>
      tpu.vector_store %arg10[%swap3A_582, %swap3A_583], %swap3A_586 {strides = array<i32>} : memref<128x128xf32, #tpu.memory_space<vmem>>, vector<1x16xf32>,
      %broadcast_in_dim3A_587 = arith.constant 0.000000e+00 : f32
      %broadcast_in_dim3A_588 = vector.broadcast %broadcast_in_dim3A_587 : f32 to vector<16xf32>
      %parallel_loop3A_589 = arith.constant 50 : i32
      %parallel_loop3A_590 = arith.constant 100 : i32
      %parallel_loop3A_591 = arith.constant 1 : i32
      %parallel_loop3A_592:8 = scf.for %parallel_loop3A_1203 = %parallel_loop3A_589 to %parallel_loop3A_590 step %parallel_loop3A_591 iter_args(%parallel_loop3A_1204 = %broadcast_in_dim3A_588, %parallel_loop3A_1205 = %broadcast_in_dim3A_588, %parallel_loop3A_1206 = %broadcast_in_dim3A_588, %parallel_loop3A_1207 = %broadcast_in_dim3A_588, %parallel_loop3A_1208 = %broadcast_in_dim3A_588, %parallel_loop3A_1209 = %broadcast_in_dim3A_588, %parallel_loop3A_1210 = %broadcast_in_dim3A_588, %parallel_loop3A_1211 = %broadcast_in_dim3A_588) -> (vector<16xf32>, vector<16xf32>, vector<16xf32>, vector<16xf32>, vector<16xf32>, vector<16xf32>, vector<16xf32>, vector<16xf32>)  : i32 {
        %parallel_loop3A_1212 = arith.index_cast %parallel_loop3A_1203 : i32 to index
        %parallel_loop3A_1213 = arith.constant 0 : index
        %parallel_loop3A_1214 = tpu.vector_load %arg6[%parallel_loop3A_1212, %parallel_loop3A_1213] {strides = array<i32>} : memref<100x128xf32, #tpu.memory_space<vmem>>, vector<1x16xf32>,
        %parallel_loop3A_1215 = vector.shape_cast %parallel_loop3A_1214 : vector<1x16xf32> to vector<16xf32>
        %parallel_loop3A_1216 = arith.addf %parallel_loop3A_1204, %parallel_loop3A_1215 : vector<16xf32>
        %parallel_loop3A_1217 = arith.index_cast %parallel_loop3A_1203 : i32 to index
        %parallel_loop3A_1218 = arith.constant 16 : index
        %parallel_loop3A_1219 = tpu.vector_load %arg6[%parallel_loop3A_1217, %parallel_loop3A_1218] {strides = array<i32>} : memref<100x128xf32, #tpu.memory_space<vmem>>, vector<1x16xf32>,
        %parallel_loop3A_1220 = vector.shape_cast %parallel_loop3A_1219 : vector<1x16xf32> to vector<16xf32>
        %parallel_loop3A_1221 = arith.addf %parallel_loop3A_1205, %parallel_loop3A_1220 : vector<16xf32>
        %parallel_loop3A_1222 = arith.index_cast %parallel_loop3A_1203 : i32 to index
        %parallel_loop3A_1223 = arith.constant 32 : index
        %parallel_loop3A_1224 = tpu.vector_load %arg6[%parallel_loop3A_1222, %parallel_loop3A_1223] {strides = array<i32>} : memref<100x128xf32, #tpu.memory_space<vmem>>, vector<1x16xf32>,
        %parallel_loop3A_1225 = vector.shape_cast %parallel_loop3A_1224 : vector<1x16xf32> to vector<16xf32>
        %parallel_loop3A_1226 = arith.addf %parallel_loop3A_1206, %parallel_loop3A_1225 : vector<16xf32>
        %parallel_loop3A_1227 = arith.index_cast %parallel_loop3A_1203 : i32 to index
        %parallel_loop3A_1228 = arith.constant 48 : index
        %parallel_loop3A_1229 = tpu.vector_load %arg6[%parallel_loop3A_1227, %parallel_loop3A_1228] {strides = array<i32>} : memref<100x128xf32, #tpu.memory_space<vmem>>, vector<1x16xf32>,
        %parallel_loop3A_1230 = vector.shape_cast %parallel_loop3A_1229 : vector<1x16xf32> to vector<16xf32>
        %parallel_loop3A_1231 = arith.addf %parallel_loop3A_1207, %parallel_loop3A_1230 : vector<16xf32>
        %parallel_loop3A_1232 = arith.index_cast %parallel_loop3A_1203 : i32 to index
        %parallel_loop3A_1233 = arith.constant 64 : index
        %parallel_loop3A_1234 = tpu.vector_load %arg6[%parallel_loop3A_1232, %parallel_loop3A_1233] {strides = array<i32>} : memref<100x128xf32, #tpu.memory_space<vmem>>, vector<1x16xf32>,
        %parallel_loop3A_1235 = vector.shape_cast %parallel_loop3A_1234 : vector<1x16xf32> to vector<16xf32>
        %parallel_loop3A_1236 = arith.addf %parallel_loop3A_1208, %parallel_loop3A_1235 : vector<16xf32>
        %parallel_loop3A_1237 = arith.index_cast %parallel_loop3A_1203 : i32 to index
        %parallel_loop3A_1238 = arith.constant 80 : index
        %parallel_loop3A_1239 = tpu.vector_load %arg6[%parallel_loop3A_1237, %parallel_loop3A_1238] {strides = array<i32>} : memref<100x128xf32, #tpu.memory_space<vmem>>, vector<1x16xf32>,
        %parallel_loop3A_1240 = vector.shape_cast %parallel_loop3A_1239 : vector<1x16xf32> to vector<16xf32>
        %parallel_loop3A_1241 = arith.addf %parallel_loop3A_1209, %parallel_loop3A_1240 : vector<16xf32>
        %parallel_loop3A_1242 = arith.index_cast %parallel_loop3A_1203 : i32 to index
        %parallel_loop3A_1243 = arith.constant 96 : index
        %parallel_loop3A_1244 = tpu.vector_load %arg6[%parallel_loop3A_1242, %parallel_loop3A_1243] {strides = array<i32>} : memref<100x128xf32, #tpu.memory_space<vmem>>, vector<1x16xf32>,
        %parallel_loop3A_1245 = vector.shape_cast %parallel_loop3A_1244 : vector<1x16xf32> to vector<16xf32>
        %parallel_loop3A_1246 = arith.addf %parallel_loop3A_1210, %parallel_loop3A_1245 : vector<16xf32>
        %parallel_loop3A_1247 = arith.index_cast %parallel_loop3A_1203 : i32 to index
        %parallel_loop3A_1248 = arith.constant 112 : index
        %parallel_loop3A_1249 = tpu.vector_load %arg6[%parallel_loop3A_1247, %parallel_loop3A_1248] {strides = array<i32>} : memref<100x128xf32, #tpu.memory_space<vmem>>, vector<1x16xf32>,
        %parallel_loop3A_1250 = vector.shape_cast %parallel_loop3A_1249 : vector<1x16xf32> to vector<16xf32>
        %parallel_loop3A_1251 = arith.addf %parallel_loop3A_1211, %parallel_loop3A_1250 : vector<16xf32>
        scf.yield %parallel_loop3A_1216, %parallel_loop3A_1221, %parallel_loop3A_1226, %parallel_loop3A_1231, %parallel_loop3A_1236, %parallel_loop3A_1241, %parallel_loop3A_1246, %parallel_loop3A_1251 : vector<16xf32>, vector<16xf32>, vector<16xf32>, vector<16xf32>, vector<16xf32>, vector<16xf32>, vector<16xf32>, vector<16xf32>
      } {sc.loop_unroll_factor = 10 : i64, sc.parallel_access}
      %mul3A_593 = arith.constant 2 : i32
      %mul3A_594 = arith.muli %add3A_508, %mul3A_593 : i32
      %add3A_595 = arith.constant 1 : i32
      %add3A_596 = arith.addi %mul3A_594, %add3A_595 : i32
      %swap3A_597 = arith.index_cast %add3A_596 : i32 to index
      %swap3A_598 = arith.constant 0 : index
      %swap3A_599 = tpu.vector_load %arg10[%swap3A_597, %swap3A_598] {strides = array<i32>} : memref<128x128xf32, #tpu.memory_space<vmem>>, vector<1x16xf32>,
      %swap3A_600 = vector.shape_cast %swap3A_599 : vector<1x16xf32> to vector<16xf32>
      %swap3A_601 = vector.shape_cast %parallel_loop3A_592#0 : vector<16xf32> to vector<1x16xf32>
      tpu.vector_store %arg10[%swap3A_597, %swap3A_598], %swap3A_601 {strides = array<i32>} : memref<128x128xf32, #tpu.memory_space<vmem>>, vector<1x16xf32>,
      %mul3A_602 = arith.constant 2 : i32
      %mul3A_603 = arith.muli %add3A_508, %mul3A_602 : i32
      %add3A_604 = arith.constant 1 : i32
      %add3A_605 = arith.addi %mul3A_603, %add3A_604 : i32
      %swap3A_606 = arith.index_cast %add3A_605 : i32 to index
      %swap3A_607 = arith.constant 16 : index
      %swap3A_608 = tpu.vector_load %arg10[%swap3A_606, %swap3A_607] {strides = array<i32>} : memref<128x128xf32, #tpu.memory_space<vmem>>, vector<1x16xf32>,
      %swap3A_609 = vector.shape_cast %swap3A_608 : vector<1x16xf32> to vector<16xf32>
      %swap3A_610 = vector.shape_cast %parallel_loop3A_592#1 : vector<16xf32> to vector<1x16xf32>
      tpu.vector_store %arg10[%swap3A_606, %swap3A_607], %swap3A_610 {strides = array<i32>} : memref<128x128xf32, #tpu.memory_space<vmem>>, vector<1x16xf32>,
      %mul3A_611 = arith.constant 2 : i32
      %mul3A_612 = arith.muli %add3A_508, %mul3A_611 : i32
      %add3A_613 = arith.constant 1 : i32
      %add3A_614 = arith.addi %mul3A_612, %add3A_613 : i32
      %swap3A_615 = arith.index_cast %add3A_614 : i32 to index
      %swap3A_616 = arith.constant 32 : index
      %swap3A_617 = tpu.vector_load %arg10[%swap3A_615, %swap3A_616] {strides = array<i32>} : memref<128x128xf32, #tpu.memory_space<vmem>>, vector<1x16xf32>,
      %swap3A_618 = vector.shape_cast %swap3A_617 : vector<1x16xf32> to vector<16xf32>
      %swap3A_619 = vector.shape_cast %parallel_loop3A_592#2 : vector<16xf32> to vector<1x16xf32>
      tpu.vector_store %arg10[%swap3A_615, %swap3A_616], %swap3A_619 {strides = array<i32>} : memref<128x128xf32, #tpu.memory_space<vmem>>, vector<1x16xf32>,
      %mul3A_620 = arith.constant 2 : i32
      %mul3A_621 = arith.muli %add3A_508, %mul3A_620 : i32
      %add3A_622 = arith.constant 1 : i32
      %add3A_623 = arith.addi %mul3A_621, %add3A_622 : i32
      %swap3A_624 = arith.index_cast %add3A_623 : i32 to index
      %swap3A_625 = arith.constant 48 : index
      %swap3A_626 = tpu.vector_load %arg10[%swap3A_624, %swap3A_625] {strides = array<i32>} : memref<128x128xf32, #tpu.memory_space<vmem>>, vector<1x16xf32>,
      %swap3A_627 = vector.shape_cast %swap3A_626 : vector<1x16xf32> to vector<16xf32>
      %swap3A_628 = vector.shape_cast %parallel_loop3A_592#3 : vector<16xf32> to vector<1x16xf32>
      tpu.vector_store %arg10[%swap3A_624, %swap3A_625], %swap3A_628 {strides = array<i32>} : memref<128x128xf32, #tpu.memory_space<vmem>>, vector<1x16xf32>,
      %mul3A_629 = arith.constant 2 : i32
      %mul3A_630 = arith.muli %add3A_508, %mul3A_629 : i32
      %add3A_631 = arith.constant 1 : i32
      %add3A_632 = arith.addi %mul3A_630, %add3A_631 : i32
      %swap3A_633 = arith.index_cast %add3A_632 : i32 to index
      %swap3A_634 = arith.constant 64 : index
      %swap3A_635 = tpu.vector_load %arg10[%swap3A_633, %swap3A_634] {strides = array<i32>} : memref<128x128xf32, #tpu.memory_space<vmem>>, vector<1x16xf32>,
      %swap3A_636 = vector.shape_cast %swap3A_635 : vector<1x16xf32> to vector<16xf32>
      %swap3A_637 = vector.shape_cast %parallel_loop3A_592#4 : vector<16xf32> to vector<1x16xf32>
      tpu.vector_store %arg10[%swap3A_633, %swap3A_634], %swap3A_637 {strides = array<i32>} : memref<128x128xf32, #tpu.memory_space<vmem>>, vector<1x16xf32>,
      %mul3A_638 = arith.constant 2 : i32
      %mul3A_639 = arith.muli %add3A_508, %mul3A_638 : i32
      %add3A_640 = arith.constant 1 : i32
      %add3A_641 = arith.addi %mul3A_639, %add3A_640 : i32
      %swap3A_642 = arith.index_cast %add3A_641 : i32 to index
      %swap3A_643 = arith.constant 80 : index
      %swap3A_644 = tpu.vector_load %arg10[%swap3A_642, %swap3A_643] {strides = array<i32>} : memref<128x128xf32, #tpu.memory_space<vmem>>, vector<1x16xf32>,
      %swap3A_645 = vector.shape_cast %swap3A_644 : vector<1x16xf32> to vector<16xf32>
      %swap3A_646 = vector.shape_cast %parallel_loop3A_592#5 : vector<16xf32> to vector<1x16xf32>
      tpu.vector_store %arg10[%swap3A_642, %swap3A_643], %swap3A_646 {strides = array<i32>} : memref<128x128xf32, #tpu.memory_space<vmem>>, vector<1x16xf32>,
      %mul3A_647 = arith.constant 2 : i32
      %mul3A_648 = arith.muli %add3A_508, %mul3A_647 : i32
      %add3A_649 = arith.constant 1 : i32
      %add3A_650 = arith.addi %mul3A_648, %add3A_649 : i32
      %swap3A_651 = arith.index_cast %add3A_650 : i32 to index
      %swap3A_652 = arith.constant 96 : index
      %swap3A_653 = tpu.vector_load %arg10[%swap3A_651, %swap3A_652] {strides = array<i32>} : memref<128x128xf32, #tpu.memory_space<vmem>>, vector<1x16xf32>,
      %swap3A_654 = vector.shape_cast %swap3A_653 : vector<1x16xf32> to vector<16xf32>
      %swap3A_655 = vector.shape_cast %parallel_loop3A_592#6 : vector<16xf32> to vector<1x16xf32>
      tpu.vector_store %arg10[%swap3A_651, %swap3A_652], %swap3A_655 {strides = array<i32>} : memref<128x128xf32, #tpu.memory_space<vmem>>, vector<1x16xf32>,
      %mul3A_656 = arith.constant 2 : i32
      %mul3A_657 = arith.muli %add3A_508, %mul3A_656 : i32
      %add3A_658 = arith.constant 1 : i32
      %add3A_659 = arith.addi %mul3A_657, %add3A_658 : i32
      %swap3A_660 = arith.index_cast %add3A_659 : i32 to index
      %swap3A_661 = arith.constant 112 : index
      %swap3A_662 = tpu.vector_load %arg10[%swap3A_660, %swap3A_661] {strides = array<i32>} : memref<128x128xf32, #tpu.memory_space<vmem>>, vector<1x16xf32>,
      %swap3A_663 = vector.shape_cast %swap3A_662 : vector<1x16xf32> to vector<16xf32>
      %swap3A_664 = vector.shape_cast %parallel_loop3A_592#7 : vector<16xf32> to vector<1x16xf32>
      tpu.vector_store %arg10[%swap3A_660, %swap3A_661], %swap3A_664 {strides = array<i32>} : memref<128x128xf32, #tpu.memory_space<vmem>>, vector<1x16xf32>,
      %add3A_665 = arith.constant 0 : i32
      %add3A_666 = arith.addi %mul3A_498, %add3A_665 : i32
      %add3A_667 = arith.constant 4 : i32
      %add3A_668 = arith.addi %add3A_666, %add3A_667 : i32
      %dma_start3A_669 = arith.constant 0 : i32
      %dma_start3A_670 = tpu.memref_slice %arg5[%add3A_668, %dma_start3A_669] : memref<64x100xi32, #tpu.memory_space<vmem>> -> memref<1x100xi32, #tpu.memory_space<vmem>>
      %dma_start3A_671 = tpu.memref_squeeze %dma_start3A_670 : memref<1x100xi32, #tpu.memory_space<vmem>> -> memref<100xi32, #tpu.memory_space<vmem>>
      %dma_start3A_672 = arith.constant 0 : i32
      %dma_start3A_673 = arith.constant 0 : i32
      %dma_start3A_674 = tpu.memref_slice %arg2[%dma_start3A_672, %dma_start3A_673] : memref<100000x128xf32, #tpu.memory_space<hbm>> -> memref<100000x128xf32, #tpu.memory_space<hbm>>
      tpu.enqueue_indirect_dma source(%dma_start3A_674 : memref<100000x128xf32, #tpu.memory_space<hbm>>) target(%arg6 : memref<100x128xf32, #tpu.memory_space<vmem>>) offsets(%dma_start3A_671 : memref<100xi32, #tpu.memory_space<vmem>>) semaphore(%arg11 : memref<!tpu.dma_semaphore, #tpu.memory_space<semaphore_mem>>)
      %add3A_675 = arith.constant 1 : i32
      %add3A_676 = arith.addi %mul3A_498, %add3A_675 : i32
      %dma_wait3A_677 = arith.constant 0 : i32
      %dma_wait3A_678 = tpu.memref_slice %arg5[%add3A_676, %dma_wait3A_677] : memref<64x100xi32, #tpu.memory_space<vmem>> -> memref<1x100xi32, #tpu.memory_space<vmem>>
      %dma_wait3A_679 = tpu.memref_squeeze %dma_wait3A_678 : memref<1x100xi32, #tpu.memory_space<vmem>> -> memref<100xi32, #tpu.memory_space<vmem>>
      %dma_wait3A_680 = arith.constant 0 : i32
      %dma_wait3A_681 = arith.constant 0 : i32
      %dma_wait3A_682 = tpu.memref_slice %arg2[%dma_wait3A_680, %dma_wait3A_681] : memref<100000x128xf32, #tpu.memory_space<hbm>> -> memref<100000x128xf32, #tpu.memory_space<hbm>>
      tpu.wait_indirect_dma semaphore(%arg12 : memref<!tpu.dma_semaphore, #tpu.memory_space<semaphore_mem>>) src(%dma_wait3A_682 : memref<100000x128xf32, #tpu.memory_space<hbm>>) dst(%arg7 : memref<100x128xf32, #tpu.memory_space<vmem>>)
      %add3A_683 = arith.constant 1 : i32
      %add3A_684 = arith.addi %mul3A_498, %add3A_683 : i32
      %broadcast_in_dim3A_685 = arith.constant 0.000000e+00 : f32
      %broadcast_in_dim3A_686 = vector.broadcast %broadcast_in_dim3A_685 : f32 to vector<16xf32>
      %parallel_loop3A_687 = arith.constant 0 : i32
      %parallel_loop3A_688 = arith.constant 50 : i32
      %parallel_loop3A_689 = arith.constant 1 : i32
      %parallel_loop3A_690:8 = scf.for %parallel_loop3A_1203 = %parallel_loop3A_687 to %parallel_loop3A_688 step %parallel_loop3A_689 iter_args(%parallel_loop3A_1204 = %broadcast_in_dim3A_686, %parallel_loop3A_1205 = %broadcast_in_dim3A_686, %parallel_loop3A_1206 = %broadcast_in_dim3A_686, %parallel_loop3A_1207 = %broadcast_in_dim3A_686, %parallel_loop3A_1208 = %broadcast_in_dim3A_686, %parallel_loop3A_1209 = %broadcast_in_dim3A_686, %parallel_loop3A_1210 = %broadcast_in_dim3A_686, %parallel_loop3A_1211 = %broadcast_in_dim3A_686) -> (vector<16xf32>, vector<16xf32>, vector<16xf32>, vector<16xf32>, vector<16xf32>, vector<16xf32>, vector<16xf32>, vector<16xf32>)  : i32 {
        %parallel_loop3A_1212 = arith.index_cast %parallel_loop3A_1203 : i32 to index
        %parallel_loop3A_1213 = arith.constant 0 : index
        %parallel_loop3A_1214 = tpu.vector_load %arg7[%parallel_loop3A_1212, %parallel_loop3A_1213] {strides = array<i32>} : memref<100x128xf32, #tpu.memory_space<vmem>>, vector<1x16xf32>,
        %parallel_loop3A_1215 = vector.shape_cast %parallel_loop3A_1214 : vector<1x16xf32> to vector<16xf32>
        %parallel_loop3A_1216 = arith.addf %parallel_loop3A_1204, %parallel_loop3A_1215 : vector<16xf32>
        %parallel_loop3A_1217 = arith.index_cast %parallel_loop3A_1203 : i32 to index
        %parallel_loop3A_1218 = arith.constant 16 : index
        %parallel_loop3A_1219 = tpu.vector_load %arg7[%parallel_loop3A_1217, %parallel_loop3A_1218] {strides = array<i32>} : memref<100x128xf32, #tpu.memory_space<vmem>>, vector<1x16xf32>,
        %parallel_loop3A_1220 = vector.shape_cast %parallel_loop3A_1219 : vector<1x16xf32> to vector<16xf32>
        %parallel_loop3A_1221 = arith.addf %parallel_loop3A_1205, %parallel_loop3A_1220 : vector<16xf32>
        %parallel_loop3A_1222 = arith.index_cast %parallel_loop3A_1203 : i32 to index
        %parallel_loop3A_1223 = arith.constant 32 : index
        %parallel_loop3A_1224 = tpu.vector_load %arg7[%parallel_loop3A_1222, %parallel_loop3A_1223] {strides = array<i32>} : memref<100x128xf32, #tpu.memory_space<vmem>>, vector<1x16xf32>,
        %parallel_loop3A_1225 = vector.shape_cast %parallel_loop3A_1224 : vector<1x16xf32> to vector<16xf32>
        %parallel_loop3A_1226 = arith.addf %parallel_loop3A_1206, %parallel_loop3A_1225 : vector<16xf32>
        %parallel_loop3A_1227 = arith.index_cast %parallel_loop3A_1203 : i32 to index
        %parallel_loop3A_1228 = arith.constant 48 : index
        %parallel_loop3A_1229 = tpu.vector_load %arg7[%parallel_loop3A_1227, %parallel_loop3A_1228] {strides = array<i32>} : memref<100x128xf32, #tpu.memory_space<vmem>>, vector<1x16xf32>,
        %parallel_loop3A_1230 = vector.shape_cast %parallel_loop3A_1229 : vector<1x16xf32> to vector<16xf32>
        %parallel_loop3A_1231 = arith.addf %parallel_loop3A_1207, %parallel_loop3A_1230 : vector<16xf32>
        %parallel_loop3A_1232 = arith.index_cast %parallel_loop3A_1203 : i32 to index
        %parallel_loop3A_1233 = arith.constant 64 : index
        %parallel_loop3A_1234 = tpu.vector_load %arg7[%parallel_loop3A_1232, %parallel_loop3A_1233] {strides = array<i32>} : memref<100x128xf32, #tpu.memory_space<vmem>>, vector<1x16xf32>,
        %parallel_loop3A_1235 = vector.shape_cast %parallel_loop3A_1234 : vector<1x16xf32> to vector<16xf32>
        %parallel_loop3A_1236 = arith.addf %parallel_loop3A_1208, %parallel_loop3A_1235 : vector<16xf32>
        %parallel_loop3A_1237 = arith.index_cast %parallel_loop3A_1203 : i32 to index
        %parallel_loop3A_1238 = arith.constant 80 : index
        %parallel_loop3A_1239 = tpu.vector_load %arg7[%parallel_loop3A_1237, %parallel_loop3A_1238] {strides = array<i32>} : memref<100x128xf32, #tpu.memory_space<vmem>>, vector<1x16xf32>,
        %parallel_loop3A_1240 = vector.shape_cast %parallel_loop3A_1239 : vector<1x16xf32> to vector<16xf32>
        %parallel_loop3A_1241 = arith.addf %parallel_loop3A_1209, %parallel_loop3A_1240 : vector<16xf32>
        %parallel_loop3A_1242 = arith.index_cast %parallel_loop3A_1203 : i32 to index
        %parallel_loop3A_1243 = arith.constant 96 : index
        %parallel_loop3A_1244 = tpu.vector_load %arg7[%parallel_loop3A_1242, %parallel_loop3A_1243] {strides = array<i32>} : memref<100x128xf32, #tpu.memory_space<vmem>>, vector<1x16xf32>,
        %parallel_loop3A_1245 = vector.shape_cast %parallel_loop3A_1244 : vector<1x16xf32> to vector<16xf32>
        %parallel_loop3A_1246 = arith.addf %parallel_loop3A_1210, %parallel_loop3A_1245 : vector<16xf32>
        %parallel_loop3A_1247 = arith.index_cast %parallel_loop3A_1203 : i32 to index
        %parallel_loop3A_1248 = arith.constant 112 : index
        %parallel_loop3A_1249 = tpu.vector_load %arg7[%parallel_loop3A_1247, %parallel_loop3A_1248] {strides = array<i32>} : memref<100x128xf32, #tpu.memory_space<vmem>>, vector<1x16xf32>,
        %parallel_loop3A_1250 = vector.shape_cast %parallel_loop3A_1249 : vector<1x16xf32> to vector<16xf32>
        %parallel_loop3A_1251 = arith.addf %parallel_loop3A_1211, %parallel_loop3A_1250 : vector<16xf32>
        scf.yield %parallel_loop3A_1216, %parallel_loop3A_1221, %parallel_loop3A_1226, %parallel_loop3A_1231, %parallel_loop3A_1236, %parallel_loop3A_1241, %parallel_loop3A_1246, %parallel_loop3A_1251 : vector<16xf32>, vector<16xf32>, vector<16xf32>, vector<16xf32>, vector<16xf32>, vector<16xf32>, vector<16xf32>, vector<16xf32>
      } {sc.loop_unroll_factor = 10 : i64, sc.parallel_access}
      %mul3A_691 = arith.constant 2 : i32
      %mul3A_692 = arith.muli %add3A_684, %mul3A_691 : i32
      %add3A_693 = arith.constant 0 : i32
      %add3A_694 = arith.addi %mul3A_692, %add3A_693 : i32
      %swap3A_695 = arith.index_cast %add3A_694 : i32 to index
      %swap3A_696 = arith.constant 0 : index
      %swap3A_697 = tpu.vector_load %arg10[%swap3A_695, %swap3A_696] {strides = array<i32>} : memref<128x128xf32, #tpu.memory_space<vmem>>, vector<1x16xf32>,
      %swap3A_698 = vector.shape_cast %swap3A_697 : vector<1x16xf32> to vector<16xf32>
      %swap3A_699 = vector.shape_cast %parallel_loop3A_690#0 : vector<16xf32> to vector<1x16xf32>
      tpu.vector_store %arg10[%swap3A_695, %swap3A_696], %swap3A_699 {strides = array<i32>} : memref<128x128xf32, #tpu.memory_space<vmem>>, vector<1x16xf32>,
      %mul3A_700 = arith.constant 2 : i32
      %mul3A_701 = arith.muli %add3A_684, %mul3A_700 : i32
      %add3A_702 = arith.constant 0 : i32
      %add3A_703 = arith.addi %mul3A_701, %add3A_702 : i32
      %swap3A_704 = arith.index_cast %add3A_703 : i32 to index
      %swap3A_705 = arith.constant 16 : index
      %swap3A_706 = tpu.vector_load %arg10[%swap3A_704, %swap3A_705] {strides = array<i32>} : memref<128x128xf32, #tpu.memory_space<vmem>>, vector<1x16xf32>,
      %swap3A_707 = vector.shape_cast %swap3A_706 : vector<1x16xf32> to vector<16xf32>
      %swap3A_708 = vector.shape_cast %parallel_loop3A_690#1 : vector<16xf32> to vector<1x16xf32>
      tpu.vector_store %arg10[%swap3A_704, %swap3A_705], %swap3A_708 {strides = array<i32>} : memref<128x128xf32, #tpu.memory_space<vmem>>, vector<1x16xf32>,
      %mul3A_709 = arith.constant 2 : i32
      %mul3A_710 = arith.muli %add3A_684, %mul3A_709 : i32
      %add3A_711 = arith.constant 0 : i32
      %add3A_712 = arith.addi %mul3A_710, %add3A_711 : i32
      %swap3A_713 = arith.index_cast %add3A_712 : i32 to index
      %swap3A_714 = arith.constant 32 : index
      %swap3A_715 = tpu.vector_load %arg10[%swap3A_713, %swap3A_714] {strides = array<i32>} : memref<128x128xf32, #tpu.memory_space<vmem>>, vector<1x16xf32>,
      %swap3A_716 = vector.shape_cast %swap3A_715 : vector<1x16xf32> to vector<16xf32>
      %swap3A_717 = vector.shape_cast %parallel_loop3A_690#2 : vector<16xf32> to vector<1x16xf32>
      tpu.vector_store %arg10[%swap3A_713, %swap3A_714], %swap3A_717 {strides = array<i32>} : memref<128x128xf32, #tpu.memory_space<vmem>>, vector<1x16xf32>,
      %mul3A_718 = arith.constant 2 : i32
      %mul3A_719 = arith.muli %add3A_684, %mul3A_718 : i32
      %add3A_720 = arith.constant 0 : i32
      %add3A_721 = arith.addi %mul3A_719, %add3A_720 : i32
      %swap3A_722 = arith.index_cast %add3A_721 : i32 to index
      %swap3A_723 = arith.constant 48 : index
      %swap3A_724 = tpu.vector_load %arg10[%swap3A_722, %swap3A_723] {strides = array<i32>} : memref<128x128xf32, #tpu.memory_space<vmem>>, vector<1x16xf32>,
      %swap3A_725 = vector.shape_cast %swap3A_724 : vector<1x16xf32> to vector<16xf32>
      %swap3A_726 = vector.shape_cast %parallel_loop3A_690#3 : vector<16xf32> to vector<1x16xf32>
      tpu.vector_store %arg10[%swap3A_722, %swap3A_723], %swap3A_726 {strides = array<i32>} : memref<128x128xf32, #tpu.memory_space<vmem>>, vector<1x16xf32>,
      %mul3A_727 = arith.constant 2 : i32
      %mul3A_728 = arith.muli %add3A_684, %mul3A_727 : i32
      %add3A_729 = arith.constant 0 : i32
      %add3A_730 = arith.addi %mul3A_728, %add3A_729 : i32
      %swap3A_731 = arith.index_cast %add3A_730 : i32 to index
      %swap3A_732 = arith.constant 64 : index
      %swap3A_733 = tpu.vector_load %arg10[%swap3A_731, %swap3A_732] {strides = array<i32>} : memref<128x128xf32, #tpu.memory_space<vmem>>, vector<1x16xf32>,
      %swap3A_734 = vector.shape_cast %swap3A_733 : vector<1x16xf32> to vector<16xf32>
      %swap3A_735 = vector.shape_cast %parallel_loop3A_690#4 : vector<16xf32> to vector<1x16xf32>
      tpu.vector_store %arg10[%swap3A_731, %swap3A_732], %swap3A_735 {strides = array<i32>} : memref<128x128xf32, #tpu.memory_space<vmem>>, vector<1x16xf32>,
      %mul3A_736 = arith.constant 2 : i32
      %mul3A_737 = arith.muli %add3A_684, %mul3A_736 : i32
      %add3A_738 = arith.constant 0 : i32
      %add3A_739 = arith.addi %mul3A_737, %add3A_738 : i32
      %swap3A_740 = arith.index_cast %add3A_739 : i32 to index
      %swap3A_741 = arith.constant 80 : index
      %swap3A_742 = tpu.vector_load %arg10[%swap3A_740, %swap3A_741] {strides = array<i32>} : memref<128x128xf32, #tpu.memory_space<vmem>>, vector<1x16xf32>,
      %swap3A_743 = vector.shape_cast %swap3A_742 : vector<1x16xf32> to vector<16xf32>
      %swap3A_744 = vector.shape_cast %parallel_loop3A_690#5 : vector<16xf32> to vector<1x16xf32>
      tpu.vector_store %arg10[%swap3A_740, %swap3A_741], %swap3A_744 {strides = array<i32>} : memref<128x128xf32, #tpu.memory_space<vmem>>, vector<1x16xf32>,
      %mul3A_745 = arith.constant 2 : i32
      %mul3A_746 = arith.muli %add3A_684, %mul3A_745 : i32
      %add3A_747 = arith.constant 0 : i32
      %add3A_748 = arith.addi %mul3A_746, %add3A_747 : i32
      %swap3A_749 = arith.index_cast %add3A_748 : i32 to index
      %swap3A_750 = arith.constant 96 : index
      %swap3A_751 = tpu.vector_load %arg10[%swap3A_749, %swap3A_750] {strides = array<i32>} : memref<128x128xf32, #tpu.memory_space<vmem>>, vector<1x16xf32>,
      %swap3A_752 = vector.shape_cast %swap3A_751 : vector<1x16xf32> to vector<16xf32>
      %swap3A_753 = vector.shape_cast %parallel_loop3A_690#6 : vector<16xf32> to vector<1x16xf32>
      tpu.vector_store %arg10[%swap3A_749, %swap3A_750], %swap3A_753 {strides = array<i32>} : memref<128x128xf32, #tpu.memory_space<vmem>>, vector<1x16xf32>,
      %mul3A_754 = arith.constant 2 : i32
      %mul3A_755 = arith.muli %add3A_684, %mul3A_754 : i32
      %add3A_756 = arith.constant 0 : i32
      %add3A_757 = arith.addi %mul3A_755, %add3A_756 : i32
      %swap3A_758 = arith.index_cast %add3A_757 : i32 to index
      %swap3A_759 = arith.constant 112 : index
      %swap3A_760 = tpu.vector_load %arg10[%swap3A_758, %swap3A_759] {strides = array<i32>} : memref<128x128xf32, #tpu.memory_space<vmem>>, vector<1x16xf32>,
      %swap3A_761 = vector.shape_cast %swap3A_760 : vector<1x16xf32> to vector<16xf32>
      %swap3A_762 = vector.shape_cast %parallel_loop3A_690#7 : vector<16xf32> to vector<1x16xf32>
      tpu.vector_store %arg10[%swap3A_758, %swap3A_759], %swap3A_762 {strides = array<i32>} : memref<128x128xf32, #tpu.memory_space<vmem>>, vector<1x16xf32>,
      %broadcast_in_dim3A_763 = arith.constant 0.000000e+00 : f32
      %broadcast_in_dim3A_764 = vector.broadcast %broadcast_in_dim3A_763 : f32 to vector<16xf32>
      %parallel_loop3A_765 = arith.constant 50 : i32
      %parallel_loop3A_766 = arith.constant 100 : i32
      %parallel_loop3A_767 = arith.constant 1 : i32
      %parallel_loop3A_768:8 = scf.for %parallel_loop3A_1203 = %parallel_loop3A_765 to %parallel_loop3A_766 step %parallel_loop3A_767 iter_args(%parallel_loop3A_1204 = %broadcast_in_dim3A_764, %parallel_loop3A_1205 = %broadcast_in_dim3A_764, %parallel_loop3A_1206 = %broadcast_in_dim3A_764, %parallel_loop3A_1207 = %broadcast_in_dim3A_764, %parallel_loop3A_1208 = %broadcast_in_dim3A_764, %parallel_loop3A_1209 = %broadcast_in_dim3A_764, %parallel_loop3A_1210 = %broadcast_in_dim3A_764, %parallel_loop3A_1211 = %broadcast_in_dim3A_764) -> (vector<16xf32>, vector<16xf32>, vector<16xf32>, vector<16xf32>, vector<16xf32>, vector<16xf32>, vector<16xf32>, vector<16xf32>)  : i32 {
        %parallel_loop3A_1212 = arith.index_cast %parallel_loop3A_1203 : i32 to index
        %parallel_loop3A_1213 = arith.constant 0 : index
        %parallel_loop3A_1214 = tpu.vector_load %arg7[%parallel_loop3A_1212, %parallel_loop3A_1213] {strides = array<i32>} : memref<100x128xf32, #tpu.memory_space<vmem>>, vector<1x16xf32>,
        %parallel_loop3A_1215 = vector.shape_cast %parallel_loop3A_1214 : vector<1x16xf32> to vector<16xf32>
        %parallel_loop3A_1216 = arith.addf %parallel_loop3A_1204, %parallel_loop3A_1215 : vector<16xf32>
        %parallel_loop3A_1217 = arith.index_cast %parallel_loop3A_1203 : i32 to index
        %parallel_loop3A_1218 = arith.constant 16 : index
        %parallel_loop3A_1219 = tpu.vector_load %arg7[%parallel_loop3A_1217, %parallel_loop3A_1218] {strides = array<i32>} : memref<100x128xf32, #tpu.memory_space<vmem>>, vector<1x16xf32>,
        %parallel_loop3A_1220 = vector.shape_cast %parallel_loop3A_1219 : vector<1x16xf32> to vector<16xf32>
        %parallel_loop3A_1221 = arith.addf %parallel_loop3A_1205, %parallel_loop3A_1220 : vector<16xf32>
        %parallel_loop3A_1222 = arith.index_cast %parallel_loop3A_1203 : i32 to index
        %parallel_loop3A_1223 = arith.constant 32 : index
        %parallel_loop3A_1224 = tpu.vector_load %arg7[%parallel_loop3A_1222, %parallel_loop3A_1223] {strides = array<i32>} : memref<100x128xf32, #tpu.memory_space<vmem>>, vector<1x16xf32>,
        %parallel_loop3A_1225 = vector.shape_cast %parallel_loop3A_1224 : vector<1x16xf32> to vector<16xf32>
        %parallel_loop3A_1226 = arith.addf %parallel_loop3A_1206, %parallel_loop3A_1225 : vector<16xf32>
        %parallel_loop3A_1227 = arith.index_cast %parallel_loop3A_1203 : i32 to index
        %parallel_loop3A_1228 = arith.constant 48 : index
        %parallel_loop3A_1229 = tpu.vector_load %arg7[%parallel_loop3A_1227, %parallel_loop3A_1228] {strides = array<i32>} : memref<100x128xf32, #tpu.memory_space<vmem>>, vector<1x16xf32>,
        %parallel_loop3A_1230 = vector.shape_cast %parallel_loop3A_1229 : vector<1x16xf32> to vector<16xf32>
        %parallel_loop3A_1231 = arith.addf %parallel_loop3A_1207, %parallel_loop3A_1230 : vector<16xf32>
        %parallel_loop3A_1232 = arith.index_cast %parallel_loop3A_1203 : i32 to index
        %parallel_loop3A_1233 = arith.constant 64 : index
        %parallel_loop3A_1234 = tpu.vector_load %arg7[%parallel_loop3A_1232, %parallel_loop3A_1233] {strides = array<i32>} : memref<100x128xf32, #tpu.memory_space<vmem>>, vector<1x16xf32>,
        %parallel_loop3A_1235 = vector.shape_cast %parallel_loop3A_1234 : vector<1x16xf32> to vector<16xf32>
        %parallel_loop3A_1236 = arith.addf %parallel_loop3A_1208, %parallel_loop3A_1235 : vector<16xf32>
        %parallel_loop3A_1237 = arith.index_cast %parallel_loop3A_1203 : i32 to index
        %parallel_loop3A_1238 = arith.constant 80 : index
        %parallel_loop3A_1239 = tpu.vector_load %arg7[%parallel_loop3A_1237, %parallel_loop3A_1238] {strides = array<i32>} : memref<100x128xf32, #tpu.memory_space<vmem>>, vector<1x16xf32>,
        %parallel_loop3A_1240 = vector.shape_cast %parallel_loop3A_1239 : vector<1x16xf32> to vector<16xf32>
        %parallel_loop3A_1241 = arith.addf %parallel_loop3A_1209, %parallel_loop3A_1240 : vector<16xf32>
        %parallel_loop3A_1242 = arith.index_cast %parallel_loop3A_1203 : i32 to index
        %parallel_loop3A_1243 = arith.constant 96 : index
        %parallel_loop3A_1244 = tpu.vector_load %arg7[%parallel_loop3A_1242, %parallel_loop3A_1243] {strides = array<i32>} : memref<100x128xf32, #tpu.memory_space<vmem>>, vector<1x16xf32>,
        %parallel_loop3A_1245 = vector.shape_cast %parallel_loop3A_1244 : vector<1x16xf32> to vector<16xf32>
        %parallel_loop3A_1246 = arith.addf %parallel_loop3A_1210, %parallel_loop3A_1245 : vector<16xf32>
        %parallel_loop3A_1247 = arith.index_cast %parallel_loop3A_1203 : i32 to index
        %parallel_loop3A_1248 = arith.constant 112 : index
        %parallel_loop3A_1249 = tpu.vector_load %arg7[%parallel_loop3A_1247, %parallel_loop3A_1248] {strides = array<i32>} : memref<100x128xf32, #tpu.memory_space<vmem>>, vector<1x16xf32>,
        %parallel_loop3A_1250 = vector.shape_cast %parallel_loop3A_1249 : vector<1x16xf32> to vector<16xf32>
        %parallel_loop3A_1251 = arith.addf %parallel_loop3A_1211, %parallel_loop3A_1250 : vector<16xf32>
        scf.yield %parallel_loop3A_1216, %parallel_loop3A_1221, %parallel_loop3A_1226, %parallel_loop3A_1231, %parallel_loop3A_1236, %parallel_loop3A_1241, %parallel_loop3A_1246, %parallel_loop3A_1251 : vector<16xf32>, vector<16xf32>, vector<16xf32>, vector<16xf32>, vector<16xf32>, vector<16xf32>, vector<16xf32>, vector<16xf32>
      } {sc.loop_unroll_factor = 10 : i64, sc.parallel_access}
      %mul3A_769 = arith.constant 2 : i32
      %mul3A_770 = arith.muli %add3A_684, %mul3A_769 : i32
      %add3A_771 = arith.constant 1 : i32
      %add3A_772 = arith.addi %mul3A_770, %add3A_771 : i32
      %swap3A_773 = arith.index_cast %add3A_772 : i32 to index
      %swap3A_774 = arith.constant 0 : index
      %swap3A_775 = tpu.vector_load %arg10[%swap3A_773, %swap3A_774] {strides = array<i32>} : memref<128x128xf32, #tpu.memory_space<vmem>>, vector<1x16xf32>,
      %swap3A_776 = vector.shape_cast %swap3A_775 : vector<1x16xf32> to vector<16xf32>
      %swap3A_777 = vector.shape_cast %parallel_loop3A_768#0 : vector<16xf32> to vector<1x16xf32>
      tpu.vector_store %arg10[%swap3A_773, %swap3A_774], %swap3A_777 {strides = array<i32>} : memref<128x128xf32, #tpu.memory_space<vmem>>, vector<1x16xf32>,
      %mul3A_778 = arith.constant 2 : i32
      %mul3A_779 = arith.muli %add3A_684, %mul3A_778 : i32
      %add3A_780 = arith.constant 1 : i32
      %add3A_781 = arith.addi %mul3A_779, %add3A_780 : i32
      %swap3A_782 = arith.index_cast %add3A_781 : i32 to index
      %swap3A_783 = arith.constant 16 : index
      %swap3A_784 = tpu.vector_load %arg10[%swap3A_782, %swap3A_783] {strides = array<i32>} : memref<128x128xf32, #tpu.memory_space<vmem>>, vector<1x16xf32>,
      %swap3A_785 = vector.shape_cast %swap3A_784 : vector<1x16xf32> to vector<16xf32>
      %swap3A_786 = vector.shape_cast %parallel_loop3A_768#1 : vector<16xf32> to vector<1x16xf32>
      tpu.vector_store %arg10[%swap3A_782, %swap3A_783], %swap3A_786 {strides = array<i32>} : memref<128x128xf32, #tpu.memory_space<vmem>>, vector<1x16xf32>,
      %mul3A_787 = arith.constant 2 : i32
      %mul3A_788 = arith.muli %add3A_684, %mul3A_787 : i32
      %add3A_789 = arith.constant 1 : i32
      %add3A_790 = arith.addi %mul3A_788, %add3A_789 : i32
      %swap3A_791 = arith.index_cast %add3A_790 : i32 to index
      %swap3A_792 = arith.constant 32 : index
      %swap3A_793 = tpu.vector_load %arg10[%swap3A_791, %swap3A_792] {strides = array<i32>} : memref<128x128xf32, #tpu.memory_space<vmem>>, vector<1x16xf32>,
      %swap3A_794 = vector.shape_cast %swap3A_793 : vector<1x16xf32> to vector<16xf32>
      %swap3A_795 = vector.shape_cast %parallel_loop3A_768#2 : vector<16xf32> to vector<1x16xf32>
      tpu.vector_store %arg10[%swap3A_791, %swap3A_792], %swap3A_795 {strides = array<i32>} : memref<128x128xf32, #tpu.memory_space<vmem>>, vector<1x16xf32>,
      %mul3A_796 = arith.constant 2 : i32
      %mul3A_797 = arith.muli %add3A_684, %mul3A_796 : i32
      %add3A_798 = arith.constant 1 : i32
      %add3A_799 = arith.addi %mul3A_797, %add3A_798 : i32
      %swap3A_800 = arith.index_cast %add3A_799 : i32 to index
      %swap3A_801 = arith.constant 48 : index
      %swap3A_802 = tpu.vector_load %arg10[%swap3A_800, %swap3A_801] {strides = array<i32>} : memref<128x128xf32, #tpu.memory_space<vmem>>, vector<1x16xf32>,
      %swap3A_803 = vector.shape_cast %swap3A_802 : vector<1x16xf32> to vector<16xf32>
      %swap3A_804 = vector.shape_cast %parallel_loop3A_768#3 : vector<16xf32> to vector<1x16xf32>
      tpu.vector_store %arg10[%swap3A_800, %swap3A_801], %swap3A_804 {strides = array<i32>} : memref<128x128xf32, #tpu.memory_space<vmem>>, vector<1x16xf32>,
      %mul3A_805 = arith.constant 2 : i32
      %mul3A_806 = arith.muli %add3A_684, %mul3A_805 : i32
      %add3A_807 = arith.constant 1 : i32
      %add3A_808 = arith.addi %mul3A_806, %add3A_807 : i32
      %swap3A_809 = arith.index_cast %add3A_808 : i32 to index
      %swap3A_810 = arith.constant 64 : index
      %swap3A_811 = tpu.vector_load %arg10[%swap3A_809, %swap3A_810] {strides = array<i32>} : memref<128x128xf32, #tpu.memory_space<vmem>>, vector<1x16xf32>,
      %swap3A_812 = vector.shape_cast %swap3A_811 : vector<1x16xf32> to vector<16xf32>
      %swap3A_813 = vector.shape_cast %parallel_loop3A_768#4 : vector<16xf32> to vector<1x16xf32>
      tpu.vector_store %arg10[%swap3A_809, %swap3A_810], %swap3A_813 {strides = array<i32>} : memref<128x128xf32, #tpu.memory_space<vmem>>, vector<1x16xf32>,
      %mul3A_814 = arith.constant 2 : i32
      %mul3A_815 = arith.muli %add3A_684, %mul3A_814 : i32
      %add3A_816 = arith.constant 1 : i32
      %add3A_817 = arith.addi %mul3A_815, %add3A_816 : i32
      %swap3A_818 = arith.index_cast %add3A_817 : i32 to index
      %swap3A_819 = arith.constant 80 : index
      %swap3A_820 = tpu.vector_load %arg10[%swap3A_818, %swap3A_819] {strides = array<i32>} : memref<128x128xf32, #tpu.memory_space<vmem>>, vector<1x16xf32>,
      %swap3A_821 = vector.shape_cast %swap3A_820 : vector<1x16xf32> to vector<16xf32>
      %swap3A_822 = vector.shape_cast %parallel_loop3A_768#5 : vector<16xf32> to vector<1x16xf32>
      tpu.vector_store %arg10[%swap3A_818, %swap3A_819], %swap3A_822 {strides = array<i32>} : memref<128x128xf32, #tpu.memory_space<vmem>>, vector<1x16xf32>,
      %mul3A_823 = arith.constant 2 : i32
      %mul3A_824 = arith.muli %add3A_684, %mul3A_823 : i32
      %add3A_825 = arith.constant 1 : i32
      %add3A_826 = arith.addi %mul3A_824, %add3A_825 : i32
      %swap3A_827 = arith.index_cast %add3A_826 : i32 to index
      %swap3A_828 = arith.constant 96 : index
      %swap3A_829 = tpu.vector_load %arg10[%swap3A_827, %swap3A_828] {strides = array<i32>} : memref<128x128xf32, #tpu.memory_space<vmem>>, vector<1x16xf32>,
      %swap3A_830 = vector.shape_cast %swap3A_829 : vector<1x16xf32> to vector<16xf32>
      %swap3A_831 = vector.shape_cast %parallel_loop3A_768#6 : vector<16xf32> to vector<1x16xf32>
      tpu.vector_store %arg10[%swap3A_827, %swap3A_828], %swap3A_831 {strides = array<i32>} : memref<128x128xf32, #tpu.memory_space<vmem>>, vector<1x16xf32>,
      %mul3A_832 = arith.constant 2 : i32
      %mul3A_833 = arith.muli %add3A_684, %mul3A_832 : i32
      %add3A_834 = arith.constant 1 : i32
      %add3A_835 = arith.addi %mul3A_833, %add3A_834 : i32
      %swap3A_836 = arith.index_cast %add3A_835 : i32 to index
      %swap3A_837 = arith.constant 112 : index
      %swap3A_838 = tpu.vector_load %arg10[%swap3A_836, %swap3A_837] {strides = array<i32>} : memref<128x128xf32, #tpu.memory_space<vmem>>, vector<1x16xf32>,
      %swap3A_839 = vector.shape_cast %swap3A_838 : vector<1x16xf32> to vector<16xf32>
      %swap3A_840 = vector.shape_cast %parallel_loop3A_768#7 : vector<16xf32> to vector<1x16xf32>
      tpu.vector_store %arg10[%swap3A_836, %swap3A_837], %swap3A_840 {strides = array<i32>} : memref<128x128xf32, #tpu.memory_space<vmem>>, vector<1x16xf32>,
      %add3A_841 = arith.constant 1 : i32
      %add3A_842 = arith.addi %mul3A_498, %add3A_841 : i32
      %add3A_843 = arith.constant 4 : i32
      %add3A_844 = arith.addi %add3A_842, %add3A_843 : i32
      %dma_start3A_845 = arith.constant 0 : i32
      %dma_start3A_846 = tpu.memref_slice %arg5[%add3A_844, %dma_start3A_845] : memref<64x100xi32, #tpu.memory_space<vmem>> -> memref<1x100xi32, #tpu.memory_space<vmem>>
      %dma_start3A_847 = tpu.memref_squeeze %dma_start3A_846 : memref<1x100xi32, #tpu.memory_space<vmem>> -> memref<100xi32, #tpu.memory_space<vmem>>
      %dma_start3A_848 = arith.constant 0 : i32
      %dma_start3A_849 = arith.constant 0 : i32
      %dma_start3A_850 = tpu.memref_slice %arg2[%dma_start3A_848, %dma_start3A_849] : memref<100000x128xf32, #tpu.memory_space<hbm>> -> memref<100000x128xf32, #tpu.memory_space<hbm>>
      tpu.enqueue_indirect_dma source(%dma_start3A_850 : memref<100000x128xf32, #tpu.memory_space<hbm>>) target(%arg7 : memref<100x128xf32, #tpu.memory_space<vmem>>) offsets(%dma_start3A_847 : memref<100xi32, #tpu.memory_space<vmem>>) semaphore(%arg12 : memref<!tpu.dma_semaphore, #tpu.memory_space<semaphore_mem>>)
      %add3A_851 = arith.constant 2 : i32
      %add3A_852 = arith.addi %mul3A_498, %add3A_851 : i32
      %dma_wait3A_853 = arith.constant 0 : i32
      %dma_wait3A_854 = tpu.memref_slice %arg5[%add3A_852, %dma_wait3A_853] : memref<64x100xi32, #tpu.memory_space<vmem>> -> memref<1x100xi32, #tpu.memory_space<vmem>>
      %dma_wait3A_855 = tpu.memref_squeeze %dma_wait3A_854 : memref<1x100xi32, #tpu.memory_space<vmem>> -> memref<100xi32, #tpu.memory_space<vmem>>
      %dma_wait3A_856 = arith.constant 0 : i32
      %dma_wait3A_857 = arith.constant 0 : i32
      %dma_wait3A_858 = tpu.memref_slice %arg2[%dma_wait3A_856, %dma_wait3A_857] : memref<100000x128xf32, #tpu.memory_space<hbm>> -> memref<100000x128xf32, #tpu.memory_space<hbm>>
      tpu.wait_indirect_dma semaphore(%arg13 : memref<!tpu.dma_semaphore, #tpu.memory_space<semaphore_mem>>) src(%dma_wait3A_858 : memref<100000x128xf32, #tpu.memory_space<hbm>>) dst(%arg8 : memref<100x128xf32, #tpu.memory_space<vmem>>)
      %add3A_859 = arith.constant 2 : i32
      %add3A_860 = arith.addi %mul3A_498, %add3A_859 : i32
      %broadcast_in_dim3A_861 = arith.constant 0.000000e+00 : f32
      %broadcast_in_dim3A_862 = vector.broadcast %broadcast_in_dim3A_861 : f32 to vector<16xf32>
      %parallel_loop3A_863 = arith.constant 0 : i32
      %parallel_loop3A_864 = arith.constant 50 : i32
      %parallel_loop3A_865 = arith.constant 1 : i32
      %parallel_loop3A_866:8 = scf.for %parallel_loop3A_1203 = %parallel_loop3A_863 to %parallel_loop3A_864 step %parallel_loop3A_865 iter_args(%parallel_loop3A_1204 = %broadcast_in_dim3A_862, %parallel_loop3A_1205 = %broadcast_in_dim3A_862, %parallel_loop3A_1206 = %broadcast_in_dim3A_862, %parallel_loop3A_1207 = %broadcast_in_dim3A_862, %parallel_loop3A_1208 = %broadcast_in_dim3A_862, %parallel_loop3A_1209 = %broadcast_in_dim3A_862, %parallel_loop3A_1210 = %broadcast_in_dim3A_862, %parallel_loop3A_1211 = %broadcast_in_dim3A_862) -> (vector<16xf32>, vector<16xf32>, vector<16xf32>, vector<16xf32>, vector<16xf32>, vector<16xf32>, vector<16xf32>, vector<16xf32>)  : i32 {
        %parallel_loop3A_1212 = arith.index_cast %parallel_loop3A_1203 : i32 to index
        %parallel_loop3A_1213 = arith.constant 0 : index
        %parallel_loop3A_1214 = tpu.vector_load %arg8[%parallel_loop3A_1212, %parallel_loop3A_1213] {strides = array<i32>} : memref<100x128xf32, #tpu.memory_space<vmem>>, vector<1x16xf32>,
        %parallel_loop3A_1215 = vector.shape_cast %parallel_loop3A_1214 : vector<1x16xf32> to vector<16xf32>
        %parallel_loop3A_1216 = arith.addf %parallel_loop3A_1204, %parallel_loop3A_1215 : vector<16xf32>
        %parallel_loop3A_1217 = arith.index_cast %parallel_loop3A_1203 : i32 to index
        %parallel_loop3A_1218 = arith.constant 16 : index
        %parallel_loop3A_1219 = tpu.vector_load %arg8[%parallel_loop3A_1217, %parallel_loop3A_1218] {strides = array<i32>} : memref<100x128xf32, #tpu.memory_space<vmem>>, vector<1x16xf32>,
        %parallel_loop3A_1220 = vector.shape_cast %parallel_loop3A_1219 : vector<1x16xf32> to vector<16xf32>
        %parallel_loop3A_1221 = arith.addf %parallel_loop3A_1205, %parallel_loop3A_1220 : vector<16xf32>
        %parallel_loop3A_1222 = arith.index_cast %parallel_loop3A_1203 : i32 to index
        %parallel_loop3A_1223 = arith.constant 32 : index
        %parallel_loop3A_1224 = tpu.vector_load %arg8[%parallel_loop3A_1222, %parallel_loop3A_1223] {strides = array<i32>} : memref<100x128xf32, #tpu.memory_space<vmem>>, vector<1x16xf32>,
        %parallel_loop3A_1225 = vector.shape_cast %parallel_loop3A_1224 : vector<1x16xf32> to vector<16xf32>
        %parallel_loop3A_1226 = arith.addf %parallel_loop3A_1206, %parallel_loop3A_1225 : vector<16xf32>
        %parallel_loop3A_1227 = arith.index_cast %parallel_loop3A_1203 : i32 to index
        %parallel_loop3A_1228 = arith.constant 48 : index
        %parallel_loop3A_1229 = tpu.vector_load %arg8[%parallel_loop3A_1227, %parallel_loop3A_1228] {strides = array<i32>} : memref<100x128xf32, #tpu.memory_space<vmem>>, vector<1x16xf32>,
        %parallel_loop3A_1230 = vector.shape_cast %parallel_loop3A_1229 : vector<1x16xf32> to vector<16xf32>
        %parallel_loop3A_1231 = arith.addf %parallel_loop3A_1207, %parallel_loop3A_1230 : vector<16xf32>
        %parallel_loop3A_1232 = arith.index_cast %parallel_loop3A_1203 : i32 to index
        %parallel_loop3A_1233 = arith.constant 64 : index
        %parallel_loop3A_1234 = tpu.vector_load %arg8[%parallel_loop3A_1232, %parallel_loop3A_1233] {strides = array<i32>} : memref<100x128xf32, #tpu.memory_space<vmem>>, vector<1x16xf32>,
        %parallel_loop3A_1235 = vector.shape_cast %parallel_loop3A_1234 : vector<1x16xf32> to vector<16xf32>
        %parallel_loop3A_1236 = arith.addf %parallel_loop3A_1208, %parallel_loop3A_1235 : vector<16xf32>
        %parallel_loop3A_1237 = arith.index_cast %parallel_loop3A_1203 : i32 to index
        %parallel_loop3A_1238 = arith.constant 80 : index
        %parallel_loop3A_1239 = tpu.vector_load %arg8[%parallel_loop3A_1237, %parallel_loop3A_1238] {strides = array<i32>} : memref<100x128xf32, #tpu.memory_space<vmem>>, vector<1x16xf32>,
        %parallel_loop3A_1240 = vector.shape_cast %parallel_loop3A_1239 : vector<1x16xf32> to vector<16xf32>
        %parallel_loop3A_1241 = arith.addf %parallel_loop3A_1209, %parallel_loop3A_1240 : vector<16xf32>
        %parallel_loop3A_1242 = arith.index_cast %parallel_loop3A_1203 : i32 to index
        %parallel_loop3A_1243 = arith.constant 96 : index
        %parallel_loop3A_1244 = tpu.vector_load %arg8[%parallel_loop3A_1242, %parallel_loop3A_1243] {strides = array<i32>} : memref<100x128xf32, #tpu.memory_space<vmem>>, vector<1x16xf32>,
        %parallel_loop3A_1245 = vector.shape_cast %parallel_loop3A_1244 : vector<1x16xf32> to vector<16xf32>
        %parallel_loop3A_1246 = arith.addf %parallel_loop3A_1210, %parallel_loop3A_1245 : vector<16xf32>
        %parallel_loop3A_1247 = arith.index_cast %parallel_loop3A_1203 : i32 to index
        %parallel_loop3A_1248 = arith.constant 112 : index
        %parallel_loop3A_1249 = tpu.vector_load %arg8[%parallel_loop3A_1247, %parallel_loop3A_1248] {strides = array<i32>} : memref<100x128xf32, #tpu.memory_space<vmem>>, vector<1x16xf32>,
        %parallel_loop3A_1250 = vector.shape_cast %parallel_loop3A_1249 : vector<1x16xf32> to vector<16xf32>
        %parallel_loop3A_1251 = arith.addf %parallel_loop3A_1211, %parallel_loop3A_1250 : vector<16xf32>
        scf.yield %parallel_loop3A_1216, %parallel_loop3A_1221, %parallel_loop3A_1226, %parallel_loop3A_1231, %parallel_loop3A_1236, %parallel_loop3A_1241, %parallel_loop3A_1246, %parallel_loop3A_1251 : vector<16xf32>, vector<16xf32>, vector<16xf32>, vector<16xf32>, vector<16xf32>, vector<16xf32>, vector<16xf32>, vector<16xf32>
      } {sc.loop_unroll_factor = 10 : i64, sc.parallel_access}
      %mul3A_867 = arith.constant 2 : i32
      %mul3A_868 = arith.muli %add3A_860, %mul3A_867 : i32
      %add3A_869 = arith.constant 0 : i32
      %add3A_870 = arith.addi %mul3A_868, %add3A_869 : i32
      %swap3A_871 = arith.index_cast %add3A_870 : i32 to index
      %swap3A_872 = arith.constant 0 : index
      %swap3A_873 = tpu.vector_load %arg10[%swap3A_871, %swap3A_872] {strides = array<i32>} : memref<128x128xf32, #tpu.memory_space<vmem>>, vector<1x16xf32>,
      %swap3A_874 = vector.shape_cast %swap3A_873 : vector<1x16xf32> to vector<16xf32>
      %swap3A_875 = vector.shape_cast %parallel_loop3A_866#0 : vector<16xf32> to vector<1x16xf32>
      tpu.vector_store %arg10[%swap3A_871, %swap3A_872], %swap3A_875 {strides = array<i32>} : memref<128x128xf32, #tpu.memory_space<vmem>>, vector<1x16xf32>,
      %mul3A_876 = arith.constant 2 : i32
      %mul3A_877 = arith.muli %add3A_860, %mul3A_876 : i32
      %add3A_878 = arith.constant 0 : i32
      %add3A_879 = arith.addi %mul3A_877, %add3A_878 : i32
      %swap3A_880 = arith.index_cast %add3A_879 : i32 to index
      %swap3A_881 = arith.constant 16 : index
      %swap3A_882 = tpu.vector_load %arg10[%swap3A_880, %swap3A_881] {strides = array<i32>} : memref<128x128xf32, #tpu.memory_space<vmem>>, vector<1x16xf32>,
      %swap3A_883 = vector.shape_cast %swap3A_882 : vector<1x16xf32> to vector<16xf32>
      %swap3A_884 = vector.shape_cast %parallel_loop3A_866#1 : vector<16xf32> to vector<1x16xf32>
      tpu.vector_store %arg10[%swap3A_880, %swap3A_881], %swap3A_884 {strides = array<i32>} : memref<128x128xf32, #tpu.memory_space<vmem>>, vector<1x16xf32>,
      %mul3A_885 = arith.constant 2 : i32
      %mul3A_886 = arith.muli %add3A_860, %mul3A_885 : i32
      %add3A_887 = arith.constant 0 : i32
      %add3A_888 = arith.addi %mul3A_886, %add3A_887 : i32
      %swap3A_889 = arith.index_cast %add3A_888 : i32 to index
      %swap3A_890 = arith.constant 32 : index
      %swap3A_891 = tpu.vector_load %arg10[%swap3A_889, %swap3A_890] {strides = array<i32>} : memref<128x128xf32, #tpu.memory_space<vmem>>, vector<1x16xf32>,
      %swap3A_892 = vector.shape_cast %swap3A_891 : vector<1x16xf32> to vector<16xf32>
      %swap3A_893 = vector.shape_cast %parallel_loop3A_866#2 : vector<16xf32> to vector<1x16xf32>
      tpu.vector_store %arg10[%swap3A_889, %swap3A_890], %swap3A_893 {strides = array<i32>} : memref<128x128xf32, #tpu.memory_space<vmem>>, vector<1x16xf32>,
      %mul3A_894 = arith.constant 2 : i32
      %mul3A_895 = arith.muli %add3A_860, %mul3A_894 : i32
      %add3A_896 = arith.constant 0 : i32
      %add3A_897 = arith.addi %mul3A_895, %add3A_896 : i32
      %swap3A_898 = arith.index_cast %add3A_897 : i32 to index
      %swap3A_899 = arith.constant 48 : index
      %swap3A_900 = tpu.vector_load %arg10[%swap3A_898, %swap3A_899] {strides = array<i32>} : memref<128x128xf32, #tpu.memory_space<vmem>>, vector<1x16xf32>,
      %swap3A_901 = vector.shape_cast %swap3A_900 : vector<1x16xf32> to vector<16xf32>
      %swap3A_902 = vector.shape_cast %parallel_loop3A_866#3 : vector<16xf32> to vector<1x16xf32>
      tpu.vector_store %arg10[%swap3A_898, %swap3A_899], %swap3A_902 {strides = array<i32>} : memref<128x128xf32, #tpu.memory_space<vmem>>, vector<1x16xf32>,
      %mul3A_903 = arith.constant 2 : i32
      %mul3A_904 = arith.muli %add3A_860, %mul3A_903 : i32
      %add3A_905 = arith.constant 0 : i32
      %add3A_906 = arith.addi %mul3A_904, %add3A_905 : i32
      %swap3A_907 = arith.index_cast %add3A_906 : i32 to index
      %swap3A_908 = arith.constant 64 : index
      %swap3A_909 = tpu.vector_load %arg10[%swap3A_907, %swap3A_908] {strides = array<i32>} : memref<128x128xf32, #tpu.memory_space<vmem>>, vector<1x16xf32>,
      %swap3A_910 = vector.shape_cast %swap3A_909 : vector<1x16xf32> to vector<16xf32>
      %swap3A_911 = vector.shape_cast %parallel_loop3A_866#4 : vector<16xf32> to vector<1x16xf32>
      tpu.vector_store %arg10[%swap3A_907, %swap3A_908], %swap3A_911 {strides = array<i32>} : memref<128x128xf32, #tpu.memory_space<vmem>>, vector<1x16xf32>,
      %mul3A_912 = arith.constant 2 : i32
      %mul3A_913 = arith.muli %add3A_860, %mul3A_912 : i32
      %add3A_914 = arith.constant 0 : i32
      %add3A_915 = arith.addi %mul3A_913, %add3A_914 : i32
      %swap3A_916 = arith.index_cast %add3A_915 : i32 to index
      %swap3A_917 = arith.constant 80 : index
      %swap3A_918 = tpu.vector_load %arg10[%swap3A_916, %swap3A_917] {strides = array<i32>} : memref<128x128xf32, #tpu.memory_space<vmem>>, vector<1x16xf32>,
      %swap3A_919 = vector.shape_cast %swap3A_918 : vector<1x16xf32> to vector<16xf32>
      %swap3A_920 = vector.shape_cast %parallel_loop3A_866#5 : vector<16xf32> to vector<1x16xf32>
      tpu.vector_store %arg10[%swap3A_916, %swap3A_917], %swap3A_920 {strides = array<i32>} : memref<128x128xf32, #tpu.memory_space<vmem>>, vector<1x16xf32>,
      %mul3A_921 = arith.constant 2 : i32
      %mul3A_922 = arith.muli %add3A_860, %mul3A_921 : i32
      %add3A_923 = arith.constant 0 : i32
      %add3A_924 = arith.addi %mul3A_922, %add3A_923 : i32
      %swap3A_925 = arith.index_cast %add3A_924 : i32 to index
      %swap3A_926 = arith.constant 96 : index
      %swap3A_927 = tpu.vector_load %arg10[%swap3A_925, %swap3A_926] {strides = array<i32>} : memref<128x128xf32, #tpu.memory_space<vmem>>, vector<1x16xf32>,
      %swap3A_928 = vector.shape_cast %swap3A_927 : vector<1x16xf32> to vector<16xf32>
      %swap3A_929 = vector.shape_cast %parallel_loop3A_866#6 : vector<16xf32> to vector<1x16xf32>
      tpu.vector_store %arg10[%swap3A_925, %swap3A_926], %swap3A_929 {strides = array<i32>} : memref<128x128xf32, #tpu.memory_space<vmem>>, vector<1x16xf32>,
      %mul3A_930 = arith.constant 2 : i32
      %mul3A_931 = arith.muli %add3A_860, %mul3A_930 : i32
      %add3A_932 = arith.constant 0 : i32
      %add3A_933 = arith.addi %mul3A_931, %add3A_932 : i32
      %swap3A_934 = arith.index_cast %add3A_933 : i32 to index
      %swap3A_935 = arith.constant 112 : index
      %swap3A_936 = tpu.vector_load %arg10[%swap3A_934, %swap3A_935] {strides = array<i32>} : memref<128x128xf32, #tpu.memory_space<vmem>>, vector<1x16xf32>,
      %swap3A_937 = vector.shape_cast %swap3A_936 : vector<1x16xf32> to vector<16xf32>
      %swap3A_938 = vector.shape_cast %parallel_loop3A_866#7 : vector<16xf32> to vector<1x16xf32>
      tpu.vector_store %arg10[%swap3A_934, %swap3A_935], %swap3A_938 {strides = array<i32>} : memref<128x128xf32, #tpu.memory_space<vmem>>, vector<1x16xf32>,
      %broadcast_in_dim3A_939 = arith.constant 0.000000e+00 : f32
      %broadcast_in_dim3A_940 = vector.broadcast %broadcast_in_dim3A_939 : f32 to vector<16xf32>
      %parallel_loop3A_941 = arith.constant 50 : i32
      %parallel_loop3A_942 = arith.constant 100 : i32
      %parallel_loop3A_943 = arith.constant 1 : i32
      %parallel_loop3A_944:8 = scf.for %parallel_loop3A_1203 = %parallel_loop3A_941 to %parallel_loop3A_942 step %parallel_loop3A_943 iter_args(%parallel_loop3A_1204 = %broadcast_in_dim3A_940, %parallel_loop3A_1205 = %broadcast_in_dim3A_940, %parallel_loop3A_1206 = %broadcast_in_dim3A_940, %parallel_loop3A_1207 = %broadcast_in_dim3A_940, %parallel_loop3A_1208 = %broadcast_in_dim3A_940, %parallel_loop3A_1209 = %broadcast_in_dim3A_940, %parallel_loop3A_1210 = %broadcast_in_dim3A_940, %parallel_loop3A_1211 = %broadcast_in_dim3A_940) -> (vector<16xf32>, vector<16xf32>, vector<16xf32>, vector<16xf32>, vector<16xf32>, vector<16xf32>, vector<16xf32>, vector<16xf32>)  : i32 {
        %parallel_loop3A_1212 = arith.index_cast %parallel_loop3A_1203 : i32 to index
        %parallel_loop3A_1213 = arith.constant 0 : index
        %parallel_loop3A_1214 = tpu.vector_load %arg8[%parallel_loop3A_1212, %parallel_loop3A_1213] {strides = array<i32>} : memref<100x128xf32, #tpu.memory_space<vmem>>, vector<1x16xf32>,
        %parallel_loop3A_1215 = vector.shape_cast %parallel_loop3A_1214 : vector<1x16xf32> to vector<16xf32>
        %parallel_loop3A_1216 = arith.addf %parallel_loop3A_1204, %parallel_loop3A_1215 : vector<16xf32>
        %parallel_loop3A_1217 = arith.index_cast %parallel_loop3A_1203 : i32 to index
        %parallel_loop3A_1218 = arith.constant 16 : index
        %parallel_loop3A_1219 = tpu.vector_load %arg8[%parallel_loop3A_1217, %parallel_loop3A_1218] {strides = array<i32>} : memref<100x128xf32, #tpu.memory_space<vmem>>, vector<1x16xf32>,
        %parallel_loop3A_1220 = vector.shape_cast %parallel_loop3A_1219 : vector<1x16xf32> to vector<16xf32>
        %parallel_loop3A_1221 = arith.addf %parallel_loop3A_1205, %parallel_loop3A_1220 : vector<16xf32>
        %parallel_loop3A_1222 = arith.index_cast %parallel_loop3A_1203 : i32 to index
        %parallel_loop3A_1223 = arith.constant 32 : index
        %parallel_loop3A_1224 = tpu.vector_load %arg8[%parallel_loop3A_1222, %parallel_loop3A_1223] {strides = array<i32>} : memref<100x128xf32, #tpu.memory_space<vmem>>, vector<1x16xf32>,
        %parallel_loop3A_1225 = vector.shape_cast %parallel_loop3A_1224 : vector<1x16xf32> to vector<16xf32>
        %parallel_loop3A_1226 = arith.addf %parallel_loop3A_1206, %parallel_loop3A_1225 : vector<16xf32>
        %parallel_loop3A_1227 = arith.index_cast %parallel_loop3A_1203 : i32 to index
        %parallel_loop3A_1228 = arith.constant 48 : index
        %parallel_loop3A_1229 = tpu.vector_load %arg8[%parallel_loop3A_1227, %parallel_loop3A_1228] {strides = array<i32>} : memref<100x128xf32, #tpu.memory_space<vmem>>, vector<1x16xf32>,
        %parallel_loop3A_1230 = vector.shape_cast %parallel_loop3A_1229 : vector<1x16xf32> to vector<16xf32>
        %parallel_loop3A_1231 = arith.addf %parallel_loop3A_1207, %parallel_loop3A_1230 : vector<16xf32>
        %parallel_loop3A_1232 = arith.index_cast %parallel_loop3A_1203 : i32 to index
        %parallel_loop3A_1233 = arith.constant 64 : index
        %parallel_loop3A_1234 = tpu.vector_load %arg8[%parallel_loop3A_1232, %parallel_loop3A_1233] {strides = array<i32>} : memref<100x128xf32, #tpu.memory_space<vmem>>, vector<1x16xf32>,
        %parallel_loop3A_1235 = vector.shape_cast %parallel_loop3A_1234 : vector<1x16xf32> to vector<16xf32>
        %parallel_loop3A_1236 = arith.addf %parallel_loop3A_1208, %parallel_loop3A_1235 : vector<16xf32>
        %parallel_loop3A_1237 = arith.index_cast %parallel_loop3A_1203 : i32 to index
        %parallel_loop3A_1238 = arith.constant 80 : index
        %parallel_loop3A_1239 = tpu.vector_load %arg8[%parallel_loop3A_1237, %parallel_loop3A_1238] {strides = array<i32>} : memref<100x128xf32, #tpu.memory_space<vmem>>, vector<1x16xf32>,
        %parallel_loop3A_1240 = vector.shape_cast %parallel_loop3A_1239 : vector<1x16xf32> to vector<16xf32>
        %parallel_loop3A_1241 = arith.addf %parallel_loop3A_1209, %parallel_loop3A_1240 : vector<16xf32>
        %parallel_loop3A_1242 = arith.index_cast %parallel_loop3A_1203 : i32 to index
        %parallel_loop3A_1243 = arith.constant 96 : index
        %parallel_loop3A_1244 = tpu.vector_load %arg8[%parallel_loop3A_1242, %parallel_loop3A_1243] {strides = array<i32>} : memref<100x128xf32, #tpu.memory_space<vmem>>, vector<1x16xf32>,
        %parallel_loop3A_1245 = vector.shape_cast %parallel_loop3A_1244 : vector<1x16xf32> to vector<16xf32>
        %parallel_loop3A_1246 = arith.addf %parallel_loop3A_1210, %parallel_loop3A_1245 : vector<16xf32>
        %parallel_loop3A_1247 = arith.index_cast %parallel_loop3A_1203 : i32 to index
        %parallel_loop3A_1248 = arith.constant 112 : index
        %parallel_loop3A_1249 = tpu.vector_load %arg8[%parallel_loop3A_1247, %parallel_loop3A_1248] {strides = array<i32>} : memref<100x128xf32, #tpu.memory_space<vmem>>, vector<1x16xf32>,
        %parallel_loop3A_1250 = vector.shape_cast %parallel_loop3A_1249 : vector<1x16xf32> to vector<16xf32>
        %parallel_loop3A_1251 = arith.addf %parallel_loop3A_1211, %parallel_loop3A_1250 : vector<16xf32>
        scf.yield %parallel_loop3A_1216, %parallel_loop3A_1221, %parallel_loop3A_1226, %parallel_loop3A_1231, %parallel_loop3A_1236, %parallel_loop3A_1241, %parallel_loop3A_1246, %parallel_loop3A_1251 : vector<16xf32>, vector<16xf32>, vector<16xf32>, vector<16xf32>, vector<16xf32>, vector<16xf32>, vector<16xf32>, vector<16xf32>
      } {sc.loop_unroll_factor = 10 : i64, sc.parallel_access}
      %mul3A_945 = arith.constant 2 : i32
      %mul3A_946 = arith.muli %add3A_860, %mul3A_945 : i32
      %add3A_947 = arith.constant 1 : i32
      %add3A_948 = arith.addi %mul3A_946, %add3A_947 : i32
      %swap3A_949 = arith.index_cast %add3A_948 : i32 to index
      %swap3A_950 = arith.constant 0 : index
      %swap3A_951 = tpu.vector_load %arg10[%swap3A_949, %swap3A_950] {strides = array<i32>} : memref<128x128xf32, #tpu.memory_space<vmem>>, vector<1x16xf32>,
      %swap3A_952 = vector.shape_cast %swap3A_951 : vector<1x16xf32> to vector<16xf32>
      %swap3A_953 = vector.shape_cast %parallel_loop3A_944#0 : vector<16xf32> to vector<1x16xf32>
      tpu.vector_store %arg10[%swap3A_949, %swap3A_950], %swap3A_953 {strides = array<i32>} : memref<128x128xf32, #tpu.memory_space<vmem>>, vector<1x16xf32>,
      %mul3A_954 = arith.constant 2 : i32
      %mul3A_955 = arith.muli %add3A_860, %mul3A_954 : i32
      %add3A_956 = arith.constant 1 : i32
      %add3A_957 = arith.addi %mul3A_955, %add3A_956 : i32
      %swap3A_958 = arith.index_cast %add3A_957 : i32 to index
      %swap3A_959 = arith.constant 16 : index
      %swap3A_960 = tpu.vector_load %arg10[%swap3A_958, %swap3A_959] {strides = array<i32>} : memref<128x128xf32, #tpu.memory_space<vmem>>, vector<1x16xf32>,
      %swap3A_961 = vector.shape_cast %swap3A_960 : vector<1x16xf32> to vector<16xf32>
      %swap3A_962 = vector.shape_cast %parallel_loop3A_944#1 : vector<16xf32> to vector<1x16xf32>
      tpu.vector_store %arg10[%swap3A_958, %swap3A_959], %swap3A_962 {strides = array<i32>} : memref<128x128xf32, #tpu.memory_space<vmem>>, vector<1x16xf32>,
      %mul3A_963 = arith.constant 2 : i32
      %mul3A_964 = arith.muli %add3A_860, %mul3A_963 : i32
      %add3A_965 = arith.constant 1 : i32
      %add3A_966 = arith.addi %mul3A_964, %add3A_965 : i32
      %swap3A_967 = arith.index_cast %add3A_966 : i32 to index
      %swap3A_968 = arith.constant 32 : index
      %swap3A_969 = tpu.vector_load %arg10[%swap3A_967, %swap3A_968] {strides = array<i32>} : memref<128x128xf32, #tpu.memory_space<vmem>>, vector<1x16xf32>,
      %swap3A_970 = vector.shape_cast %swap3A_969 : vector<1x16xf32> to vector<16xf32>
      %swap3A_971 = vector.shape_cast %parallel_loop3A_944#2 : vector<16xf32> to vector<1x16xf32>
      tpu.vector_store %arg10[%swap3A_967, %swap3A_968], %swap3A_971 {strides = array<i32>} : memref<128x128xf32, #tpu.memory_space<vmem>>, vector<1x16xf32>,
      %mul3A_972 = arith.constant 2 : i32
      %mul3A_973 = arith.muli %add3A_860, %mul3A_972 : i32
      %add3A_974 = arith.constant 1 : i32
      %add3A_975 = arith.addi %mul3A_973, %add3A_974 : i32
      %swap3A_976 = arith.index_cast %add3A_975 : i32 to index
      %swap3A_977 = arith.constant 48 : index
      %swap3A_978 = tpu.vector_load %arg10[%swap3A_976, %swap3A_977] {strides = array<i32>} : memref<128x128xf32, #tpu.memory_space<vmem>>, vector<1x16xf32>,
      %swap3A_979 = vector.shape_cast %swap3A_978 : vector<1x16xf32> to vector<16xf32>
      %swap3A_980 = vector.shape_cast %parallel_loop3A_944#3 : vector<16xf32> to vector<1x16xf32>
      tpu.vector_store %arg10[%swap3A_976, %swap3A_977], %swap3A_980 {strides = array<i32>} : memref<128x128xf32, #tpu.memory_space<vmem>>, vector<1x16xf32>,
      %mul3A_981 = arith.constant 2 : i32
      %mul3A_982 = arith.muli %add3A_860, %mul3A_981 : i32
      %add3A_983 = arith.constant 1 : i32
      %add3A_984 = arith.addi %mul3A_982, %add3A_983 : i32
      %swap3A_985 = arith.index_cast %add3A_984 : i32 to index
      %swap3A_986 = arith.constant 64 : index
      %swap3A_987 = tpu.vector_load %arg10[%swap3A_985, %swap3A_986] {strides = array<i32>} : memref<128x128xf32, #tpu.memory_space<vmem>>, vector<1x16xf32>,
      %swap3A_988 = vector.shape_cast %swap3A_987 : vector<1x16xf32> to vector<16xf32>
      %swap3A_989 = vector.shape_cast %parallel_loop3A_944#4 : vector<16xf32> to vector<1x16xf32>
      tpu.vector_store %arg10[%swap3A_985, %swap3A_986], %swap3A_989 {strides = array<i32>} : memref<128x128xf32, #tpu.memory_space<vmem>>, vector<1x16xf32>,
      %mul3A_990 = arith.constant 2 : i32
      %mul3A_991 = arith.muli %add3A_860, %mul3A_990 : i32
      %add3A_992 = arith.constant 1 : i32
      %add3A_993 = arith.addi %mul3A_991, %add3A_992 : i32
      %swap3A_994 = arith.index_cast %add3A_993 : i32 to index
      %swap3A_995 = arith.constant 80 : index
      %swap3A_996 = tpu.vector_load %arg10[%swap3A_994, %swap3A_995] {strides = array<i32>} : memref<128x128xf32, #tpu.memory_space<vmem>>, vector<1x16xf32>,
      %swap3A_997 = vector.shape_cast %swap3A_996 : vector<1x16xf32> to vector<16xf32>
      %swap3A_998 = vector.shape_cast %parallel_loop3A_944#5 : vector<16xf32> to vector<1x16xf32>
      tpu.vector_store %arg10[%swap3A_994, %swap3A_995], %swap3A_998 {strides = array<i32>} : memref<128x128xf32, #tpu.memory_space<vmem>>, vector<1x16xf32>,
      %mul3A_999 = arith.constant 2 : i32
      %mul3A_1000 = arith.muli %add3A_860, %mul3A_999 : i32
      %add3A_1001 = arith.constant 1 : i32
      %add3A_1002 = arith.addi %mul3A_1000, %add3A_1001 : i32
      %swap3A_1003 = arith.index_cast %add3A_1002 : i32 to index
      %swap3A_1004 = arith.constant 96 : index
      %swap3A_1005 = tpu.vector_load %arg10[%swap3A_1003, %swap3A_1004] {strides = array<i32>} : memref<128x128xf32, #tpu.memory_space<vmem>>, vector<1x16xf32>,
      %swap3A_1006 = vector.shape_cast %swap3A_1005 : vector<1x16xf32> to vector<16xf32>
      %swap3A_1007 = vector.shape_cast %parallel_loop3A_944#6 : vector<16xf32> to vector<1x16xf32>
      tpu.vector_store %arg10[%swap3A_1003, %swap3A_1004], %swap3A_1007 {strides = array<i32>} : memref<128x128xf32, #tpu.memory_space<vmem>>, vector<1x16xf32>,
      %mul3A_1008 = arith.constant 2 : i32
      %mul3A_1009 = arith.muli %add3A_860, %mul3A_1008 : i32
      %add3A_1010 = arith.constant 1 : i32
      %add3A_1011 = arith.addi %mul3A_1009, %add3A_1010 : i32
      %swap3A_1012 = arith.index_cast %add3A_1011 : i32 to index
      %swap3A_1013 = arith.constant 112 : index
      %swap3A_1014 = tpu.vector_load %arg10[%swap3A_1012, %swap3A_1013] {strides = array<i32>} : memref<128x128xf32, #tpu.memory_space<vmem>>, vector<1x16xf32>,
      %swap3A_1015 = vector.shape_cast %swap3A_1014 : vector<1x16xf32> to vector<16xf32>
      %swap3A_1016 = vector.shape_cast %parallel_loop3A_944#7 : vector<16xf32> to vector<1x16xf32>
      tpu.vector_store %arg10[%swap3A_1012, %swap3A_1013], %swap3A_1016 {strides = array<i32>} : memref<128x128xf32, #tpu.memory_space<vmem>>, vector<1x16xf32>,
      %add3A_1017 = arith.constant 2 : i32
      %add3A_1018 = arith.addi %mul3A_498, %add3A_1017 : i32
      %add3A_1019 = arith.constant 4 : i32
      %add3A_1020 = arith.addi %add3A_1018, %add3A_1019 : i32
      %dma_start3A_1021 = arith.constant 0 : i32
      %dma_start3A_1022 = tpu.memref_slice %arg5[%add3A_1020, %dma_start3A_1021] : memref<64x100xi32, #tpu.memory_space<vmem>> -> memref<1x100xi32, #tpu.memory_space<vmem>>
      %dma_start3A_1023 = tpu.memref_squeeze %dma_start3A_1022 : memref<1x100xi32, #tpu.memory_space<vmem>> -> memref<100xi32, #tpu.memory_space<vmem>>
      %dma_start3A_1024 = arith.constant 0 : i32
      %dma_start3A_1025 = arith.constant 0 : i32
      %dma_start3A_1026 = tpu.memref_slice %arg2[%dma_start3A_1024, %dma_start3A_1025] : memref<100000x128xf32, #tpu.memory_space<hbm>> -> memref<100000x128xf32, #tpu.memory_space<hbm>>
      tpu.enqueue_indirect_dma source(%dma_start3A_1026 : memref<100000x128xf32, #tpu.memory_space<hbm>>) target(%arg8 : memref<100x128xf32, #tpu.memory_space<vmem>>) offsets(%dma_start3A_1023 : memref<100xi32, #tpu.memory_space<vmem>>) semaphore(%arg13 : memref<!tpu.dma_semaphore, #tpu.memory_space<semaphore_mem>>)
      %add3A_1027 = arith.constant 3 : i32
      %add3A_1028 = arith.addi %mul3A_498, %add3A_1027 : i32
      %dma_wait3A_1029 = arith.constant 0 : i32
      %dma_wait3A_1030 = tpu.memref_slice %arg5[%add3A_1028, %dma_wait3A_1029] : memref<64x100xi32, #tpu.memory_space<vmem>> -> memref<1x100xi32, #tpu.memory_space<vmem>>
      %dma_wait3A_1031 = tpu.memref_squeeze %dma_wait3A_1030 : memref<1x100xi32, #tpu.memory_space<vmem>> -> memref<100xi32, #tpu.memory_space<vmem>>
      %dma_wait3A_1032 = arith.constant 0 : i32
      %dma_wait3A_1033 = arith.constant 0 : i32
      %dma_wait3A_1034 = tpu.memref_slice %arg2[%dma_wait3A_1032, %dma_wait3A_1033] : memref<100000x128xf32, #tpu.memory_space<hbm>> -> memref<100000x128xf32, #tpu.memory_space<hbm>>
      tpu.wait_indirect_dma semaphore(%arg14 : memref<!tpu.dma_semaphore, #tpu.memory_space<semaphore_mem>>) src(%dma_wait3A_1034 : memref<100000x128xf32, #tpu.memory_space<hbm>>) dst(%arg9 : memref<100x128xf32, #tpu.memory_space<vmem>>)
      %add3A_1035 = arith.constant 3 : i32
      %add3A_1036 = arith.addi %mul3A_498, %add3A_1035 : i32
      %broadcast_in_dim3A_1037 = arith.constant 0.000000e+00 : f32
      %broadcast_in_dim3A_1038 = vector.broadcast %broadcast_in_dim3A_1037 : f32 to vector<16xf32>
      %parallel_loop3A_1039 = arith.constant 0 : i32
      %parallel_loop3A_1040 = arith.constant 50 : i32
      %parallel_loop3A_1041 = arith.constant 1 : i32
      %parallel_loop3A_1042:8 = scf.for %parallel_loop3A_1203 = %parallel_loop3A_1039 to %parallel_loop3A_1040 step %parallel_loop3A_1041 iter_args(%parallel_loop3A_1204 = %broadcast_in_dim3A_1038, %parallel_loop3A_1205 = %broadcast_in_dim3A_1038, %parallel_loop3A_1206 = %broadcast_in_dim3A_1038, %parallel_loop3A_1207 = %broadcast_in_dim3A_1038, %parallel_loop3A_1208 = %broadcast_in_dim3A_1038, %parallel_loop3A_1209 = %broadcast_in_dim3A_1038, %parallel_loop3A_1210 = %broadcast_in_dim3A_1038, %parallel_loop3A_1211 = %broadcast_in_dim3A_1038) -> (vector<16xf32>, vector<16xf32>, vector<16xf32>, vector<16xf32>, vector<16xf32>, vector<16xf32>, vector<16xf32>, vector<16xf32>)  : i32 {
        %parallel_loop3A_1212 = arith.index_cast %parallel_loop3A_1203 : i32 to index
        %parallel_loop3A_1213 = arith.constant 0 : index
        %parallel_loop3A_1214 = tpu.vector_load %arg9[%parallel_loop3A_1212, %parallel_loop3A_1213] {strides = array<i32>} : memref<100x128xf32, #tpu.memory_space<vmem>>, vector<1x16xf32>,
        %parallel_loop3A_1215 = vector.shape_cast %parallel_loop3A_1214 : vector<1x16xf32> to vector<16xf32>
        %parallel_loop3A_1216 = arith.addf %parallel_loop3A_1204, %parallel_loop3A_1215 : vector<16xf32>
        %parallel_loop3A_1217 = arith.index_cast %parallel_loop3A_1203 : i32 to index
        %parallel_loop3A_1218 = arith.constant 16 : index
        %parallel_loop3A_1219 = tpu.vector_load %arg9[%parallel_loop3A_1217, %parallel_loop3A_1218] {strides = array<i32>} : memref<100x128xf32, #tpu.memory_space<vmem>>, vector<1x16xf32>,
        %parallel_loop3A_1220 = vector.shape_cast %parallel_loop3A_1219 : vector<1x16xf32> to vector<16xf32>
        %parallel_loop3A_1221 = arith.addf %parallel_loop3A_1205, %parallel_loop3A_1220 : vector<16xf32>
        %parallel_loop3A_1222 = arith.index_cast %parallel_loop3A_1203 : i32 to index
        %parallel_loop3A_1223 = arith.constant 32 : index
        %parallel_loop3A_1224 = tpu.vector_load %arg9[%parallel_loop3A_1222, %parallel_loop3A_1223] {strides = array<i32>} : memref<100x128xf32, #tpu.memory_space<vmem>>, vector<1x16xf32>,
        %parallel_loop3A_1225 = vector.shape_cast %parallel_loop3A_1224 : vector<1x16xf32> to vector<16xf32>
        %parallel_loop3A_1226 = arith.addf %parallel_loop3A_1206, %parallel_loop3A_1225 : vector<16xf32>
        %parallel_loop3A_1227 = arith.index_cast %parallel_loop3A_1203 : i32 to index
        %parallel_loop3A_1228 = arith.constant 48 : index
        %parallel_loop3A_1229 = tpu.vector_load %arg9[%parallel_loop3A_1227, %parallel_loop3A_1228] {strides = array<i32>} : memref<100x128xf32, #tpu.memory_space<vmem>>, vector<1x16xf32>,
        %parallel_loop3A_1230 = vector.shape_cast %parallel_loop3A_1229 : vector<1x16xf32> to vector<16xf32>
        %parallel_loop3A_1231 = arith.addf %parallel_loop3A_1207, %parallel_loop3A_1230 : vector<16xf32>
        %parallel_loop3A_1232 = arith.index_cast %parallel_loop3A_1203 : i32 to index
        %parallel_loop3A_1233 = arith.constant 64 : index
        %parallel_loop3A_1234 = tpu.vector_load %arg9[%parallel_loop3A_1232, %parallel_loop3A_1233] {strides = array<i32>} : memref<100x128xf32, #tpu.memory_space<vmem>>, vector<1x16xf32>,
        %parallel_loop3A_1235 = vector.shape_cast %parallel_loop3A_1234 : vector<1x16xf32> to vector<16xf32>
        %parallel_loop3A_1236 = arith.addf %parallel_loop3A_1208, %parallel_loop3A_1235 : vector<16xf32>
        %parallel_loop3A_1237 = arith.index_cast %parallel_loop3A_1203 : i32 to index
        %parallel_loop3A_1238 = arith.constant 80 : index
        %parallel_loop3A_1239 = tpu.vector_load %arg9[%parallel_loop3A_1237, %parallel_loop3A_1238] {strides = array<i32>} : memref<100x128xf32, #tpu.memory_space<vmem>>, vector<1x16xf32>,
        %parallel_loop3A_1240 = vector.shape_cast %parallel_loop3A_1239 : vector<1x16xf32> to vector<16xf32>
        %parallel_loop3A_1241 = arith.addf %parallel_loop3A_1209, %parallel_loop3A_1240 : vector<16xf32>
        %parallel_loop3A_1242 = arith.index_cast %parallel_loop3A_1203 : i32 to index
        %parallel_loop3A_1243 = arith.constant 96 : index
        %parallel_loop3A_1244 = tpu.vector_load %arg9[%parallel_loop3A_1242, %parallel_loop3A_1243] {strides = array<i32>} : memref<100x128xf32, #tpu.memory_space<vmem>>, vector<1x16xf32>,
        %parallel_loop3A_1245 = vector.shape_cast %parallel_loop3A_1244 : vector<1x16xf32> to vector<16xf32>
        %parallel_loop3A_1246 = arith.addf %parallel_loop3A_1210, %parallel_loop3A_1245 : vector<16xf32>
        %parallel_loop3A_1247 = arith.index_cast %parallel_loop3A_1203 : i32 to index
        %parallel_loop3A_1248 = arith.constant 112 : index
        %parallel_loop3A_1249 = tpu.vector_load %arg9[%parallel_loop3A_1247, %parallel_loop3A_1248] {strides = array<i32>} : memref<100x128xf32, #tpu.memory_space<vmem>>, vector<1x16xf32>,
        %parallel_loop3A_1250 = vector.shape_cast %parallel_loop3A_1249 : vector<1x16xf32> to vector<16xf32>
        %parallel_loop3A_1251 = arith.addf %parallel_loop3A_1211, %parallel_loop3A_1250 : vector<16xf32>
        scf.yield %parallel_loop3A_1216, %parallel_loop3A_1221, %parallel_loop3A_1226, %parallel_loop3A_1231, %parallel_loop3A_1236, %parallel_loop3A_1241, %parallel_loop3A_1246, %parallel_loop3A_1251 : vector<16xf32>, vector<16xf32>, vector<16xf32>, vector<16xf32>, vector<16xf32>, vector<16xf32>, vector<16xf32>, vector<16xf32>
      } {sc.loop_unroll_factor = 10 : i64, sc.parallel_access}
      %mul3A_1043 = arith.constant 2 : i32
      %mul3A_1044 = arith.muli %add3A_1036, %mul3A_1043 : i32
      %add3A_1045 = arith.constant 0 : i32
      %add3A_1046 = arith.addi %mul3A_1044, %add3A_1045 : i32
      %swap3A_1047 = arith.index_cast %add3A_1046 : i32 to index
      %swap3A_1048 = arith.constant 0 : index
      %swap3A_1049 = tpu.vector_load %arg10[%swap3A_1047, %swap3A_1048] {strides = array<i32>} : memref<128x128xf32, #tpu.memory_space<vmem>>, vector<1x16xf32>,
      %swap3A_1050 = vector.shape_cast %swap3A_1049 : vector<1x16xf32> to vector<16xf32>
      %swap3A_1051 = vector.shape_cast %parallel_loop3A_1042#0 : vector<16xf32> to vector<1x16xf32>
      tpu.vector_store %arg10[%swap3A_1047, %swap3A_1048], %swap3A_1051 {strides = array<i32>} : memref<128x128xf32, #tpu.memory_space<vmem>>, vector<1x16xf32>,
      %mul3A_1052 = arith.constant 2 : i32
      %mul3A_1053 = arith.muli %add3A_1036, %mul3A_1052 : i32
      %add3A_1054 = arith.constant 0 : i32
      %add3A_1055 = arith.addi %mul3A_1053, %add3A_1054 : i32
      %swap3A_1056 = arith.index_cast %add3A_1055 : i32 to index
      %swap3A_1057 = arith.constant 16 : index
      %swap3A_1058 = tpu.vector_load %arg10[%swap3A_1056, %swap3A_1057] {strides = array<i32>} : memref<128x128xf32, #tpu.memory_space<vmem>>, vector<1x16xf32>,
      %swap3A_1059 = vector.shape_cast %swap3A_1058 : vector<1x16xf32> to vector<16xf32>
      %swap3A_1060 = vector.shape_cast %parallel_loop3A_1042#1 : vector<16xf32> to vector<1x16xf32>
      tpu.vector_store %arg10[%swap3A_1056, %swap3A_1057], %swap3A_1060 {strides = array<i32>} : memref<128x128xf32, #tpu.memory_space<vmem>>, vector<1x16xf32>,
      %mul3A_1061 = arith.constant 2 : i32
      %mul3A_1062 = arith.muli %add3A_1036, %mul3A_1061 : i32
      %add3A_1063 = arith.constant 0 : i32
      %add3A_1064 = arith.addi %mul3A_1062, %add3A_1063 : i32
      %swap3A_1065 = arith.index_cast %add3A_1064 : i32 to index
      %swap3A_1066 = arith.constant 32 : index
      %swap3A_1067 = tpu.vector_load %arg10[%swap3A_1065, %swap3A_1066] {strides = array<i32>} : memref<128x128xf32, #tpu.memory_space<vmem>>, vector<1x16xf32>,
      %swap3A_1068 = vector.shape_cast %swap3A_1067 : vector<1x16xf32> to vector<16xf32>
      %swap3A_1069 = vector.shape_cast %parallel_loop3A_1042#2 : vector<16xf32> to vector<1x16xf32>
      tpu.vector_store %arg10[%swap3A_1065, %swap3A_1066], %swap3A_1069 {strides = array<i32>} : memref<128x128xf32, #tpu.memory_space<vmem>>, vector<1x16xf32>,
      %mul3A_1070 = arith.constant 2 : i32
      %mul3A_1071 = arith.muli %add3A_1036, %mul3A_1070 : i32
      %add3A_1072 = arith.constant 0 : i32
      %add3A_1073 = arith.addi %mul3A_1071, %add3A_1072 : i32
      %swap3A_1074 = arith.index_cast %add3A_1073 : i32 to index
      %swap3A_1075 = arith.constant 48 : index
      %swap3A_1076 = tpu.vector_load %arg10[%swap3A_1074, %swap3A_1075] {strides = array<i32>} : memref<128x128xf32, #tpu.memory_space<vmem>>, vector<1x16xf32>,
      %swap3A_1077 = vector.shape_cast %swap3A_1076 : vector<1x16xf32> to vector<16xf32>
      %swap3A_1078 = vector.shape_cast %parallel_loop3A_1042#3 : vector<16xf32> to vector<1x16xf32>
      tpu.vector_store %arg10[%swap3A_1074, %swap3A_1075], %swap3A_1078 {strides = array<i32>} : memref<128x128xf32, #tpu.memory_space<vmem>>, vector<1x16xf32>,
      %mul3A_1079 = arith.constant 2 : i32
      %mul3A_1080 = arith.muli %add3A_1036, %mul3A_1079 : i32
      %add3A_1081 = arith.constant 0 : i32
      %add3A_1082 = arith.addi %mul3A_1080, %add3A_1081 : i32
      %swap3A_1083 = arith.index_cast %add3A_1082 : i32 to index
      %swap3A_1084 = arith.constant 64 : index
      %swap3A_1085 = tpu.vector_load %arg10[%swap3A_1083, %swap3A_1084] {strides = array<i32>} : memref<128x128xf32, #tpu.memory_space<vmem>>, vector<1x16xf32>,
      %swap3A_1086 = vector.shape_cast %swap3A_1085 : vector<1x16xf32> to vector<16xf32>
      %swap3A_1087 = vector.shape_cast %parallel_loop3A_1042#4 : vector<16xf32> to vector<1x16xf32>
      tpu.vector_store %arg10[%swap3A_1083, %swap3A_1084], %swap3A_1087 {strides = array<i32>} : memref<128x128xf32, #tpu.memory_space<vmem>>, vector<1x16xf32>,
      %mul3A_1088 = arith.constant 2 : i32
      %mul3A_1089 = arith.muli %add3A_1036, %mul3A_1088 : i32
      %add3A_1090 = arith.constant 0 : i32
      %add3A_1091 = arith.addi %mul3A_1089, %add3A_1090 : i32
      %swap3A_1092 = arith.index_cast %add3A_1091 : i32 to index
      %swap3A_1093 = arith.constant 80 : index
      %swap3A_1094 = tpu.vector_load %arg10[%swap3A_1092, %swap3A_1093] {strides = array<i32>} : memref<128x128xf32, #tpu.memory_space<vmem>>, vector<1x16xf32>,
      %swap3A_1095 = vector.shape_cast %swap3A_1094 : vector<1x16xf32> to vector<16xf32>
      %swap3A_1096 = vector.shape_cast %parallel_loop3A_1042#5 : vector<16xf32> to vector<1x16xf32>
      tpu.vector_store %arg10[%swap3A_1092, %swap3A_1093], %swap3A_1096 {strides = array<i32>} : memref<128x128xf32, #tpu.memory_space<vmem>>, vector<1x16xf32>,
      %mul3A_1097 = arith.constant 2 : i32
      %mul3A_1098 = arith.muli %add3A_1036, %mul3A_1097 : i32
      %add3A_1099 = arith.constant 0 : i32
      %add3A_1100 = arith.addi %mul3A_1098, %add3A_1099 : i32
      %swap3A_1101 = arith.index_cast %add3A_1100 : i32 to index
      %swap3A_1102 = arith.constant 96 : index
      %swap3A_1103 = tpu.vector_load %arg10[%swap3A_1101, %swap3A_1102] {strides = array<i32>} : memref<128x128xf32, #tpu.memory_space<vmem>>, vector<1x16xf32>,
      %swap3A_1104 = vector.shape_cast %swap3A_1103 : vector<1x16xf32> to vector<16xf32>
      %swap3A_1105 = vector.shape_cast %parallel_loop3A_1042#6 : vector<16xf32> to vector<1x16xf32>
      tpu.vector_store %arg10[%swap3A_1101, %swap3A_1102], %swap3A_1105 {strides = array<i32>} : memref<128x128xf32, #tpu.memory_space<vmem>>, vector<1x16xf32>,
      %mul3A_1106 = arith.constant 2 : i32
      %mul3A_1107 = arith.muli %add3A_1036, %mul3A_1106 : i32
      %add3A_1108 = arith.constant 0 : i32
      %add3A_1109 = arith.addi %mul3A_1107, %add3A_1108 : i32
      %swap3A_1110 = arith.index_cast %add3A_1109 : i32 to index
      %swap3A_1111 = arith.constant 112 : index
      %swap3A_1112 = tpu.vector_load %arg10[%swap3A_1110, %swap3A_1111] {strides = array<i32>} : memref<128x128xf32, #tpu.memory_space<vmem>>, vector<1x16xf32>,
      %swap3A_1113 = vector.shape_cast %swap3A_1112 : vector<1x16xf32> to vector<16xf32>
      %swap3A_1114 = vector.shape_cast %parallel_loop3A_1042#7 : vector<16xf32> to vector<1x16xf32>
      tpu.vector_store %arg10[%swap3A_1110, %swap3A_1111], %swap3A_1114 {strides = array<i32>} : memref<128x128xf32, #tpu.memory_space<vmem>>, vector<1x16xf32>,
      %broadcast_in_dim3A_1115 = arith.constant 0.000000e+00 : f32
      %broadcast_in_dim3A_1116 = vector.broadcast %broadcast_in_dim3A_1115 : f32 to vector<16xf32>
      %parallel_loop3A_1117 = arith.constant 50 : i32
      %parallel_loop3A_1118 = arith.constant 100 : i32
      %parallel_loop3A_1119 = arith.constant 1 : i32
      %parallel_loop3A_1120:8 = scf.for %parallel_loop3A_1203 = %parallel_loop3A_1117 to %parallel_loop3A_1118 step %parallel_loop3A_1119 iter_args(%parallel_loop3A_1204 = %broadcast_in_dim3A_1116, %parallel_loop3A_1205 = %broadcast_in_dim3A_1116, %parallel_loop3A_1206 = %broadcast_in_dim3A_1116, %parallel_loop3A_1207 = %broadcast_in_dim3A_1116, %parallel_loop3A_1208 = %broadcast_in_dim3A_1116, %parallel_loop3A_1209 = %broadcast_in_dim3A_1116, %parallel_loop3A_1210 = %broadcast_in_dim3A_1116, %parallel_loop3A_1211 = %broadcast_in_dim3A_1116) -> (vector<16xf32>, vector<16xf32>, vector<16xf32>, vector<16xf32>, vector<16xf32>, vector<16xf32>, vector<16xf32>, vector<16xf32>)  : i32 {
        %parallel_loop3A_1212 = arith.index_cast %parallel_loop3A_1203 : i32 to index
        %parallel_loop3A_1213 = arith.constant 0 : index
        %parallel_loop3A_1214 = tpu.vector_load %arg9[%parallel_loop3A_1212, %parallel_loop3A_1213] {strides = array<i32>} : memref<100x128xf32, #tpu.memory_space<vmem>>, vector<1x16xf32>,
        %parallel_loop3A_1215 = vector.shape_cast %parallel_loop3A_1214 : vector<1x16xf32> to vector<16xf32>
        %parallel_loop3A_1216 = arith.addf %parallel_loop3A_1204, %parallel_loop3A_1215 : vector<16xf32>
        %parallel_loop3A_1217 = arith.index_cast %parallel_loop3A_1203 : i32 to index
        %parallel_loop3A_1218 = arith.constant 16 : index
        %parallel_loop3A_1219 = tpu.vector_load %arg9[%parallel_loop3A_1217, %parallel_loop3A_1218] {strides = array<i32>} : memref<100x128xf32, #tpu.memory_space<vmem>>, vector<1x16xf32>,
        %parallel_loop3A_1220 = vector.shape_cast %parallel_loop3A_1219 : vector<1x16xf32> to vector<16xf32>
        %parallel_loop3A_1221 = arith.addf %parallel_loop3A_1205, %parallel_loop3A_1220 : vector<16xf32>
        %parallel_loop3A_1222 = arith.index_cast %parallel_loop3A_1203 : i32 to index
        %parallel_loop3A_1223 = arith.constant 32 : index
        %parallel_loop3A_1224 = tpu.vector_load %arg9[%parallel_loop3A_1222, %parallel_loop3A_1223] {strides = array<i32>} : memref<100x128xf32, #tpu.memory_space<vmem>>, vector<1x16xf32>,
        %parallel_loop3A_1225 = vector.shape_cast %parallel_loop3A_1224 : vector<1x16xf32> to vector<16xf32>
        %parallel_loop3A_1226 = arith.addf %parallel_loop3A_1206, %parallel_loop3A_1225 : vector<16xf32>
        %parallel_loop3A_1227 = arith.index_cast %parallel_loop3A_1203 : i32 to index
        %parallel_loop3A_1228 = arith.constant 48 : index
        %parallel_loop3A_1229 = tpu.vector_load %arg9[%parallel_loop3A_1227, %parallel_loop3A_1228] {strides = array<i32>} : memref<100x128xf32, #tpu.memory_space<vmem>>, vector<1x16xf32>,
        %parallel_loop3A_1230 = vector.shape_cast %parallel_loop3A_1229 : vector<1x16xf32> to vector<16xf32>
        %parallel_loop3A_1231 = arith.addf %parallel_loop3A_1207, %parallel_loop3A_1230 : vector<16xf32>
        %parallel_loop3A_1232 = arith.index_cast %parallel_loop3A_1203 : i32 to index
        %parallel_loop3A_1233 = arith.constant 64 : index
        %parallel_loop3A_1234 = tpu.vector_load %arg9[%parallel_loop3A_1232, %parallel_loop3A_1233] {strides = array<i32>} : memref<100x128xf32, #tpu.memory_space<vmem>>, vector<1x16xf32>,
        %parallel_loop3A_1235 = vector.shape_cast %parallel_loop3A_1234 : vector<1x16xf32> to vector<16xf32>
        %parallel_loop3A_1236 = arith.addf %parallel_loop3A_1208, %parallel_loop3A_1235 : vector<16xf32>
        %parallel_loop3A_1237 = arith.index_cast %parallel_loop3A_1203 : i32 to index
        %parallel_loop3A_1238 = arith.constant 80 : index
        %parallel_loop3A_1239 = tpu.vector_load %arg9[%parallel_loop3A_1237, %parallel_loop3A_1238] {strides = array<i32>} : memref<100x128xf32, #tpu.memory_space<vmem>>, vector<1x16xf32>,
        %parallel_loop3A_1240 = vector.shape_cast %parallel_loop3A_1239 : vector<1x16xf32> to vector<16xf32>
        %parallel_loop3A_1241 = arith.addf %parallel_loop3A_1209, %parallel_loop3A_1240 : vector<16xf32>
        %parallel_loop3A_1242 = arith.index_cast %parallel_loop3A_1203 : i32 to index
        %parallel_loop3A_1243 = arith.constant 96 : index
        %parallel_loop3A_1244 = tpu.vector_load %arg9[%parallel_loop3A_1242, %parallel_loop3A_1243] {strides = array<i32>} : memref<100x128xf32, #tpu.memory_space<vmem>>, vector<1x16xf32>,
        %parallel_loop3A_1245 = vector.shape_cast %parallel_loop3A_1244 : vector<1x16xf32> to vector<16xf32>
        %parallel_loop3A_1246 = arith.addf %parallel_loop3A_1210, %parallel_loop3A_1245 : vector<16xf32>
        %parallel_loop3A_1247 = arith.index_cast %parallel_loop3A_1203 : i32 to index
        %parallel_loop3A_1248 = arith.constant 112 : index
        %parallel_loop3A_1249 = tpu.vector_load %arg9[%parallel_loop3A_1247, %parallel_loop3A_1248] {strides = array<i32>} : memref<100x128xf32, #tpu.memory_space<vmem>>, vector<1x16xf32>,
        %parallel_loop3A_1250 = vector.shape_cast %parallel_loop3A_1249 : vector<1x16xf32> to vector<16xf32>
        %parallel_loop3A_1251 = arith.addf %parallel_loop3A_1211, %parallel_loop3A_1250 : vector<16xf32>
        scf.yield %parallel_loop3A_1216, %parallel_loop3A_1221, %parallel_loop3A_1226, %parallel_loop3A_1231, %parallel_loop3A_1236, %parallel_loop3A_1241, %parallel_loop3A_1246, %parallel_loop3A_1251 : vector<16xf32>, vector<16xf32>, vector<16xf32>, vector<16xf32>, vector<16xf32>, vector<16xf32>, vector<16xf32>, vector<16xf32>
      } {sc.loop_unroll_factor = 10 : i64, sc.parallel_access}
      %mul3A_1121 = arith.constant 2 : i32
      %mul3A_1122 = arith.muli %add3A_1036, %mul3A_1121 : i32
      %add3A_1123 = arith.constant 1 : i32
      %add3A_1124 = arith.addi %mul3A_1122, %add3A_1123 : i32
      %swap3A_1125 = arith.index_cast %add3A_1124 : i32 to index
      %swap3A_1126 = arith.constant 0 : index
      %swap3A_1127 = tpu.vector_load %arg10[%swap3A_1125, %swap3A_1126] {strides = array<i32>} : memref<128x128xf32, #tpu.memory_space<vmem>>, vector<1x16xf32>,
      %swap3A_1128 = vector.shape_cast %swap3A_1127 : vector<1x16xf32> to vector<16xf32>
      %swap3A_1129 = vector.shape_cast %parallel_loop3A_1120#0 : vector<16xf32> to vector<1x16xf32>
      tpu.vector_store %arg10[%swap3A_1125, %swap3A_1126], %swap3A_1129 {strides = array<i32>} : memref<128x128xf32, #tpu.memory_space<vmem>>, vector<1x16xf32>,
      %mul3A_1130 = arith.constant 2 : i32
      %mul3A_1131 = arith.muli %add3A_1036, %mul3A_1130 : i32
      %add3A_1132 = arith.constant 1 : i32
      %add3A_1133 = arith.addi %mul3A_1131, %add3A_1132 : i32
      %swap3A_1134 = arith.index_cast %add3A_1133 : i32 to index
      %swap3A_1135 = arith.constant 16 : index
      %swap3A_1136 = tpu.vector_load %arg10[%swap3A_1134, %swap3A_1135] {strides = array<i32>} : memref<128x128xf32, #tpu.memory_space<vmem>>, vector<1x16xf32>,
      %swap3A_1137 = vector.shape_cast %swap3A_1136 : vector<1x16xf32> to vector<16xf32>
      %swap3A_1138 = vector.shape_cast %parallel_loop3A_1120#1 : vector<16xf32> to vector<1x16xf32>
      tpu.vector_store %arg10[%swap3A_1134, %swap3A_1135], %swap3A_1138 {strides = array<i32>} : memref<128x128xf32, #tpu.memory_space<vmem>>, vector<1x16xf32>,
      %mul3A_1139 = arith.constant 2 : i32
      %mul3A_1140 = arith.muli %add3A_1036, %mul3A_1139 : i32
      %add3A_1141 = arith.constant 1 : i32
      %add3A_1142 = arith.addi %mul3A_1140, %add3A_1141 : i32
      %swap3A_1143 = arith.index_cast %add3A_1142 : i32 to index
      %swap3A_1144 = arith.constant 32 : index
      %swap3A_1145 = tpu.vector_load %arg10[%swap3A_1143, %swap3A_1144] {strides = array<i32>} : memref<128x128xf32, #tpu.memory_space<vmem>>, vector<1x16xf32>,
      %swap3A_1146 = vector.shape_cast %swap3A_1145 : vector<1x16xf32> to vector<16xf32>
      %swap3A_1147 = vector.shape_cast %parallel_loop3A_1120#2 : vector<16xf32> to vector<1x16xf32>
      tpu.vector_store %arg10[%swap3A_1143, %swap3A_1144], %swap3A_1147 {strides = array<i32>} : memref<128x128xf32, #tpu.memory_space<vmem>>, vector<1x16xf32>,
      %mul3A_1148 = arith.constant 2 : i32
      %mul3A_1149 = arith.muli %add3A_1036, %mul3A_1148 : i32
      %add3A_1150 = arith.constant 1 : i32
      %add3A_1151 = arith.addi %mul3A_1149, %add3A_1150 : i32
      %swap3A_1152 = arith.index_cast %add3A_1151 : i32 to index
      %swap3A_1153 = arith.constant 48 : index
      %swap3A_1154 = tpu.vector_load %arg10[%swap3A_1152, %swap3A_1153] {strides = array<i32>} : memref<128x128xf32, #tpu.memory_space<vmem>>, vector<1x16xf32>,
      %swap3A_1155 = vector.shape_cast %swap3A_1154 : vector<1x16xf32> to vector<16xf32>
      %swap3A_1156 = vector.shape_cast %parallel_loop3A_1120#3 : vector<16xf32> to vector<1x16xf32>
      tpu.vector_store %arg10[%swap3A_1152, %swap3A_1153], %swap3A_1156 {strides = array<i32>} : memref<128x128xf32, #tpu.memory_space<vmem>>, vector<1x16xf32>,
      %mul3A_1157 = arith.constant 2 : i32
      %mul3A_1158 = arith.muli %add3A_1036, %mul3A_1157 : i32
      %add3A_1159 = arith.constant 1 : i32
      %add3A_1160 = arith.addi %mul3A_1158, %add3A_1159 : i32
      %swap3A_1161 = arith.index_cast %add3A_1160 : i32 to index
      %swap3A_1162 = arith.constant 64 : index
      %swap3A_1163 = tpu.vector_load %arg10[%swap3A_1161, %swap3A_1162] {strides = array<i32>} : memref<128x128xf32, #tpu.memory_space<vmem>>, vector<1x16xf32>,
      %swap3A_1164 = vector.shape_cast %swap3A_1163 : vector<1x16xf32> to vector<16xf32>
      %swap3A_1165 = vector.shape_cast %parallel_loop3A_1120#4 : vector<16xf32> to vector<1x16xf32>
      tpu.vector_store %arg10[%swap3A_1161, %swap3A_1162], %swap3A_1165 {strides = array<i32>} : memref<128x128xf32, #tpu.memory_space<vmem>>, vector<1x16xf32>,
      %mul3A_1166 = arith.constant 2 : i32
      %mul3A_1167 = arith.muli %add3A_1036, %mul3A_1166 : i32
      %add3A_1168 = arith.constant 1 : i32
      %add3A_1169 = arith.addi %mul3A_1167, %add3A_1168 : i32
      %swap3A_1170 = arith.index_cast %add3A_1169 : i32 to index
      %swap3A_1171 = arith.constant 80 : index
      %swap3A_1172 = tpu.vector_load %arg10[%swap3A_1170, %swap3A_1171] {strides = array<i32>} : memref<128x128xf32, #tpu.memory_space<vmem>>, vector<1x16xf32>,
      %swap3A_1173 = vector.shape_cast %swap3A_1172 : vector<1x16xf32> to vector<16xf32>
      %swap3A_1174 = vector.shape_cast %parallel_loop3A_1120#5 : vector<16xf32> to vector<1x16xf32>
      tpu.vector_store %arg10[%swap3A_1170, %swap3A_1171], %swap3A_1174 {strides = array<i32>} : memref<128x128xf32, #tpu.memory_space<vmem>>, vector<1x16xf32>,
      %mul3A_1175 = arith.constant 2 : i32
      %mul3A_1176 = arith.muli %add3A_1036, %mul3A_1175 : i32
      %add3A_1177 = arith.constant 1 : i32
      %add3A_1178 = arith.addi %mul3A_1176, %add3A_1177 : i32
      %swap3A_1179 = arith.index_cast %add3A_1178 : i32 to index
      %swap3A_1180 = arith.constant 96 : index
      %swap3A_1181 = tpu.vector_load %arg10[%swap3A_1179, %swap3A_1180] {strides = array<i32>} : memref<128x128xf32, #tpu.memory_space<vmem>>, vector<1x16xf32>,
      %swap3A_1182 = vector.shape_cast %swap3A_1181 : vector<1x16xf32> to vector<16xf32>
      %swap3A_1183 = vector.shape_cast %parallel_loop3A_1120#6 : vector<16xf32> to vector<1x16xf32>
      tpu.vector_store %arg10[%swap3A_1179, %swap3A_1180], %swap3A_1183 {strides = array<i32>} : memref<128x128xf32, #tpu.memory_space<vmem>>, vector<1x16xf32>,
      %mul3A_1184 = arith.constant 2 : i32
      %mul3A_1185 = arith.muli %add3A_1036, %mul3A_1184 : i32
      %add3A_1186 = arith.constant 1 : i32
      %add3A_1187 = arith.addi %mul3A_1185, %add3A_1186 : i32
      %swap3A_1188 = arith.index_cast %add3A_1187 : i32 to index
      %swap3A_1189 = arith.constant 112 : index
      %swap3A_1190 = tpu.vector_load %arg10[%swap3A_1188, %swap3A_1189] {strides = array<i32>} : memref<128x128xf32, #tpu.memory_space<vmem>>, vector<1x16xf32>,
      %swap3A_1191 = vector.shape_cast %swap3A_1190 : vector<1x16xf32> to vector<16xf32>
      %swap3A_1192 = vector.shape_cast %parallel_loop3A_1120#7 : vector<16xf32> to vector<1x16xf32>
      tpu.vector_store %arg10[%swap3A_1188, %swap3A_1189], %swap3A_1192 {strides = array<i32>} : memref<128x128xf32, #tpu.memory_space<vmem>>, vector<1x16xf32>,
      %add3A_1193 = arith.constant 3 : i32
      %add3A_1194 = arith.addi %mul3A_498, %add3A_1193 : i32
      %add3A_1195 = arith.constant 4 : i32
      %add3A_1196 = arith.addi %add3A_1194, %add3A_1195 : i32
      %dma_start3A_1197 = arith.constant 0 : i32
      %dma_start3A_1198 = tpu.memref_slice %arg5[%add3A_1196, %dma_start3A_1197] : memref<64x100xi32, #tpu.memory_space<vmem>> -> memref<1x100xi32, #tpu.memory_space<vmem>>
      %dma_start3A_1199 = tpu.memref_squeeze %dma_start3A_1198 : memref<1x100xi32, #tpu.memory_space<vmem>> -> memref<100xi32, #tpu.memory_space<vmem>>
      %dma_start3A_1200 = arith.constant 0 : i32
      %dma_start3A_1201 = arith.constant 0 : i32
      %dma_start3A_1202 = tpu.memref_slice %arg2[%dma_start3A_1200, %dma_start3A_1201] : memref<100000x128xf32, #tpu.memory_space<hbm>> -> memref<100000x128xf32, #tpu.memory_space<hbm>>
      tpu.enqueue_indirect_dma source(%dma_start3A_1202 : memref<100000x128xf32, #tpu.memory_space<hbm>>) target(%arg9 : memref<100x128xf32, #tpu.memory_space<vmem>>) offsets(%dma_start3A_1199 : memref<100xi32, #tpu.memory_space<vmem>>) semaphore(%arg14 : memref<!tpu.dma_semaphore, #tpu.memory_space<semaphore_mem>>)
    }
    %scan3A_33 = arith.constant 15 : i32
    %dma_wait3A = arith.constant 60 : i32
    %dma_wait3A_34 = arith.constant 0 : i32
    %dma_wait3A_35 = tpu.memref_slice %arg5[%dma_wait3A, %dma_wait3A_34] : memref<64x100xi32, #tpu.memory_space<vmem>> -> memref<1x100xi32, #tpu.memory_space<vmem>>
    %dma_wait3A_36 = tpu.memref_squeeze %dma_wait3A_35 : memref<1x100xi32, #tpu.memory_space<vmem>> -> memref<100xi32, #tpu.memory_space<vmem>>
    %dma_wait3A_37 = arith.constant 0 : i32
    %dma_wait3A_38 = arith.constant 0 : i32
    %dma_wait3A_39 = tpu.memref_slice %arg2[%dma_wait3A_37, %dma_wait3A_38] : memref<100000x128xf32, #tpu.memory_space<hbm>> -> memref<100000x128xf32, #tpu.memory_space<hbm>>
    tpu.wait_indirect_dma semaphore(%arg11 : memref<!tpu.dma_semaphore, #tpu.memory_space<semaphore_mem>>) src(%dma_wait3A_39 : memref<100000x128xf32, #tpu.memory_space<hbm>>) dst(%arg6 : memref<100x128xf32, #tpu.memory_space<vmem>>)
    %broadcast_in_dim3A = arith.constant 0.000000e+00 : f32
    %broadcast_in_dim3A_40 = vector.broadcast %broadcast_in_dim3A : f32 to vector<16xf32>
    %parallel_loop3A = arith.constant 0 : i32
    %parallel_loop3A_41 = arith.constant 50 : i32
    %parallel_loop3A_42 = arith.constant 1 : i32
    %parallel_loop3A_43:8 = scf.for %parallel_loop3A_492 = %parallel_loop3A to %parallel_loop3A_41 step %parallel_loop3A_42 iter_args(%parallel_loop3A_493 = %broadcast_in_dim3A_40, %parallel_loop3A_494 = %broadcast_in_dim3A_40, %parallel_loop3A_495 = %broadcast_in_dim3A_40, %parallel_loop3A_496 = %broadcast_in_dim3A_40, %parallel_loop3A_497 = %broadcast_in_dim3A_40, %parallel_loop3A_498 = %broadcast_in_dim3A_40, %parallel_loop3A_499 = %broadcast_in_dim3A_40, %parallel_loop3A_500 = %broadcast_in_dim3A_40) -> (vector<16xf32>, vector<16xf32>, vector<16xf32>, vector<16xf32>, vector<16xf32>, vector<16xf32>, vector<16xf32>, vector<16xf32>)  : i32 {
      %parallel_loop3A_501 = arith.index_cast %parallel_loop3A_492 : i32 to index
      %parallel_loop3A_502 = arith.constant 0 : index
      %parallel_loop3A_503 = tpu.vector_load %arg6[%parallel_loop3A_501, %parallel_loop3A_502] {strides = array<i32>} : memref<100x128xf32, #tpu.memory_space<vmem>>, vector<1x16xf32>,
      %parallel_loop3A_504 = vector.shape_cast %parallel_loop3A_503 : vector<1x16xf32> to vector<16xf32>
      %parallel_loop3A_505 = arith.addf %parallel_loop3A_493, %parallel_loop3A_504 : vector<16xf32>
      %parallel_loop3A_506 = arith.index_cast %parallel_loop3A_492 : i32 to index
      %parallel_loop3A_507 = arith.constant 16 : index
      %parallel_loop3A_508 = tpu.vector_load %arg6[%parallel_loop3A_506, %parallel_loop3A_507] {strides = array<i32>} : memref<100x128xf32, #tpu.memory_space<vmem>>, vector<1x16xf32>,
      %parallel_loop3A_509 = vector.shape_cast %parallel_loop3A_508 : vector<1x16xf32> to vector<16xf32>
      %parallel_loop3A_510 = arith.addf %parallel_loop3A_494, %parallel_loop3A_509 : vector<16xf32>
      %parallel_loop3A_511 = arith.index_cast %parallel_loop3A_492 : i32 to index
      %parallel_loop3A_512 = arith.constant 32 : index
      %parallel_loop3A_513 = tpu.vector_load %arg6[%parallel_loop3A_511, %parallel_loop3A_512] {strides = array<i32>} : memref<100x128xf32, #tpu.memory_space<vmem>>, vector<1x16xf32>,
      %parallel_loop3A_514 = vector.shape_cast %parallel_loop3A_513 : vector<1x16xf32> to vector<16xf32>
      %parallel_loop3A_515 = arith.addf %parallel_loop3A_495, %parallel_loop3A_514 : vector<16xf32>
      %parallel_loop3A_516 = arith.index_cast %parallel_loop3A_492 : i32 to index
      %parallel_loop3A_517 = arith.constant 48 : index
      %parallel_loop3A_518 = tpu.vector_load %arg6[%parallel_loop3A_516, %parallel_loop3A_517] {strides = array<i32>} : memref<100x128xf32, #tpu.memory_space<vmem>>, vector<1x16xf32>,
      %parallel_loop3A_519 = vector.shape_cast %parallel_loop3A_518 : vector<1x16xf32> to vector<16xf32>
      %parallel_loop3A_520 = arith.addf %parallel_loop3A_496, %parallel_loop3A_519 : vector<16xf32>
      %parallel_loop3A_521 = arith.index_cast %parallel_loop3A_492 : i32 to index
      %parallel_loop3A_522 = arith.constant 64 : index
      %parallel_loop3A_523 = tpu.vector_load %arg6[%parallel_loop3A_521, %parallel_loop3A_522] {strides = array<i32>} : memref<100x128xf32, #tpu.memory_space<vmem>>, vector<1x16xf32>,
      %parallel_loop3A_524 = vector.shape_cast %parallel_loop3A_523 : vector<1x16xf32> to vector<16xf32>
      %parallel_loop3A_525 = arith.addf %parallel_loop3A_497, %parallel_loop3A_524 : vector<16xf32>
      %parallel_loop3A_526 = arith.index_cast %parallel_loop3A_492 : i32 to index
      %parallel_loop3A_527 = arith.constant 80 : index
      %parallel_loop3A_528 = tpu.vector_load %arg6[%parallel_loop3A_526, %parallel_loop3A_527] {strides = array<i32>} : memref<100x128xf32, #tpu.memory_space<vmem>>, vector<1x16xf32>,
      %parallel_loop3A_529 = vector.shape_cast %parallel_loop3A_528 : vector<1x16xf32> to vector<16xf32>
      %parallel_loop3A_530 = arith.addf %parallel_loop3A_498, %parallel_loop3A_529 : vector<16xf32>
      %parallel_loop3A_531 = arith.index_cast %parallel_loop3A_492 : i32 to index
      %parallel_loop3A_532 = arith.constant 96 : index
      %parallel_loop3A_533 = tpu.vector_load %arg6[%parallel_loop3A_531, %parallel_loop3A_532] {strides = array<i32>} : memref<100x128xf32, #tpu.memory_space<vmem>>, vector<1x16xf32>,
      %parallel_loop3A_534 = vector.shape_cast %parallel_loop3A_533 : vector<1x16xf32> to vector<16xf32>
      %parallel_loop3A_535 = arith.addf %parallel_loop3A_499, %parallel_loop3A_534 : vector<16xf32>
      %parallel_loop3A_536 = arith.index_cast %parallel_loop3A_492 : i32 to index
      %parallel_loop3A_537 = arith.constant 112 : index
      %parallel_loop3A_538 = tpu.vector_load %arg6[%parallel_loop3A_536, %parallel_loop3A_537] {strides = array<i32>} : memref<100x128xf32, #tpu.memory_space<vmem>>, vector<1x16xf32>,
      %parallel_loop3A_539 = vector.shape_cast %parallel_loop3A_538 : vector<1x16xf32> to vector<16xf32>
      %parallel_loop3A_540 = arith.addf %parallel_loop3A_500, %parallel_loop3A_539 : vector<16xf32>
      scf.yield %parallel_loop3A_505, %parallel_loop3A_510, %parallel_loop3A_515, %parallel_loop3A_520, %parallel_loop3A_525, %parallel_loop3A_530, %parallel_loop3A_535, %parallel_loop3A_540 : vector<16xf32>, vector<16xf32>, vector<16xf32>, vector<16xf32>, vector<16xf32>, vector<16xf32>, vector<16xf32>, vector<16xf32>
    } {sc.loop_unroll_factor = 10 : i64, sc.parallel_access}
    %swap3A = arith.constant 120 : i32
    %swap3A_44 = arith.index_cast %swap3A : i32 to index
    %swap3A_45 = arith.constant 0 : index
    %swap3A_46 = tpu.vector_load %arg10[%swap3A_44, %swap3A_45] {strides = array<i32>} : memref<128x128xf32, #tpu.memory_space<vmem>>, vector<1x16xf32>,
    %swap3A_47 = vector.shape_cast %swap3A_46 : vector<1x16xf32> to vector<16xf32>
    %swap3A_48 = vector.shape_cast %parallel_loop3A_43#0 : vector<16xf32> to vector<1x16xf32>
    tpu.vector_store %arg10[%swap3A_44, %swap3A_45], %swap3A_48 {strides = array<i32>} : memref<128x128xf32, #tpu.memory_space<vmem>>, vector<1x16xf32>,
    %swap3A_49 = arith.constant 120 : i32
    %swap3A_50 = arith.index_cast %swap3A_49 : i32 to index
    %swap3A_51 = arith.constant 16 : index
    %swap3A_52 = tpu.vector_load %arg10[%swap3A_50, %swap3A_51] {strides = array<i32>} : memref<128x128xf32, #tpu.memory_space<vmem>>, vector<1x16xf32>,
    %swap3A_53 = vector.shape_cast %swap3A_52 : vector<1x16xf32> to vector<16xf32>
    %swap3A_54 = vector.shape_cast %parallel_loop3A_43#1 : vector<16xf32> to vector<1x16xf32>
    tpu.vector_store %arg10[%swap3A_50, %swap3A_51], %swap3A_54 {strides = array<i32>} : memref<128x128xf32, #tpu.memory_space<vmem>>, vector<1x16xf32>,
    %swap3A_55 = arith.constant 120 : i32
    %swap3A_56 = arith.index_cast %swap3A_55 : i32 to index
    %swap3A_57 = arith.constant 32 : index
    %swap3A_58 = tpu.vector_load %arg10[%swap3A_56, %swap3A_57] {strides = array<i32>} : memref<128x128xf32, #tpu.memory_space<vmem>>, vector<1x16xf32>,
    %swap3A_59 = vector.shape_cast %swap3A_58 : vector<1x16xf32> to vector<16xf32>
    %swap3A_60 = vector.shape_cast %parallel_loop3A_43#2 : vector<16xf32> to vector<1x16xf32>
    tpu.vector_store %arg10[%swap3A_56, %swap3A_57], %swap3A_60 {strides = array<i32>} : memref<128x128xf32, #tpu.memory_space<vmem>>, vector<1x16xf32>,
    %swap3A_61 = arith.constant 120 : i32
    %swap3A_62 = arith.index_cast %swap3A_61 : i32 to index
    %swap3A_63 = arith.constant 48 : index
    %swap3A_64 = tpu.vector_load %arg10[%swap3A_62, %swap3A_63] {strides = array<i32>} : memref<128x128xf32, #tpu.memory_space<vmem>>, vector<1x16xf32>,
    %swap3A_65 = vector.shape_cast %swap3A_64 : vector<1x16xf32> to vector<16xf32>
    %swap3A_66 = vector.shape_cast %parallel_loop3A_43#3 : vector<16xf32> to vector<1x16xf32>
    tpu.vector_store %arg10[%swap3A_62, %swap3A_63], %swap3A_66 {strides = array<i32>} : memref<128x128xf32, #tpu.memory_space<vmem>>, vector<1x16xf32>,
    %swap3A_67 = arith.constant 120 : i32
    %swap3A_68 = arith.index_cast %swap3A_67 : i32 to index
    %swap3A_69 = arith.constant 64 : index
    %swap3A_70 = tpu.vector_load %arg10[%swap3A_68, %swap3A_69] {strides = array<i32>} : memref<128x128xf32, #tpu.memory_space<vmem>>, vector<1x16xf32>,
    %swap3A_71 = vector.shape_cast %swap3A_70 : vector<1x16xf32> to vector<16xf32>
    %swap3A_72 = vector.shape_cast %parallel_loop3A_43#4 : vector<16xf32> to vector<1x16xf32>
    tpu.vector_store %arg10[%swap3A_68, %swap3A_69], %swap3A_72 {strides = array<i32>} : memref<128x128xf32, #tpu.memory_space<vmem>>, vector<1x16xf32>,
    %swap3A_73 = arith.constant 120 : i32
    %swap3A_74 = arith.index_cast %swap3A_73 : i32 to index
    %swap3A_75 = arith.constant 80 : index
    %swap3A_76 = tpu.vector_load %arg10[%swap3A_74, %swap3A_75] {strides = array<i32>} : memref<128x128xf32, #tpu.memory_space<vmem>>, vector<1x16xf32>,
    %swap3A_77 = vector.shape_cast %swap3A_76 : vector<1x16xf32> to vector<16xf32>
    %swap3A_78 = vector.shape_cast %parallel_loop3A_43#5 : vector<16xf32> to vector<1x16xf32>
    tpu.vector_store %arg10[%swap3A_74, %swap3A_75], %swap3A_78 {strides = array<i32>} : memref<128x128xf32, #tpu.memory_space<vmem>>, vector<1x16xf32>,
    %swap3A_79 = arith.constant 120 : i32
    %swap3A_80 = arith.index_cast %swap3A_79 : i32 to index
    %swap3A_81 = arith.constant 96 : index
    %swap3A_82 = tpu.vector_load %arg10[%swap3A_80, %swap3A_81] {strides = array<i32>} : memref<128x128xf32, #tpu.memory_space<vmem>>, vector<1x16xf32>,
    %swap3A_83 = vector.shape_cast %swap3A_82 : vector<1x16xf32> to vector<16xf32>
    %swap3A_84 = vector.shape_cast %parallel_loop3A_43#6 : vector<16xf32> to vector<1x16xf32>
    tpu.vector_store %arg10[%swap3A_80, %swap3A_81], %swap3A_84 {strides = array<i32>} : memref<128x128xf32, #tpu.memory_space<vmem>>, vector<1x16xf32>,
    %swap3A_85 = arith.constant 120 : i32
    %swap3A_86 = arith.index_cast %swap3A_85 : i32 to index
    %swap3A_87 = arith.constant 112 : index
    %swap3A_88 = tpu.vector_load %arg10[%swap3A_86, %swap3A_87] {strides = array<i32>} : memref<128x128xf32, #tpu.memory_space<vmem>>, vector<1x16xf32>,
    %swap3A_89 = vector.shape_cast %swap3A_88 : vector<1x16xf32> to vector<16xf32>
    %swap3A_90 = vector.shape_cast %parallel_loop3A_43#7 : vector<16xf32> to vector<1x16xf32>
    tpu.vector_store %arg10[%swap3A_86, %swap3A_87], %swap3A_90 {strides = array<i32>} : memref<128x128xf32, #tpu.memory_space<vmem>>, vector<1x16xf32>,
    %broadcast_in_dim3A_91 = arith.constant 0.000000e+00 : f32
    %broadcast_in_dim3A_92 = vector.broadcast %broadcast_in_dim3A_91 : f32 to vector<16xf32>
    %parallel_loop3A_93 = arith.constant 50 : i32
    %parallel_loop3A_94 = arith.constant 100 : i32
    %parallel_loop3A_95 = arith.constant 1 : i32
    %parallel_loop3A_96:8 = scf.for %parallel_loop3A_492 = %parallel_loop3A_93 to %parallel_loop3A_94 step %parallel_loop3A_95 iter_args(%parallel_loop3A_493 = %broadcast_in_dim3A_92, %parallel_loop3A_494 = %broadcast_in_dim3A_92, %parallel_loop3A_495 = %broadcast_in_dim3A_92, %parallel_loop3A_496 = %broadcast_in_dim3A_92, %parallel_loop3A_497 = %broadcast_in_dim3A_92, %parallel_loop3A_498 = %broadcast_in_dim3A_92, %parallel_loop3A_499 = %broadcast_in_dim3A_92, %parallel_loop3A_500 = %broadcast_in_dim3A_92) -> (vector<16xf32>, vector<16xf32>, vector<16xf32>, vector<16xf32>, vector<16xf32>, vector<16xf32>, vector<16xf32>, vector<16xf32>)  : i32 {
      %parallel_loop3A_501 = arith.index_cast %parallel_loop3A_492 : i32 to index
      %parallel_loop3A_502 = arith.constant 0 : index
      %parallel_loop3A_503 = tpu.vector_load %arg6[%parallel_loop3A_501, %parallel_loop3A_502] {strides = array<i32>} : memref<100x128xf32, #tpu.memory_space<vmem>>, vector<1x16xf32>,
      %parallel_loop3A_504 = vector.shape_cast %parallel_loop3A_503 : vector<1x16xf32> to vector<16xf32>
      %parallel_loop3A_505 = arith.addf %parallel_loop3A_493, %parallel_loop3A_504 : vector<16xf32>
      %parallel_loop3A_506 = arith.index_cast %parallel_loop3A_492 : i32 to index
      %parallel_loop3A_507 = arith.constant 16 : index
      %parallel_loop3A_508 = tpu.vector_load %arg6[%parallel_loop3A_506, %parallel_loop3A_507] {strides = array<i32>} : memref<100x128xf32, #tpu.memory_space<vmem>>, vector<1x16xf32>,
      %parallel_loop3A_509 = vector.shape_cast %parallel_loop3A_508 : vector<1x16xf32> to vector<16xf32>
      %parallel_loop3A_510 = arith.addf %parallel_loop3A_494, %parallel_loop3A_509 : vector<16xf32>
      %parallel_loop3A_511 = arith.index_cast %parallel_loop3A_492 : i32 to index
      %parallel_loop3A_512 = arith.constant 32 : index
      %parallel_loop3A_513 = tpu.vector_load %arg6[%parallel_loop3A_511, %parallel_loop3A_512] {strides = array<i32>} : memref<100x128xf32, #tpu.memory_space<vmem>>, vector<1x16xf32>,
      %parallel_loop3A_514 = vector.shape_cast %parallel_loop3A_513 : vector<1x16xf32> to vector<16xf32>
      %parallel_loop3A_515 = arith.addf %parallel_loop3A_495, %parallel_loop3A_514 : vector<16xf32>
      %parallel_loop3A_516 = arith.index_cast %parallel_loop3A_492 : i32 to index
      %parallel_loop3A_517 = arith.constant 48 : index
      %parallel_loop3A_518 = tpu.vector_load %arg6[%parallel_loop3A_516, %parallel_loop3A_517] {strides = array<i32>} : memref<100x128xf32, #tpu.memory_space<vmem>>, vector<1x16xf32>,
      %parallel_loop3A_519 = vector.shape_cast %parallel_loop3A_518 : vector<1x16xf32> to vector<16xf32>
      %parallel_loop3A_520 = arith.addf %parallel_loop3A_496, %parallel_loop3A_519 : vector<16xf32>
      %parallel_loop3A_521 = arith.index_cast %parallel_loop3A_492 : i32 to index
      %parallel_loop3A_522 = arith.constant 64 : index
      %parallel_loop3A_523 = tpu.vector_load %arg6[%parallel_loop3A_521, %parallel_loop3A_522] {strides = array<i32>} : memref<100x128xf32, #tpu.memory_space<vmem>>, vector<1x16xf32>,
      %parallel_loop3A_524 = vector.shape_cast %parallel_loop3A_523 : vector<1x16xf32> to vector<16xf32>
      %parallel_loop3A_525 = arith.addf %parallel_loop3A_497, %parallel_loop3A_524 : vector<16xf32>
      %parallel_loop3A_526 = arith.index_cast %parallel_loop3A_492 : i32 to index
      %parallel_loop3A_527 = arith.constant 80 : index
      %parallel_loop3A_528 = tpu.vector_load %arg6[%parallel_loop3A_526, %parallel_loop3A_527] {strides = array<i32>} : memref<100x128xf32, #tpu.memory_space<vmem>>, vector<1x16xf32>,
      %parallel_loop3A_529 = vector.shape_cast %parallel_loop3A_528 : vector<1x16xf32> to vector<16xf32>
      %parallel_loop3A_530 = arith.addf %parallel_loop3A_498, %parallel_loop3A_529 : vector<16xf32>
      %parallel_loop3A_531 = arith.index_cast %parallel_loop3A_492 : i32 to index
      %parallel_loop3A_532 = arith.constant 96 : index
      %parallel_loop3A_533 = tpu.vector_load %arg6[%parallel_loop3A_531, %parallel_loop3A_532] {strides = array<i32>} : memref<100x128xf32, #tpu.memory_space<vmem>>, vector<1x16xf32>,
      %parallel_loop3A_534 = vector.shape_cast %parallel_loop3A_533 : vector<1x16xf32> to vector<16xf32>
      %parallel_loop3A_535 = arith.addf %parallel_loop3A_499, %parallel_loop3A_534 : vector<16xf32>
      %parallel_loop3A_536 = arith.index_cast %parallel_loop3A_492 : i32 to index
      %parallel_loop3A_537 = arith.constant 112 : index
      %parallel_loop3A_538 = tpu.vector_load %arg6[%parallel_loop3A_536, %parallel_loop3A_537] {strides = array<i32>} : memref<100x128xf32, #tpu.memory_space<vmem>>, vector<1x16xf32>,
      %parallel_loop3A_539 = vector.shape_cast %parallel_loop3A_538 : vector<1x16xf32> to vector<16xf32>
      %parallel_loop3A_540 = arith.addf %parallel_loop3A_500, %parallel_loop3A_539 : vector<16xf32>
      scf.yield %parallel_loop3A_505, %parallel_loop3A_510, %parallel_loop3A_515, %parallel_loop3A_520, %parallel_loop3A_525, %parallel_loop3A_530, %parallel_loop3A_535, %parallel_loop3A_540 : vector<16xf32>, vector<16xf32>, vector<16xf32>, vector<16xf32>, vector<16xf32>, vector<16xf32>, vector<16xf32>, vector<16xf32>
    } {sc.loop_unroll_factor = 10 : i64, sc.parallel_access}
    %swap3A_97 = arith.constant 121 : i32
    %swap3A_98 = arith.index_cast %swap3A_97 : i32 to index
    %swap3A_99 = arith.constant 0 : index
    %swap3A_100 = tpu.vector_load %arg10[%swap3A_98, %swap3A_99] {strides = array<i32>} : memref<128x128xf32, #tpu.memory_space<vmem>>, vector<1x16xf32>,
    %swap3A_101 = vector.shape_cast %swap3A_100 : vector<1x16xf32> to vector<16xf32>
    %swap3A_102 = vector.shape_cast %parallel_loop3A_96#0 : vector<16xf32> to vector<1x16xf32>
    tpu.vector_store %arg10[%swap3A_98, %swap3A_99], %swap3A_102 {strides = array<i32>} : memref<128x128xf32, #tpu.memory_space<vmem>>, vector<1x16xf32>,
    %swap3A_103 = arith.constant 121 : i32
    %swap3A_104 = arith.index_cast %swap3A_103 : i32 to index
    %swap3A_105 = arith.constant 16 : index
    %swap3A_106 = tpu.vector_load %arg10[%swap3A_104, %swap3A_105] {strides = array<i32>} : memref<128x128xf32, #tpu.memory_space<vmem>>, vector<1x16xf32>,
    %swap3A_107 = vector.shape_cast %swap3A_106 : vector<1x16xf32> to vector<16xf32>
    %swap3A_108 = vector.shape_cast %parallel_loop3A_96#1 : vector<16xf32> to vector<1x16xf32>
    tpu.vector_store %arg10[%swap3A_104, %swap3A_105], %swap3A_108 {strides = array<i32>} : memref<128x128xf32, #tpu.memory_space<vmem>>, vector<1x16xf32>,
    %swap3A_109 = arith.constant 121 : i32
    %swap3A_110 = arith.index_cast %swap3A_109 : i32 to index
    %swap3A_111 = arith.constant 32 : index
    %swap3A_112 = tpu.vector_load %arg10[%swap3A_110, %swap3A_111] {strides = array<i32>} : memref<128x128xf32, #tpu.memory_space<vmem>>, vector<1x16xf32>,
    %swap3A_113 = vector.shape_cast %swap3A_112 : vector<1x16xf32> to vector<16xf32>
    %swap3A_114 = vector.shape_cast %parallel_loop3A_96#2 : vector<16xf32> to vector<1x16xf32>
    tpu.vector_store %arg10[%swap3A_110, %swap3A_111], %swap3A_114 {strides = array<i32>} : memref<128x128xf32, #tpu.memory_space<vmem>>, vector<1x16xf32>,
    %swap3A_115 = arith.constant 121 : i32
    %swap3A_116 = arith.index_cast %swap3A_115 : i32 to index
    %swap3A_117 = arith.constant 48 : index
    %swap3A_118 = tpu.vector_load %arg10[%swap3A_116, %swap3A_117] {strides = array<i32>} : memref<128x128xf32, #tpu.memory_space<vmem>>, vector<1x16xf32>,
    %swap3A_119 = vector.shape_cast %swap3A_118 : vector<1x16xf32> to vector<16xf32>
    %swap3A_120 = vector.shape_cast %parallel_loop3A_96#3 : vector<16xf32> to vector<1x16xf32>
    tpu.vector_store %arg10[%swap3A_116, %swap3A_117], %swap3A_120 {strides = array<i32>} : memref<128x128xf32, #tpu.memory_space<vmem>>, vector<1x16xf32>,
    %swap3A_121 = arith.constant 121 : i32
    %swap3A_122 = arith.index_cast %swap3A_121 : i32 to index
    %swap3A_123 = arith.constant 64 : index
    %swap3A_124 = tpu.vector_load %arg10[%swap3A_122, %swap3A_123] {strides = array<i32>} : memref<128x128xf32, #tpu.memory_space<vmem>>, vector<1x16xf32>,
    %swap3A_125 = vector.shape_cast %swap3A_124 : vector<1x16xf32> to vector<16xf32>
    %swap3A_126 = vector.shape_cast %parallel_loop3A_96#4 : vector<16xf32> to vector<1x16xf32>
    tpu.vector_store %arg10[%swap3A_122, %swap3A_123], %swap3A_126 {strides = array<i32>} : memref<128x128xf32, #tpu.memory_space<vmem>>, vector<1x16xf32>,
    %swap3A_127 = arith.constant 121 : i32
    %swap3A_128 = arith.index_cast %swap3A_127 : i32 to index
    %swap3A_129 = arith.constant 80 : index
    %swap3A_130 = tpu.vector_load %arg10[%swap3A_128, %swap3A_129] {strides = array<i32>} : memref<128x128xf32, #tpu.memory_space<vmem>>, vector<1x16xf32>,
    %swap3A_131 = vector.shape_cast %swap3A_130 : vector<1x16xf32> to vector<16xf32>
    %swap3A_132 = vector.shape_cast %parallel_loop3A_96#5 : vector<16xf32> to vector<1x16xf32>
    tpu.vector_store %arg10[%swap3A_128, %swap3A_129], %swap3A_132 {strides = array<i32>} : memref<128x128xf32, #tpu.memory_space<vmem>>, vector<1x16xf32>,
    %swap3A_133 = arith.constant 121 : i32
    %swap3A_134 = arith.index_cast %swap3A_133 : i32 to index
    %swap3A_135 = arith.constant 96 : index
    %swap3A_136 = tpu.vector_load %arg10[%swap3A_134, %swap3A_135] {strides = array<i32>} : memref<128x128xf32, #tpu.memory_space<vmem>>, vector<1x16xf32>,
    %swap3A_137 = vector.shape_cast %swap3A_136 : vector<1x16xf32> to vector<16xf32>
    %swap3A_138 = vector.shape_cast %parallel_loop3A_96#6 : vector<16xf32> to vector<1x16xf32>
    tpu.vector_store %arg10[%swap3A_134, %swap3A_135], %swap3A_138 {strides = array<i32>} : memref<128x128xf32, #tpu.memory_space<vmem>>, vector<1x16xf32>,
    %swap3A_139 = arith.constant 121 : i32
    %swap3A_140 = arith.index_cast %swap3A_139 : i32 to index
    %swap3A_141 = arith.constant 112 : index
    %swap3A_142 = tpu.vector_load %arg10[%swap3A_140, %swap3A_141] {strides = array<i32>} : memref<128x128xf32, #tpu.memory_space<vmem>>, vector<1x16xf32>,
    %swap3A_143 = vector.shape_cast %swap3A_142 : vector<1x16xf32> to vector<16xf32>
    %swap3A_144 = vector.shape_cast %parallel_loop3A_96#7 : vector<16xf32> to vector<1x16xf32>
    tpu.vector_store %arg10[%swap3A_140, %swap3A_141], %swap3A_144 {strides = array<i32>} : memref<128x128xf32, #tpu.memory_space<vmem>>, vector<1x16xf32>,
    %dma_wait3A_145 = arith.constant 61 : i32
    %dma_wait3A_146 = arith.constant 0 : i32
    %dma_wait3A_147 = tpu.memref_slice %arg5[%dma_wait3A_145, %dma_wait3A_146] : memref<64x100xi32, #tpu.memory_space<vmem>> -> memref<1x100xi32, #tpu.memory_space<vmem>>
    %dma_wait3A_148 = tpu.memref_squeeze %dma_wait3A_147 : memref<1x100xi32, #tpu.memory_space<vmem>> -> memref<100xi32, #tpu.memory_space<vmem>>
    %dma_wait3A_149 = arith.constant 0 : i32
    %dma_wait3A_150 = arith.constant 0 : i32
    %dma_wait3A_151 = tpu.memref_slice %arg2[%dma_wait3A_149, %dma_wait3A_150] : memref<100000x128xf32, #tpu.memory_space<hbm>> -> memref<100000x128xf32, #tpu.memory_space<hbm>>
    tpu.wait_indirect_dma semaphore(%arg12 : memref<!tpu.dma_semaphore, #tpu.memory_space<semaphore_mem>>) src(%dma_wait3A_151 : memref<100000x128xf32, #tpu.memory_space<hbm>>) dst(%arg7 : memref<100x128xf32, #tpu.memory_space<vmem>>)
    %broadcast_in_dim3A_152 = arith.constant 0.000000e+00 : f32
    %broadcast_in_dim3A_153 = vector.broadcast %broadcast_in_dim3A_152 : f32 to vector<16xf32>
    %parallel_loop3A_154 = arith.constant 0 : i32
    %parallel_loop3A_155 = arith.constant 50 : i32
    %parallel_loop3A_156 = arith.constant 1 : i32
    %parallel_loop3A_157:8 = scf.for %parallel_loop3A_492 = %parallel_loop3A_154 to %parallel_loop3A_155 step %parallel_loop3A_156 iter_args(%parallel_loop3A_493 = %broadcast_in_dim3A_153, %parallel_loop3A_494 = %broadcast_in_dim3A_153, %parallel_loop3A_495 = %broadcast_in_dim3A_153, %parallel_loop3A_496 = %broadcast_in_dim3A_153, %parallel_loop3A_497 = %broadcast_in_dim3A_153, %parallel_loop3A_498 = %broadcast_in_dim3A_153, %parallel_loop3A_499 = %broadcast_in_dim3A_153, %parallel_loop3A_500 = %broadcast_in_dim3A_153) -> (vector<16xf32>, vector<16xf32>, vector<16xf32>, vector<16xf32>, vector<16xf32>, vector<16xf32>, vector<16xf32>, vector<16xf32>)  : i32 {
      %parallel_loop3A_501 = arith.index_cast %parallel_loop3A_492 : i32 to index
      %parallel_loop3A_502 = arith.constant 0 : index
      %parallel_loop3A_503 = tpu.vector_load %arg7[%parallel_loop3A_501, %parallel_loop3A_502] {strides = array<i32>} : memref<100x128xf32, #tpu.memory_space<vmem>>, vector<1x16xf32>,
      %parallel_loop3A_504 = vector.shape_cast %parallel_loop3A_503 : vector<1x16xf32> to vector<16xf32>
      %parallel_loop3A_505 = arith.addf %parallel_loop3A_493, %parallel_loop3A_504 : vector<16xf32>
      %parallel_loop3A_506 = arith.index_cast %parallel_loop3A_492 : i32 to index
      %parallel_loop3A_507 = arith.constant 16 : index
      %parallel_loop3A_508 = tpu.vector_load %arg7[%parallel_loop3A_506, %parallel_loop3A_507] {strides = array<i32>} : memref<100x128xf32, #tpu.memory_space<vmem>>, vector<1x16xf32>,
      %parallel_loop3A_509 = vector.shape_cast %parallel_loop3A_508 : vector<1x16xf32> to vector<16xf32>
      %parallel_loop3A_510 = arith.addf %parallel_loop3A_494, %parallel_loop3A_509 : vector<16xf32>
      %parallel_loop3A_511 = arith.index_cast %parallel_loop3A_492 : i32 to index
      %parallel_loop3A_512 = arith.constant 32 : index
      %parallel_loop3A_513 = tpu.vector_load %arg7[%parallel_loop3A_511, %parallel_loop3A_512] {strides = array<i32>} : memref<100x128xf32, #tpu.memory_space<vmem>>, vector<1x16xf32>,
      %parallel_loop3A_514 = vector.shape_cast %parallel_loop3A_513 : vector<1x16xf32> to vector<16xf32>
      %parallel_loop3A_515 = arith.addf %parallel_loop3A_495, %parallel_loop3A_514 : vector<16xf32>
      %parallel_loop3A_516 = arith.index_cast %parallel_loop3A_492 : i32 to index
      %parallel_loop3A_517 = arith.constant 48 : index
      %parallel_loop3A_518 = tpu.vector_load %arg7[%parallel_loop3A_516, %parallel_loop3A_517] {strides = array<i32>} : memref<100x128xf32, #tpu.memory_space<vmem>>, vector<1x16xf32>,
      %parallel_loop3A_519 = vector.shape_cast %parallel_loop3A_518 : vector<1x16xf32> to vector<16xf32>
      %parallel_loop3A_520 = arith.addf %parallel_loop3A_496, %parallel_loop3A_519 : vector<16xf32>
      %parallel_loop3A_521 = arith.index_cast %parallel_loop3A_492 : i32 to index
      %parallel_loop3A_522 = arith.constant 64 : index
      %parallel_loop3A_523 = tpu.vector_load %arg7[%parallel_loop3A_521, %parallel_loop3A_522] {strides = array<i32>} : memref<100x128xf32, #tpu.memory_space<vmem>>, vector<1x16xf32>,
      %parallel_loop3A_524 = vector.shape_cast %parallel_loop3A_523 : vector<1x16xf32> to vector<16xf32>
      %parallel_loop3A_525 = arith.addf %parallel_loop3A_497, %parallel_loop3A_524 : vector<16xf32>
      %parallel_loop3A_526 = arith.index_cast %parallel_loop3A_492 : i32 to index
      %parallel_loop3A_527 = arith.constant 80 : index
      %parallel_loop3A_528 = tpu.vector_load %arg7[%parallel_loop3A_526, %parallel_loop3A_527] {strides = array<i32>} : memref<100x128xf32, #tpu.memory_space<vmem>>, vector<1x16xf32>,
      %parallel_loop3A_529 = vector.shape_cast %parallel_loop3A_528 : vector<1x16xf32> to vector<16xf32>
      %parallel_loop3A_530 = arith.addf %parallel_loop3A_498, %parallel_loop3A_529 : vector<16xf32>
      %parallel_loop3A_531 = arith.index_cast %parallel_loop3A_492 : i32 to index
      %parallel_loop3A_532 = arith.constant 96 : index
      %parallel_loop3A_533 = tpu.vector_load %arg7[%parallel_loop3A_531, %parallel_loop3A_532] {strides = array<i32>} : memref<100x128xf32, #tpu.memory_space<vmem>>, vector<1x16xf32>,
      %parallel_loop3A_534 = vector.shape_cast %parallel_loop3A_533 : vector<1x16xf32> to vector<16xf32>
      %parallel_loop3A_535 = arith.addf %parallel_loop3A_499, %parallel_loop3A_534 : vector<16xf32>
      %parallel_loop3A_536 = arith.index_cast %parallel_loop3A_492 : i32 to index
      %parallel_loop3A_537 = arith.constant 112 : index
      %parallel_loop3A_538 = tpu.vector_load %arg7[%parallel_loop3A_536, %parallel_loop3A_537] {strides = array<i32>} : memref<100x128xf32, #tpu.memory_space<vmem>>, vector<1x16xf32>,
      %parallel_loop3A_539 = vector.shape_cast %parallel_loop3A_538 : vector<1x16xf32> to vector<16xf32>
      %parallel_loop3A_540 = arith.addf %parallel_loop3A_500, %parallel_loop3A_539 : vector<16xf32>
      scf.yield %parallel_loop3A_505, %parallel_loop3A_510, %parallel_loop3A_515, %parallel_loop3A_520, %parallel_loop3A_525, %parallel_loop3A_530, %parallel_loop3A_535, %parallel_loop3A_540 : vector<16xf32>, vector<16xf32>, vector<16xf32>, vector<16xf32>, vector<16xf32>, vector<16xf32>, vector<16xf32>, vector<16xf32>
    } {sc.loop_unroll_factor = 10 : i64, sc.parallel_access}
    %swap3A_158 = arith.constant 122 : i32
    %swap3A_159 = arith.index_cast %swap3A_158 : i32 to index
    %swap3A_160 = arith.constant 0 : index
    %swap3A_161 = tpu.vector_load %arg10[%swap3A_159, %swap3A_160] {strides = array<i32>} : memref<128x128xf32, #tpu.memory_space<vmem>>, vector<1x16xf32>,
    %swap3A_162 = vector.shape_cast %swap3A_161 : vector<1x16xf32> to vector<16xf32>
    %swap3A_163 = vector.shape_cast %parallel_loop3A_157#0 : vector<16xf32> to vector<1x16xf32>
    tpu.vector_store %arg10[%swap3A_159, %swap3A_160], %swap3A_163 {strides = array<i32>} : memref<128x128xf32, #tpu.memory_space<vmem>>, vector<1x16xf32>,
    %swap3A_164 = arith.constant 122 : i32
    %swap3A_165 = arith.index_cast %swap3A_164 : i32 to index
    %swap3A_166 = arith.constant 16 : index
    %swap3A_167 = tpu.vector_load %arg10[%swap3A_165, %swap3A_166] {strides = array<i32>} : memref<128x128xf32, #tpu.memory_space<vmem>>, vector<1x16xf32>,
    %swap3A_168 = vector.shape_cast %swap3A_167 : vector<1x16xf32> to vector<16xf32>
    %swap3A_169 = vector.shape_cast %parallel_loop3A_157#1 : vector<16xf32> to vector<1x16xf32>
    tpu.vector_store %arg10[%swap3A_165, %swap3A_166], %swap3A_169 {strides = array<i32>} : memref<128x128xf32, #tpu.memory_space<vmem>>, vector<1x16xf32>,
    %swap3A_170 = arith.constant 122 : i32
    %swap3A_171 = arith.index_cast %swap3A_170 : i32 to index
    %swap3A_172 = arith.constant 32 : index
    %swap3A_173 = tpu.vector_load %arg10[%swap3A_171, %swap3A_172] {strides = array<i32>} : memref<128x128xf32, #tpu.memory_space<vmem>>, vector<1x16xf32>,
    %swap3A_174 = vector.shape_cast %swap3A_173 : vector<1x16xf32> to vector<16xf32>
    %swap3A_175 = vector.shape_cast %parallel_loop3A_157#2 : vector<16xf32> to vector<1x16xf32>
    tpu.vector_store %arg10[%swap3A_171, %swap3A_172], %swap3A_175 {strides = array<i32>} : memref<128x128xf32, #tpu.memory_space<vmem>>, vector<1x16xf32>,
    %swap3A_176 = arith.constant 122 : i32
    %swap3A_177 = arith.index_cast %swap3A_176 : i32 to index
    %swap3A_178 = arith.constant 48 : index
    %swap3A_179 = tpu.vector_load %arg10[%swap3A_177, %swap3A_178] {strides = array<i32>} : memref<128x128xf32, #tpu.memory_space<vmem>>, vector<1x16xf32>,
    %swap3A_180 = vector.shape_cast %swap3A_179 : vector<1x16xf32> to vector<16xf32>
    %swap3A_181 = vector.shape_cast %parallel_loop3A_157#3 : vector<16xf32> to vector<1x16xf32>
    tpu.vector_store %arg10[%swap3A_177, %swap3A_178], %swap3A_181 {strides = array<i32>} : memref<128x128xf32, #tpu.memory_space<vmem>>, vector<1x16xf32>,
    %swap3A_182 = arith.constant 122 : i32
    %swap3A_183 = arith.index_cast %swap3A_182 : i32 to index
    %swap3A_184 = arith.constant 64 : index
    %swap3A_185 = tpu.vector_load %arg10[%swap3A_183, %swap3A_184] {strides = array<i32>} : memref<128x128xf32, #tpu.memory_space<vmem>>, vector<1x16xf32>,
    %swap3A_186 = vector.shape_cast %swap3A_185 : vector<1x16xf32> to vector<16xf32>
    %swap3A_187 = vector.shape_cast %parallel_loop3A_157#4 : vector<16xf32> to vector<1x16xf32>
    tpu.vector_store %arg10[%swap3A_183, %swap3A_184], %swap3A_187 {strides = array<i32>} : memref<128x128xf32, #tpu.memory_space<vmem>>, vector<1x16xf32>,
    %swap3A_188 = arith.constant 122 : i32
    %swap3A_189 = arith.index_cast %swap3A_188 : i32 to index
    %swap3A_190 = arith.constant 80 : index
    %swap3A_191 = tpu.vector_load %arg10[%swap3A_189, %swap3A_190] {strides = array<i32>} : memref<128x128xf32, #tpu.memory_space<vmem>>, vector<1x16xf32>,
    %swap3A_192 = vector.shape_cast %swap3A_191 : vector<1x16xf32> to vector<16xf32>
    %swap3A_193 = vector.shape_cast %parallel_loop3A_157#5 : vector<16xf32> to vector<1x16xf32>
    tpu.vector_store %arg10[%swap3A_189, %swap3A_190], %swap3A_193 {strides = array<i32>} : memref<128x128xf32, #tpu.memory_space<vmem>>, vector<1x16xf32>,
    %swap3A_194 = arith.constant 122 : i32
    %swap3A_195 = arith.index_cast %swap3A_194 : i32 to index
    %swap3A_196 = arith.constant 96 : index
    %swap3A_197 = tpu.vector_load %arg10[%swap3A_195, %swap3A_196] {strides = array<i32>} : memref<128x128xf32, #tpu.memory_space<vmem>>, vector<1x16xf32>,
    %swap3A_198 = vector.shape_cast %swap3A_197 : vector<1x16xf32> to vector<16xf32>
    %swap3A_199 = vector.shape_cast %parallel_loop3A_157#6 : vector<16xf32> to vector<1x16xf32>
    tpu.vector_store %arg10[%swap3A_195, %swap3A_196], %swap3A_199 {strides = array<i32>} : memref<128x128xf32, #tpu.memory_space<vmem>>, vector<1x16xf32>,
    %swap3A_200 = arith.constant 122 : i32
    %swap3A_201 = arith.index_cast %swap3A_200 : i32 to index
    %swap3A_202 = arith.constant 112 : index
    %swap3A_203 = tpu.vector_load %arg10[%swap3A_201, %swap3A_202] {strides = array<i32>} : memref<128x128xf32, #tpu.memory_space<vmem>>, vector<1x16xf32>,
    %swap3A_204 = vector.shape_cast %swap3A_203 : vector<1x16xf32> to vector<16xf32>
    %swap3A_205 = vector.shape_cast %parallel_loop3A_157#7 : vector<16xf32> to vector<1x16xf32>
    tpu.vector_store %arg10[%swap3A_201, %swap3A_202], %swap3A_205 {strides = array<i32>} : memref<128x128xf32, #tpu.memory_space<vmem>>, vector<1x16xf32>,
    %broadcast_in_dim3A_206 = arith.constant 0.000000e+00 : f32
    %broadcast_in_dim3A_207 = vector.broadcast %broadcast_in_dim3A_206 : f32 to vector<16xf32>
    %parallel_loop3A_208 = arith.constant 50 : i32
    %parallel_loop3A_209 = arith.constant 100 : i32
    %parallel_loop3A_210 = arith.constant 1 : i32
    %parallel_loop3A_211:8 = scf.for %parallel_loop3A_492 = %parallel_loop3A_208 to %parallel_loop3A_209 step %parallel_loop3A_210 iter_args(%parallel_loop3A_493 = %broadcast_in_dim3A_207, %parallel_loop3A_494 = %broadcast_in_dim3A_207, %parallel_loop3A_495 = %broadcast_in_dim3A_207, %parallel_loop3A_496 = %broadcast_in_dim3A_207, %parallel_loop3A_497 = %broadcast_in_dim3A_207, %parallel_loop3A_498 = %broadcast_in_dim3A_207, %parallel_loop3A_499 = %broadcast_in_dim3A_207, %parallel_loop3A_500 = %broadcast_in_dim3A_207) -> (vector<16xf32>, vector<16xf32>, vector<16xf32>, vector<16xf32>, vector<16xf32>, vector<16xf32>, vector<16xf32>, vector<16xf32>)  : i32 {
      %parallel_loop3A_501 = arith.index_cast %parallel_loop3A_492 : i32 to index
      %parallel_loop3A_502 = arith.constant 0 : index
      %parallel_loop3A_503 = tpu.vector_load %arg7[%parallel_loop3A_501, %parallel_loop3A_502] {strides = array<i32>} : memref<100x128xf32, #tpu.memory_space<vmem>>, vector<1x16xf32>,
      %parallel_loop3A_504 = vector.shape_cast %parallel_loop3A_503 : vector<1x16xf32> to vector<16xf32>
      %parallel_loop3A_505 = arith.addf %parallel_loop3A_493, %parallel_loop3A_504 : vector<16xf32>
      %parallel_loop3A_506 = arith.index_cast %parallel_loop3A_492 : i32 to index
      %parallel_loop3A_507 = arith.constant 16 : index
      %parallel_loop3A_508 = tpu.vector_load %arg7[%parallel_loop3A_506, %parallel_loop3A_507] {strides = array<i32>} : memref<100x128xf32, #tpu.memory_space<vmem>>, vector<1x16xf32>,
      %parallel_loop3A_509 = vector.shape_cast %parallel_loop3A_508 : vector<1x16xf32> to vector<16xf32>
      %parallel_loop3A_510 = arith.addf %parallel_loop3A_494, %parallel_loop3A_509 : vector<16xf32>
      %parallel_loop3A_511 = arith.index_cast %parallel_loop3A_492 : i32 to index
      %parallel_loop3A_512 = arith.constant 32 : index
      %parallel_loop3A_513 = tpu.vector_load %arg7[%parallel_loop3A_511, %parallel_loop3A_512] {strides = array<i32>} : memref<100x128xf32, #tpu.memory_space<vmem>>, vector<1x16xf32>,
      %parallel_loop3A_514 = vector.shape_cast %parallel_loop3A_513 : vector<1x16xf32> to vector<16xf32>
      %parallel_loop3A_515 = arith.addf %parallel_loop3A_495, %parallel_loop3A_514 : vector<16xf32>
      %parallel_loop3A_516 = arith.index_cast %parallel_loop3A_492 : i32 to index
      %parallel_loop3A_517 = arith.constant 48 : index
      %parallel_loop3A_518 = tpu.vector_load %arg7[%parallel_loop3A_516, %parallel_loop3A_517] {strides = array<i32>} : memref<100x128xf32, #tpu.memory_space<vmem>>, vector<1x16xf32>,
      %parallel_loop3A_519 = vector.shape_cast %parallel_loop3A_518 : vector<1x16xf32> to vector<16xf32>
      %parallel_loop3A_520 = arith.addf %parallel_loop3A_496, %parallel_loop3A_519 : vector<16xf32>
      %parallel_loop3A_521 = arith.index_cast %parallel_loop3A_492 : i32 to index
      %parallel_loop3A_522 = arith.constant 64 : index
      %parallel_loop3A_523 = tpu.vector_load %arg7[%parallel_loop3A_521, %parallel_loop3A_522] {strides = array<i32>} : memref<100x128xf32, #tpu.memory_space<vmem>>, vector<1x16xf32>,
      %parallel_loop3A_524 = vector.shape_cast %parallel_loop3A_523 : vector<1x16xf32> to vector<16xf32>
      %parallel_loop3A_525 = arith.addf %parallel_loop3A_497, %parallel_loop3A_524 : vector<16xf32>
      %parallel_loop3A_526 = arith.index_cast %parallel_loop3A_492 : i32 to index
      %parallel_loop3A_527 = arith.constant 80 : index
      %parallel_loop3A_528 = tpu.vector_load %arg7[%parallel_loop3A_526, %parallel_loop3A_527] {strides = array<i32>} : memref<100x128xf32, #tpu.memory_space<vmem>>, vector<1x16xf32>,
      %parallel_loop3A_529 = vector.shape_cast %parallel_loop3A_528 : vector<1x16xf32> to vector<16xf32>
      %parallel_loop3A_530 = arith.addf %parallel_loop3A_498, %parallel_loop3A_529 : vector<16xf32>
      %parallel_loop3A_531 = arith.index_cast %parallel_loop3A_492 : i32 to index
      %parallel_loop3A_532 = arith.constant 96 : index
      %parallel_loop3A_533 = tpu.vector_load %arg7[%parallel_loop3A_531, %parallel_loop3A_532] {strides = array<i32>} : memref<100x128xf32, #tpu.memory_space<vmem>>, vector<1x16xf32>,
      %parallel_loop3A_534 = vector.shape_cast %parallel_loop3A_533 : vector<1x16xf32> to vector<16xf32>
      %parallel_loop3A_535 = arith.addf %parallel_loop3A_499, %parallel_loop3A_534 : vector<16xf32>
      %parallel_loop3A_536 = arith.index_cast %parallel_loop3A_492 : i32 to index
      %parallel_loop3A_537 = arith.constant 112 : index
      %parallel_loop3A_538 = tpu.vector_load %arg7[%parallel_loop3A_536, %parallel_loop3A_537] {strides = array<i32>} : memref<100x128xf32, #tpu.memory_space<vmem>>, vector<1x16xf32>,
      %parallel_loop3A_539 = vector.shape_cast %parallel_loop3A_538 : vector<1x16xf32> to vector<16xf32>
      %parallel_loop3A_540 = arith.addf %parallel_loop3A_500, %parallel_loop3A_539 : vector<16xf32>
      scf.yield %parallel_loop3A_505, %parallel_loop3A_510, %parallel_loop3A_515, %parallel_loop3A_520, %parallel_loop3A_525, %parallel_loop3A_530, %parallel_loop3A_535, %parallel_loop3A_540 : vector<16xf32>, vector<16xf32>, vector<16xf32>, vector<16xf32>, vector<16xf32>, vector<16xf32>, vector<16xf32>, vector<16xf32>
    } {sc.loop_unroll_factor = 10 : i64, sc.parallel_access}
    %swap3A_212 = arith.constant 123 : i32
    %swap3A_213 = arith.index_cast %swap3A_212 : i32 to index
    %swap3A_214 = arith.constant 0 : index
    %swap3A_215 = tpu.vector_load %arg10[%swap3A_213, %swap3A_214] {strides = array<i32>} : memref<128x128xf32, #tpu.memory_space<vmem>>, vector<1x16xf32>,
    %swap3A_216 = vector.shape_cast %swap3A_215 : vector<1x16xf32> to vector<16xf32>
    %swap3A_217 = vector.shape_cast %parallel_loop3A_211#0 : vector<16xf32> to vector<1x16xf32>
    tpu.vector_store %arg10[%swap3A_213, %swap3A_214], %swap3A_217 {strides = array<i32>} : memref<128x128xf32, #tpu.memory_space<vmem>>, vector<1x16xf32>,
    %swap3A_218 = arith.constant 123 : i32
    %swap3A_219 = arith.index_cast %swap3A_218 : i32 to index
    %swap3A_220 = arith.constant 16 : index
    %swap3A_221 = tpu.vector_load %arg10[%swap3A_219, %swap3A_220] {strides = array<i32>} : memref<128x128xf32, #tpu.memory_space<vmem>>, vector<1x16xf32>,
    %swap3A_222 = vector.shape_cast %swap3A_221 : vector<1x16xf32> to vector<16xf32>
    %swap3A_223 = vector.shape_cast %parallel_loop3A_211#1 : vector<16xf32> to vector<1x16xf32>
    tpu.vector_store %arg10[%swap3A_219, %swap3A_220], %swap3A_223 {strides = array<i32>} : memref<128x128xf32, #tpu.memory_space<vmem>>, vector<1x16xf32>,
    %swap3A_224 = arith.constant 123 : i32
    %swap3A_225 = arith.index_cast %swap3A_224 : i32 to index
    %swap3A_226 = arith.constant 32 : index
    %swap3A_227 = tpu.vector_load %arg10[%swap3A_225, %swap3A_226] {strides = array<i32>} : memref<128x128xf32, #tpu.memory_space<vmem>>, vector<1x16xf32>,
    %swap3A_228 = vector.shape_cast %swap3A_227 : vector<1x16xf32> to vector<16xf32>
    %swap3A_229 = vector.shape_cast %parallel_loop3A_211#2 : vector<16xf32> to vector<1x16xf32>
    tpu.vector_store %arg10[%swap3A_225, %swap3A_226], %swap3A_229 {strides = array<i32>} : memref<128x128xf32, #tpu.memory_space<vmem>>, vector<1x16xf32>,
    %swap3A_230 = arith.constant 123 : i32
    %swap3A_231 = arith.index_cast %swap3A_230 : i32 to index
    %swap3A_232 = arith.constant 48 : index
    %swap3A_233 = tpu.vector_load %arg10[%swap3A_231, %swap3A_232] {strides = array<i32>} : memref<128x128xf32, #tpu.memory_space<vmem>>, vector<1x16xf32>,
    %swap3A_234 = vector.shape_cast %swap3A_233 : vector<1x16xf32> to vector<16xf32>
    %swap3A_235 = vector.shape_cast %parallel_loop3A_211#3 : vector<16xf32> to vector<1x16xf32>
    tpu.vector_store %arg10[%swap3A_231, %swap3A_232], %swap3A_235 {strides = array<i32>} : memref<128x128xf32, #tpu.memory_space<vmem>>, vector<1x16xf32>,
    %swap3A_236 = arith.constant 123 : i32
    %swap3A_237 = arith.index_cast %swap3A_236 : i32 to index
    %swap3A_238 = arith.constant 64 : index
    %swap3A_239 = tpu.vector_load %arg10[%swap3A_237, %swap3A_238] {strides = array<i32>} : memref<128x128xf32, #tpu.memory_space<vmem>>, vector<1x16xf32>,
    %swap3A_240 = vector.shape_cast %swap3A_239 : vector<1x16xf32> to vector<16xf32>
    %swap3A_241 = vector.shape_cast %parallel_loop3A_211#4 : vector<16xf32> to vector<1x16xf32>
    tpu.vector_store %arg10[%swap3A_237, %swap3A_238], %swap3A_241 {strides = array<i32>} : memref<128x128xf32, #tpu.memory_space<vmem>>, vector<1x16xf32>,
    %swap3A_242 = arith.constant 123 : i32
    %swap3A_243 = arith.index_cast %swap3A_242 : i32 to index
    %swap3A_244 = arith.constant 80 : index
    %swap3A_245 = tpu.vector_load %arg10[%swap3A_243, %swap3A_244] {strides = array<i32>} : memref<128x128xf32, #tpu.memory_space<vmem>>, vector<1x16xf32>,
    %swap3A_246 = vector.shape_cast %swap3A_245 : vector<1x16xf32> to vector<16xf32>
    %swap3A_247 = vector.shape_cast %parallel_loop3A_211#5 : vector<16xf32> to vector<1x16xf32>
    tpu.vector_store %arg10[%swap3A_243, %swap3A_244], %swap3A_247 {strides = array<i32>} : memref<128x128xf32, #tpu.memory_space<vmem>>, vector<1x16xf32>,
    %swap3A_248 = arith.constant 123 : i32
    %swap3A_249 = arith.index_cast %swap3A_248 : i32 to index
    %swap3A_250 = arith.constant 96 : index
    %swap3A_251 = tpu.vector_load %arg10[%swap3A_249, %swap3A_250] {strides = array<i32>} : memref<128x128xf32, #tpu.memory_space<vmem>>, vector<1x16xf32>,
    %swap3A_252 = vector.shape_cast %swap3A_251 : vector<1x16xf32> to vector<16xf32>
    %swap3A_253 = vector.shape_cast %parallel_loop3A_211#6 : vector<16xf32> to vector<1x16xf32>
    tpu.vector_store %arg10[%swap3A_249, %swap3A_250], %swap3A_253 {strides = array<i32>} : memref<128x128xf32, #tpu.memory_space<vmem>>, vector<1x16xf32>,
    %swap3A_254 = arith.constant 123 : i32
    %swap3A_255 = arith.index_cast %swap3A_254 : i32 to index
    %swap3A_256 = arith.constant 112 : index
    %swap3A_257 = tpu.vector_load %arg10[%swap3A_255, %swap3A_256] {strides = array<i32>} : memref<128x128xf32, #tpu.memory_space<vmem>>, vector<1x16xf32>,
    %swap3A_258 = vector.shape_cast %swap3A_257 : vector<1x16xf32> to vector<16xf32>
    %swap3A_259 = vector.shape_cast %parallel_loop3A_211#7 : vector<16xf32> to vector<1x16xf32>
    tpu.vector_store %arg10[%swap3A_255, %swap3A_256], %swap3A_259 {strides = array<i32>} : memref<128x128xf32, #tpu.memory_space<vmem>>, vector<1x16xf32>,
    %dma_wait3A_260 = arith.constant 62 : i32
    %dma_wait3A_261 = arith.constant 0 : i32
    %dma_wait3A_262 = tpu.memref_slice %arg5[%dma_wait3A_260, %dma_wait3A_261] : memref<64x100xi32, #tpu.memory_space<vmem>> -> memref<1x100xi32, #tpu.memory_space<vmem>>
    %dma_wait3A_263 = tpu.memref_squeeze %dma_wait3A_262 : memref<1x100xi32, #tpu.memory_space<vmem>> -> memref<100xi32, #tpu.memory_space<vmem>>
    %dma_wait3A_264 = arith.constant 0 : i32
    %dma_wait3A_265 = arith.constant 0 : i32
    %dma_wait3A_266 = tpu.memref_slice %arg2[%dma_wait3A_264, %dma_wait3A_265] : memref<100000x128xf32, #tpu.memory_space<hbm>> -> memref<100000x128xf32, #tpu.memory_space<hbm>>
    tpu.wait_indirect_dma semaphore(%arg13 : memref<!tpu.dma_semaphore, #tpu.memory_space<semaphore_mem>>) src(%dma_wait3A_266 : memref<100000x128xf32, #tpu.memory_space<hbm>>) dst(%arg8 : memref<100x128xf32, #tpu.memory_space<vmem>>)
    %broadcast_in_dim3A_267 = arith.constant 0.000000e+00 : f32
    %broadcast_in_dim3A_268 = vector.broadcast %broadcast_in_dim3A_267 : f32 to vector<16xf32>
    %parallel_loop3A_269 = arith.constant 0 : i32
    %parallel_loop3A_270 = arith.constant 50 : i32
    %parallel_loop3A_271 = arith.constant 1 : i32
    %parallel_loop3A_272:8 = scf.for %parallel_loop3A_492 = %parallel_loop3A_269 to %parallel_loop3A_270 step %parallel_loop3A_271 iter_args(%parallel_loop3A_493 = %broadcast_in_dim3A_268, %parallel_loop3A_494 = %broadcast_in_dim3A_268, %parallel_loop3A_495 = %broadcast_in_dim3A_268, %parallel_loop3A_496 = %broadcast_in_dim3A_268, %parallel_loop3A_497 = %broadcast_in_dim3A_268, %parallel_loop3A_498 = %broadcast_in_dim3A_268, %parallel_loop3A_499 = %broadcast_in_dim3A_268, %parallel_loop3A_500 = %broadcast_in_dim3A_268) -> (vector<16xf32>, vector<16xf32>, vector<16xf32>, vector<16xf32>, vector<16xf32>, vector<16xf32>, vector<16xf32>, vector<16xf32>)  : i32 {
      %parallel_loop3A_501 = arith.index_cast %parallel_loop3A_492 : i32 to index
      %parallel_loop3A_502 = arith.constant 0 : index
      %parallel_loop3A_503 = tpu.vector_load %arg8[%parallel_loop3A_501, %parallel_loop3A_502] {strides = array<i32>} : memref<100x128xf32, #tpu.memory_space<vmem>>, vector<1x16xf32>,
      %parallel_loop3A_504 = vector.shape_cast %parallel_loop3A_503 : vector<1x16xf32> to vector<16xf32>
      %parallel_loop3A_505 = arith.addf %parallel_loop3A_493, %parallel_loop3A_504 : vector<16xf32>
      %parallel_loop3A_506 = arith.index_cast %parallel_loop3A_492 : i32 to index
      %parallel_loop3A_507 = arith.constant 16 : index
      %parallel_loop3A_508 = tpu.vector_load %arg8[%parallel_loop3A_506, %parallel_loop3A_507] {strides = array<i32>} : memref<100x128xf32, #tpu.memory_space<vmem>>, vector<1x16xf32>,
      %parallel_loop3A_509 = vector.shape_cast %parallel_loop3A_508 : vector<1x16xf32> to vector<16xf32>
      %parallel_loop3A_510 = arith.addf %parallel_loop3A_494, %parallel_loop3A_509 : vector<16xf32>
      %parallel_loop3A_511 = arith.index_cast %parallel_loop3A_492 : i32 to index
      %parallel_loop3A_512 = arith.constant 32 : index
      %parallel_loop3A_513 = tpu.vector_load %arg8[%parallel_loop3A_511, %parallel_loop3A_512] {strides = array<i32>} : memref<100x128xf32, #tpu.memory_space<vmem>>, vector<1x16xf32>,
      %parallel_loop3A_514 = vector.shape_cast %parallel_loop3A_513 : vector<1x16xf32> to vector<16xf32>
      %parallel_loop3A_515 = arith.addf %parallel_loop3A_495, %parallel_loop3A_514 : vector<16xf32>
      %parallel_loop3A_516 = arith.index_cast %parallel_loop3A_492 : i32 to index
      %parallel_loop3A_517 = arith.constant 48 : index
      %parallel_loop3A_518 = tpu.vector_load %arg8[%parallel_loop3A_516, %parallel_loop3A_517] {strides = array<i32>} : memref<100x128xf32, #tpu.memory_space<vmem>>, vector<1x16xf32>,
      %parallel_loop3A_519 = vector.shape_cast %parallel_loop3A_518 : vector<1x16xf32> to vector<16xf32>
      %parallel_loop3A_520 = arith.addf %parallel_loop3A_496, %parallel_loop3A_519 : vector<16xf32>
      %parallel_loop3A_521 = arith.index_cast %parallel_loop3A_492 : i32 to index
      %parallel_loop3A_522 = arith.constant 64 : index
      %parallel_loop3A_523 = tpu.vector_load %arg8[%parallel_loop3A_521, %parallel_loop3A_522] {strides = array<i32>} : memref<100x128xf32, #tpu.memory_space<vmem>>, vector<1x16xf32>,
      %parallel_loop3A_524 = vector.shape_cast %parallel_loop3A_523 : vector<1x16xf32> to vector<16xf32>
      %parallel_loop3A_525 = arith.addf %parallel_loop3A_497, %parallel_loop3A_524 : vector<16xf32>
      %parallel_loop3A_526 = arith.index_cast %parallel_loop3A_492 : i32 to index
      %parallel_loop3A_527 = arith.constant 80 : index
      %parallel_loop3A_528 = tpu.vector_load %arg8[%parallel_loop3A_526, %parallel_loop3A_527] {strides = array<i32>} : memref<100x128xf32, #tpu.memory_space<vmem>>, vector<1x16xf32>,
      %parallel_loop3A_529 = vector.shape_cast %parallel_loop3A_528 : vector<1x16xf32> to vector<16xf32>
      %parallel_loop3A_530 = arith.addf %parallel_loop3A_498, %parallel_loop3A_529 : vector<16xf32>
      %parallel_loop3A_531 = arith.index_cast %parallel_loop3A_492 : i32 to index
      %parallel_loop3A_532 = arith.constant 96 : index
      %parallel_loop3A_533 = tpu.vector_load %arg8[%parallel_loop3A_531, %parallel_loop3A_532] {strides = array<i32>} : memref<100x128xf32, #tpu.memory_space<vmem>>, vector<1x16xf32>,
      %parallel_loop3A_534 = vector.shape_cast %parallel_loop3A_533 : vector<1x16xf32> to vector<16xf32>
      %parallel_loop3A_535 = arith.addf %parallel_loop3A_499, %parallel_loop3A_534 : vector<16xf32>
      %parallel_loop3A_536 = arith.index_cast %parallel_loop3A_492 : i32 to index
      %parallel_loop3A_537 = arith.constant 112 : index
      %parallel_loop3A_538 = tpu.vector_load %arg8[%parallel_loop3A_536, %parallel_loop3A_537] {strides = array<i32>} : memref<100x128xf32, #tpu.memory_space<vmem>>, vector<1x16xf32>,
      %parallel_loop3A_539 = vector.shape_cast %parallel_loop3A_538 : vector<1x16xf32> to vector<16xf32>
      %parallel_loop3A_540 = arith.addf %parallel_loop3A_500, %parallel_loop3A_539 : vector<16xf32>
      scf.yield %parallel_loop3A_505, %parallel_loop3A_510, %parallel_loop3A_515, %parallel_loop3A_520, %parallel_loop3A_525, %parallel_loop3A_530, %parallel_loop3A_535, %parallel_loop3A_540 : vector<16xf32>, vector<16xf32>, vector<16xf32>, vector<16xf32>, vector<16xf32>, vector<16xf32>, vector<16xf32>, vector<16xf32>
    } {sc.loop_unroll_factor = 10 : i64, sc.parallel_access}
    %swap3A_273 = arith.constant 124 : i32
    %swap3A_274 = arith.index_cast %swap3A_273 : i32 to index
    %swap3A_275 = arith.constant 0 : index
    %swap3A_276 = tpu.vector_load %arg10[%swap3A_274, %swap3A_275] {strides = array<i32>} : memref<128x128xf32, #tpu.memory_space<vmem>>, vector<1x16xf32>,
    %swap3A_277 = vector.shape_cast %swap3A_276 : vector<1x16xf32> to vector<16xf32>
    %swap3A_278 = vector.shape_cast %parallel_loop3A_272#0 : vector<16xf32> to vector<1x16xf32>
    tpu.vector_store %arg10[%swap3A_274, %swap3A_275], %swap3A_278 {strides = array<i32>} : memref<128x128xf32, #tpu.memory_space<vmem>>, vector<1x16xf32>,
    %swap3A_279 = arith.constant 124 : i32
    %swap3A_280 = arith.index_cast %swap3A_279 : i32 to index
    %swap3A_281 = arith.constant 16 : index
    %swap3A_282 = tpu.vector_load %arg10[%swap3A_280, %swap3A_281] {strides = array<i32>} : memref<128x128xf32, #tpu.memory_space<vmem>>, vector<1x16xf32>,
    %swap3A_283 = vector.shape_cast %swap3A_282 : vector<1x16xf32> to vector<16xf32>
    %swap3A_284 = vector.shape_cast %parallel_loop3A_272#1 : vector<16xf32> to vector<1x16xf32>
    tpu.vector_store %arg10[%swap3A_280, %swap3A_281], %swap3A_284 {strides = array<i32>} : memref<128x128xf32, #tpu.memory_space<vmem>>, vector<1x16xf32>,
    %swap3A_285 = arith.constant 124 : i32
    %swap3A_286 = arith.index_cast %swap3A_285 : i32 to index
    %swap3A_287 = arith.constant 32 : index
    %swap3A_288 = tpu.vector_load %arg10[%swap3A_286, %swap3A_287] {strides = array<i32>} : memref<128x128xf32, #tpu.memory_space<vmem>>, vector<1x16xf32>,
    %swap3A_289 = vector.shape_cast %swap3A_288 : vector<1x16xf32> to vector<16xf32>
    %swap3A_290 = vector.shape_cast %parallel_loop3A_272#2 : vector<16xf32> to vector<1x16xf32>
    tpu.vector_store %arg10[%swap3A_286, %swap3A_287], %swap3A_290 {strides = array<i32>} : memref<128x128xf32, #tpu.memory_space<vmem>>, vector<1x16xf32>,
    %swap3A_291 = arith.constant 124 : i32
    %swap3A_292 = arith.index_cast %swap3A_291 : i32 to index
    %swap3A_293 = arith.constant 48 : index
    %swap3A_294 = tpu.vector_load %arg10[%swap3A_292, %swap3A_293] {strides = array<i32>} : memref<128x128xf32, #tpu.memory_space<vmem>>, vector<1x16xf32>,
    %swap3A_295 = vector.shape_cast %swap3A_294 : vector<1x16xf32> to vector<16xf32>
    %swap3A_296 = vector.shape_cast %parallel_loop3A_272#3 : vector<16xf32> to vector<1x16xf32>
    tpu.vector_store %arg10[%swap3A_292, %swap3A_293], %swap3A_296 {strides = array<i32>} : memref<128x128xf32, #tpu.memory_space<vmem>>, vector<1x16xf32>,
    %swap3A_297 = arith.constant 124 : i32
    %swap3A_298 = arith.index_cast %swap3A_297 : i32 to index
    %swap3A_299 = arith.constant 64 : index
    %swap3A_300 = tpu.vector_load %arg10[%swap3A_298, %swap3A_299] {strides = array<i32>} : memref<128x128xf32, #tpu.memory_space<vmem>>, vector<1x16xf32>,
    %swap3A_301 = vector.shape_cast %swap3A_300 : vector<1x16xf32> to vector<16xf32>
    %swap3A_302 = vector.shape_cast %parallel_loop3A_272#4 : vector<16xf32> to vector<1x16xf32>
    tpu.vector_store %arg10[%swap3A_298, %swap3A_299], %swap3A_302 {strides = array<i32>} : memref<128x128xf32, #tpu.memory_space<vmem>>, vector<1x16xf32>,
    %swap3A_303 = arith.constant 124 : i32
    %swap3A_304 = arith.index_cast %swap3A_303 : i32 to index
    %swap3A_305 = arith.constant 80 : index
    %swap3A_306 = tpu.vector_load %arg10[%swap3A_304, %swap3A_305] {strides = array<i32>} : memref<128x128xf32, #tpu.memory_space<vmem>>, vector<1x16xf32>,
    %swap3A_307 = vector.shape_cast %swap3A_306 : vector<1x16xf32> to vector<16xf32>
    %swap3A_308 = vector.shape_cast %parallel_loop3A_272#5 : vector<16xf32> to vector<1x16xf32>
    tpu.vector_store %arg10[%swap3A_304, %swap3A_305], %swap3A_308 {strides = array<i32>} : memref<128x128xf32, #tpu.memory_space<vmem>>, vector<1x16xf32>,
    %swap3A_309 = arith.constant 124 : i32
    %swap3A_310 = arith.index_cast %swap3A_309 : i32 to index
    %swap3A_311 = arith.constant 96 : index
    %swap3A_312 = tpu.vector_load %arg10[%swap3A_310, %swap3A_311] {strides = array<i32>} : memref<128x128xf32, #tpu.memory_space<vmem>>, vector<1x16xf32>,
    %swap3A_313 = vector.shape_cast %swap3A_312 : vector<1x16xf32> to vector<16xf32>
    %swap3A_314 = vector.shape_cast %parallel_loop3A_272#6 : vector<16xf32> to vector<1x16xf32>
    tpu.vector_store %arg10[%swap3A_310, %swap3A_311], %swap3A_314 {strides = array<i32>} : memref<128x128xf32, #tpu.memory_space<vmem>>, vector<1x16xf32>,
    %swap3A_315 = arith.constant 124 : i32
    %swap3A_316 = arith.index_cast %swap3A_315 : i32 to index
    %swap3A_317 = arith.constant 112 : index
    %swap3A_318 = tpu.vector_load %arg10[%swap3A_316, %swap3A_317] {strides = array<i32>} : memref<128x128xf32, #tpu.memory_space<vmem>>, vector<1x16xf32>,
    %swap3A_319 = vector.shape_cast %swap3A_318 : vector<1x16xf32> to vector<16xf32>
    %swap3A_320 = vector.shape_cast %parallel_loop3A_272#7 : vector<16xf32> to vector<1x16xf32>
    tpu.vector_store %arg10[%swap3A_316, %swap3A_317], %swap3A_320 {strides = array<i32>} : memref<128x128xf32, #tpu.memory_space<vmem>>, vector<1x16xf32>,
    %broadcast_in_dim3A_321 = arith.constant 0.000000e+00 : f32
    %broadcast_in_dim3A_322 = vector.broadcast %broadcast_in_dim3A_321 : f32 to vector<16xf32>
    %parallel_loop3A_323 = arith.constant 50 : i32
    %parallel_loop3A_324 = arith.constant 100 : i32
    %parallel_loop3A_325 = arith.constant 1 : i32
    %parallel_loop3A_326:8 = scf.for %parallel_loop3A_492 = %parallel_loop3A_323 to %parallel_loop3A_324 step %parallel_loop3A_325 iter_args(%parallel_loop3A_493 = %broadcast_in_dim3A_322, %parallel_loop3A_494 = %broadcast_in_dim3A_322, %parallel_loop3A_495 = %broadcast_in_dim3A_322, %parallel_loop3A_496 = %broadcast_in_dim3A_322, %parallel_loop3A_497 = %broadcast_in_dim3A_322, %parallel_loop3A_498 = %broadcast_in_dim3A_322, %parallel_loop3A_499 = %broadcast_in_dim3A_322, %parallel_loop3A_500 = %broadcast_in_dim3A_322) -> (vector<16xf32>, vector<16xf32>, vector<16xf32>, vector<16xf32>, vector<16xf32>, vector<16xf32>, vector<16xf32>, vector<16xf32>)  : i32 {
      %parallel_loop3A_501 = arith.index_cast %parallel_loop3A_492 : i32 to index
      %parallel_loop3A_502 = arith.constant 0 : index
      %parallel_loop3A_503 = tpu.vector_load %arg8[%parallel_loop3A_501, %parallel_loop3A_502] {strides = array<i32>} : memref<100x128xf32, #tpu.memory_space<vmem>>, vector<1x16xf32>,
      %parallel_loop3A_504 = vector.shape_cast %parallel_loop3A_503 : vector<1x16xf32> to vector<16xf32>
      %parallel_loop3A_505 = arith.addf %parallel_loop3A_493, %parallel_loop3A_504 : vector<16xf32>
      %parallel_loop3A_506 = arith.index_cast %parallel_loop3A_492 : i32 to index
      %parallel_loop3A_507 = arith.constant 16 : index
      %parallel_loop3A_508 = tpu.vector_load %arg8[%parallel_loop3A_506, %parallel_loop3A_507] {strides = array<i32>} : memref<100x128xf32, #tpu.memory_space<vmem>>, vector<1x16xf32>,
      %parallel_loop3A_509 = vector.shape_cast %parallel_loop3A_508 : vector<1x16xf32> to vector<16xf32>
      %parallel_loop3A_510 = arith.addf %parallel_loop3A_494, %parallel_loop3A_509 : vector<16xf32>
      %parallel_loop3A_511 = arith.index_cast %parallel_loop3A_492 : i32 to index
      %parallel_loop3A_512 = arith.constant 32 : index
      %parallel_loop3A_513 = tpu.vector_load %arg8[%parallel_loop3A_511, %parallel_loop3A_512] {strides = array<i32>} : memref<100x128xf32, #tpu.memory_space<vmem>>, vector<1x16xf32>,
      %parallel_loop3A_514 = vector.shape_cast %parallel_loop3A_513 : vector<1x16xf32> to vector<16xf32>
      %parallel_loop3A_515 = arith.addf %parallel_loop3A_495, %parallel_loop3A_514 : vector<16xf32>
      %parallel_loop3A_516 = arith.index_cast %parallel_loop3A_492 : i32 to index
      %parallel_loop3A_517 = arith.constant 48 : index
      %parallel_loop3A_518 = tpu.vector_load %arg8[%parallel_loop3A_516, %parallel_loop3A_517] {strides = array<i32>} : memref<100x128xf32, #tpu.memory_space<vmem>>, vector<1x16xf32>,
      %parallel_loop3A_519 = vector.shape_cast %parallel_loop3A_518 : vector<1x16xf32> to vector<16xf32>
      %parallel_loop3A_520 = arith.addf %parallel_loop3A_496, %parallel_loop3A_519 : vector<16xf32>
      %parallel_loop3A_521 = arith.index_cast %parallel_loop3A_492 : i32 to index
      %parallel_loop3A_522 = arith.constant 64 : index
      %parallel_loop3A_523 = tpu.vector_load %arg8[%parallel_loop3A_521, %parallel_loop3A_522] {strides = array<i32>} : memref<100x128xf32, #tpu.memory_space<vmem>>, vector<1x16xf32>,
      %parallel_loop3A_524 = vector.shape_cast %parallel_loop3A_523 : vector<1x16xf32> to vector<16xf32>
      %parallel_loop3A_525 = arith.addf %parallel_loop3A_497, %parallel_loop3A_524 : vector<16xf32>
      %parallel_loop3A_526 = arith.index_cast %parallel_loop3A_492 : i32 to index
      %parallel_loop3A_527 = arith.constant 80 : index
      %parallel_loop3A_528 = tpu.vector_load %arg8[%parallel_loop3A_526, %parallel_loop3A_527] {strides = array<i32>} : memref<100x128xf32, #tpu.memory_space<vmem>>, vector<1x16xf32>,
      %parallel_loop3A_529 = vector.shape_cast %parallel_loop3A_528 : vector<1x16xf32> to vector<16xf32>
      %parallel_loop3A_530 = arith.addf %parallel_loop3A_498, %parallel_loop3A_529 : vector<16xf32>
      %parallel_loop3A_531 = arith.index_cast %parallel_loop3A_492 : i32 to index
      %parallel_loop3A_532 = arith.constant 96 : index
      %parallel_loop3A_533 = tpu.vector_load %arg8[%parallel_loop3A_531, %parallel_loop3A_532] {strides = array<i32>} : memref<100x128xf32, #tpu.memory_space<vmem>>, vector<1x16xf32>,
      %parallel_loop3A_534 = vector.shape_cast %parallel_loop3A_533 : vector<1x16xf32> to vector<16xf32>
      %parallel_loop3A_535 = arith.addf %parallel_loop3A_499, %parallel_loop3A_534 : vector<16xf32>
      %parallel_loop3A_536 = arith.index_cast %parallel_loop3A_492 : i32 to index
      %parallel_loop3A_537 = arith.constant 112 : index
      %parallel_loop3A_538 = tpu.vector_load %arg8[%parallel_loop3A_536, %parallel_loop3A_537] {strides = array<i32>} : memref<100x128xf32, #tpu.memory_space<vmem>>, vector<1x16xf32>,
      %parallel_loop3A_539 = vector.shape_cast %parallel_loop3A_538 : vector<1x16xf32> to vector<16xf32>
      %parallel_loop3A_540 = arith.addf %parallel_loop3A_500, %parallel_loop3A_539 : vector<16xf32>
      scf.yield %parallel_loop3A_505, %parallel_loop3A_510, %parallel_loop3A_515, %parallel_loop3A_520, %parallel_loop3A_525, %parallel_loop3A_530, %parallel_loop3A_535, %parallel_loop3A_540 : vector<16xf32>, vector<16xf32>, vector<16xf32>, vector<16xf32>, vector<16xf32>, vector<16xf32>, vector<16xf32>, vector<16xf32>
    } {sc.loop_unroll_factor = 10 : i64, sc.parallel_access}
    %swap3A_327 = arith.constant 125 : i32
    %swap3A_328 = arith.index_cast %swap3A_327 : i32 to index
    %swap3A_329 = arith.constant 0 : index
    %swap3A_330 = tpu.vector_load %arg10[%swap3A_328, %swap3A_329] {strides = array<i32>} : memref<128x128xf32, #tpu.memory_space<vmem>>, vector<1x16xf32>,
    %swap3A_331 = vector.shape_cast %swap3A_330 : vector<1x16xf32> to vector<16xf32>
    %swap3A_332 = vector.shape_cast %parallel_loop3A_326#0 : vector<16xf32> to vector<1x16xf32>
    tpu.vector_store %arg10[%swap3A_328, %swap3A_329], %swap3A_332 {strides = array<i32>} : memref<128x128xf32, #tpu.memory_space<vmem>>, vector<1x16xf32>,
    %swap3A_333 = arith.constant 125 : i32
    %swap3A_334 = arith.index_cast %swap3A_333 : i32 to index
    %swap3A_335 = arith.constant 16 : index
    %swap3A_336 = tpu.vector_load %arg10[%swap3A_334, %swap3A_335] {strides = array<i32>} : memref<128x128xf32, #tpu.memory_space<vmem>>, vector<1x16xf32>,
    %swap3A_337 = vector.shape_cast %swap3A_336 : vector<1x16xf32> to vector<16xf32>
    %swap3A_338 = vector.shape_cast %parallel_loop3A_326#1 : vector<16xf32> to vector<1x16xf32>
    tpu.vector_store %arg10[%swap3A_334, %swap3A_335], %swap3A_338 {strides = array<i32>} : memref<128x128xf32, #tpu.memory_space<vmem>>, vector<1x16xf32>,
    %swap3A_339 = arith.constant 125 : i32
    %swap3A_340 = arith.index_cast %swap3A_339 : i32 to index
    %swap3A_341 = arith.constant 32 : index
    %swap3A_342 = tpu.vector_load %arg10[%swap3A_340, %swap3A_341] {strides = array<i32>} : memref<128x128xf32, #tpu.memory_space<vmem>>, vector<1x16xf32>,
    %swap3A_343 = vector.shape_cast %swap3A_342 : vector<1x16xf32> to vector<16xf32>
    %swap3A_344 = vector.shape_cast %parallel_loop3A_326#2 : vector<16xf32> to vector<1x16xf32>
    tpu.vector_store %arg10[%swap3A_340, %swap3A_341], %swap3A_344 {strides = array<i32>} : memref<128x128xf32, #tpu.memory_space<vmem>>, vector<1x16xf32>,
    %swap3A_345 = arith.constant 125 : i32
    %swap3A_346 = arith.index_cast %swap3A_345 : i32 to index
    %swap3A_347 = arith.constant 48 : index
    %swap3A_348 = tpu.vector_load %arg10[%swap3A_346, %swap3A_347] {strides = array<i32>} : memref<128x128xf32, #tpu.memory_space<vmem>>, vector<1x16xf32>,
    %swap3A_349 = vector.shape_cast %swap3A_348 : vector<1x16xf32> to vector<16xf32>
    %swap3A_350 = vector.shape_cast %parallel_loop3A_326#3 : vector<16xf32> to vector<1x16xf32>
    tpu.vector_store %arg10[%swap3A_346, %swap3A_347], %swap3A_350 {strides = array<i32>} : memref<128x128xf32, #tpu.memory_space<vmem>>, vector<1x16xf32>,
    %swap3A_351 = arith.constant 125 : i32
    %swap3A_352 = arith.index_cast %swap3A_351 : i32 to index
    %swap3A_353 = arith.constant 64 : index
    %swap3A_354 = tpu.vector_load %arg10[%swap3A_352, %swap3A_353] {strides = array<i32>} : memref<128x128xf32, #tpu.memory_space<vmem>>, vector<1x16xf32>,
    %swap3A_355 = vector.shape_cast %swap3A_354 : vector<1x16xf32> to vector<16xf32>
    %swap3A_356 = vector.shape_cast %parallel_loop3A_326#4 : vector<16xf32> to vector<1x16xf32>
    tpu.vector_store %arg10[%swap3A_352, %swap3A_353], %swap3A_356 {strides = array<i32>} : memref<128x128xf32, #tpu.memory_space<vmem>>, vector<1x16xf32>,
    %swap3A_357 = arith.constant 125 : i32
    %swap3A_358 = arith.index_cast %swap3A_357 : i32 to index
    %swap3A_359 = arith.constant 80 : index
    %swap3A_360 = tpu.vector_load %arg10[%swap3A_358, %swap3A_359] {strides = array<i32>} : memref<128x128xf32, #tpu.memory_space<vmem>>, vector<1x16xf32>,
    %swap3A_361 = vector.shape_cast %swap3A_360 : vector<1x16xf32> to vector<16xf32>
    %swap3A_362 = vector.shape_cast %parallel_loop3A_326#5 : vector<16xf32> to vector<1x16xf32>
    tpu.vector_store %arg10[%swap3A_358, %swap3A_359], %swap3A_362 {strides = array<i32>} : memref<128x128xf32, #tpu.memory_space<vmem>>, vector<1x16xf32>,
    %swap3A_363 = arith.constant 125 : i32
    %swap3A_364 = arith.index_cast %swap3A_363 : i32 to index
    %swap3A_365 = arith.constant 96 : index
    %swap3A_366 = tpu.vector_load %arg10[%swap3A_364, %swap3A_365] {strides = array<i32>} : memref<128x128xf32, #tpu.memory_space<vmem>>, vector<1x16xf32>,
    %swap3A_367 = vector.shape_cast %swap3A_366 : vector<1x16xf32> to vector<16xf32>
    %swap3A_368 = vector.shape_cast %parallel_loop3A_326#6 : vector<16xf32> to vector<1x16xf32>
    tpu.vector_store %arg10[%swap3A_364, %swap3A_365], %swap3A_368 {strides = array<i32>} : memref<128x128xf32, #tpu.memory_space<vmem>>, vector<1x16xf32>,
    %swap3A_369 = arith.constant 125 : i32
    %swap3A_370 = arith.index_cast %swap3A_369 : i32 to index
    %swap3A_371 = arith.constant 112 : index
    %swap3A_372 = tpu.vector_load %arg10[%swap3A_370, %swap3A_371] {strides = array<i32>} : memref<128x128xf32, #tpu.memory_space<vmem>>, vector<1x16xf32>,
    %swap3A_373 = vector.shape_cast %swap3A_372 : vector<1x16xf32> to vector<16xf32>
    %swap3A_374 = vector.shape_cast %parallel_loop3A_326#7 : vector<16xf32> to vector<1x16xf32>
    tpu.vector_store %arg10[%swap3A_370, %swap3A_371], %swap3A_374 {strides = array<i32>} : memref<128x128xf32, #tpu.memory_space<vmem>>, vector<1x16xf32>,
    %dma_wait3A_375 = arith.constant 63 : i32
    %dma_wait3A_376 = arith.constant 0 : i32
    %dma_wait3A_377 = tpu.memref_slice %arg5[%dma_wait3A_375, %dma_wait3A_376] : memref<64x100xi32, #tpu.memory_space<vmem>> -> memref<1x100xi32, #tpu.memory_space<vmem>>
    %dma_wait3A_378 = tpu.memref_squeeze %dma_wait3A_377 : memref<1x100xi32, #tpu.memory_space<vmem>> -> memref<100xi32, #tpu.memory_space<vmem>>
    %dma_wait3A_379 = arith.constant 0 : i32
    %dma_wait3A_380 = arith.constant 0 : i32
    %dma_wait3A_381 = tpu.memref_slice %arg2[%dma_wait3A_379, %dma_wait3A_380] : memref<100000x128xf32, #tpu.memory_space<hbm>> -> memref<100000x128xf32, #tpu.memory_space<hbm>>
    tpu.wait_indirect_dma semaphore(%arg14 : memref<!tpu.dma_semaphore, #tpu.memory_space<semaphore_mem>>) src(%dma_wait3A_381 : memref<100000x128xf32, #tpu.memory_space<hbm>>) dst(%arg9 : memref<100x128xf32, #tpu.memory_space<vmem>>)
    %broadcast_in_dim3A_382 = arith.constant 0.000000e+00 : f32
    %broadcast_in_dim3A_383 = vector.broadcast %broadcast_in_dim3A_382 : f32 to vector<16xf32>
    %parallel_loop3A_384 = arith.constant 0 : i32
    %parallel_loop3A_385 = arith.constant 50 : i32
    %parallel_loop3A_386 = arith.constant 1 : i32
    %parallel_loop3A_387:8 = scf.for %parallel_loop3A_492 = %parallel_loop3A_384 to %parallel_loop3A_385 step %parallel_loop3A_386 iter_args(%parallel_loop3A_493 = %broadcast_in_dim3A_383, %parallel_loop3A_494 = %broadcast_in_dim3A_383, %parallel_loop3A_495 = %broadcast_in_dim3A_383, %parallel_loop3A_496 = %broadcast_in_dim3A_383, %parallel_loop3A_497 = %broadcast_in_dim3A_383, %parallel_loop3A_498 = %broadcast_in_dim3A_383, %parallel_loop3A_499 = %broadcast_in_dim3A_383, %parallel_loop3A_500 = %broadcast_in_dim3A_383) -> (vector<16xf32>, vector<16xf32>, vector<16xf32>, vector<16xf32>, vector<16xf32>, vector<16xf32>, vector<16xf32>, vector<16xf32>)  : i32 {
      %parallel_loop3A_501 = arith.index_cast %parallel_loop3A_492 : i32 to index
      %parallel_loop3A_502 = arith.constant 0 : index
      %parallel_loop3A_503 = tpu.vector_load %arg9[%parallel_loop3A_501, %parallel_loop3A_502] {strides = array<i32>} : memref<100x128xf32, #tpu.memory_space<vmem>>, vector<1x16xf32>,
      %parallel_loop3A_504 = vector.shape_cast %parallel_loop3A_503 : vector<1x16xf32> to vector<16xf32>
      %parallel_loop3A_505 = arith.addf %parallel_loop3A_493, %parallel_loop3A_504 : vector<16xf32>
      %parallel_loop3A_506 = arith.index_cast %parallel_loop3A_492 : i32 to index
      %parallel_loop3A_507 = arith.constant 16 : index
      %parallel_loop3A_508 = tpu.vector_load %arg9[%parallel_loop3A_506, %parallel_loop3A_507] {strides = array<i32>} : memref<100x128xf32, #tpu.memory_space<vmem>>, vector<1x16xf32>,
      %parallel_loop3A_509 = vector.shape_cast %parallel_loop3A_508 : vector<1x16xf32> to vector<16xf32>
      %parallel_loop3A_510 = arith.addf %parallel_loop3A_494, %parallel_loop3A_509 : vector<16xf32>
      %parallel_loop3A_511 = arith.index_cast %parallel_loop3A_492 : i32 to index
      %parallel_loop3A_512 = arith.constant 32 : index
      %parallel_loop3A_513 = tpu.vector_load %arg9[%parallel_loop3A_511, %parallel_loop3A_512] {strides = array<i32>} : memref<100x128xf32, #tpu.memory_space<vmem>>, vector<1x16xf32>,
      %parallel_loop3A_514 = vector.shape_cast %parallel_loop3A_513 : vector<1x16xf32> to vector<16xf32>
      %parallel_loop3A_515 = arith.addf %parallel_loop3A_495, %parallel_loop3A_514 : vector<16xf32>
      %parallel_loop3A_516 = arith.index_cast %parallel_loop3A_492 : i32 to index
      %parallel_loop3A_517 = arith.constant 48 : index
      %parallel_loop3A_518 = tpu.vector_load %arg9[%parallel_loop3A_516, %parallel_loop3A_517] {strides = array<i32>} : memref<100x128xf32, #tpu.memory_space<vmem>>, vector<1x16xf32>,
      %parallel_loop3A_519 = vector.shape_cast %parallel_loop3A_518 : vector<1x16xf32> to vector<16xf32>
      %parallel_loop3A_520 = arith.addf %parallel_loop3A_496, %parallel_loop3A_519 : vector<16xf32>
      %parallel_loop3A_521 = arith.index_cast %parallel_loop3A_492 : i32 to index
      %parallel_loop3A_522 = arith.constant 64 : index
      %parallel_loop3A_523 = tpu.vector_load %arg9[%parallel_loop3A_521, %parallel_loop3A_522] {strides = array<i32>} : memref<100x128xf32, #tpu.memory_space<vmem>>, vector<1x16xf32>,
      %parallel_loop3A_524 = vector.shape_cast %parallel_loop3A_523 : vector<1x16xf32> to vector<16xf32>
      %parallel_loop3A_525 = arith.addf %parallel_loop3A_497, %parallel_loop3A_524 : vector<16xf32>
      %parallel_loop3A_526 = arith.index_cast %parallel_loop3A_492 : i32 to index
      %parallel_loop3A_527 = arith.constant 80 : index
      %parallel_loop3A_528 = tpu.vector_load %arg9[%parallel_loop3A_526, %parallel_loop3A_527] {strides = array<i32>} : memref<100x128xf32, #tpu.memory_space<vmem>>, vector<1x16xf32>,
      %parallel_loop3A_529 = vector.shape_cast %parallel_loop3A_528 : vector<1x16xf32> to vector<16xf32>
      %parallel_loop3A_530 = arith.addf %parallel_loop3A_498, %parallel_loop3A_529 : vector<16xf32>
      %parallel_loop3A_531 = arith.index_cast %parallel_loop3A_492 : i32 to index
      %parallel_loop3A_532 = arith.constant 96 : index
      %parallel_loop3A_533 = tpu.vector_load %arg9[%parallel_loop3A_531, %parallel_loop3A_532] {strides = array<i32>} : memref<100x128xf32, #tpu.memory_space<vmem>>, vector<1x16xf32>,
      %parallel_loop3A_534 = vector.shape_cast %parallel_loop3A_533 : vector<1x16xf32> to vector<16xf32>
      %parallel_loop3A_535 = arith.addf %parallel_loop3A_499, %parallel_loop3A_534 : vector<16xf32>
      %parallel_loop3A_536 = arith.index_cast %parallel_loop3A_492 : i32 to index
      %parallel_loop3A_537 = arith.constant 112 : index
      %parallel_loop3A_538 = tpu.vector_load %arg9[%parallel_loop3A_536, %parallel_loop3A_537] {strides = array<i32>} : memref<100x128xf32, #tpu.memory_space<vmem>>, vector<1x16xf32>,
      %parallel_loop3A_539 = vector.shape_cast %parallel_loop3A_538 : vector<1x16xf32> to vector<16xf32>
      %parallel_loop3A_540 = arith.addf %parallel_loop3A_500, %parallel_loop3A_539 : vector<16xf32>
      scf.yield %parallel_loop3A_505, %parallel_loop3A_510, %parallel_loop3A_515, %parallel_loop3A_520, %parallel_loop3A_525, %parallel_loop3A_530, %parallel_loop3A_535, %parallel_loop3A_540 : vector<16xf32>, vector<16xf32>, vector<16xf32>, vector<16xf32>, vector<16xf32>, vector<16xf32>, vector<16xf32>, vector<16xf32>
    } {sc.loop_unroll_factor = 10 : i64, sc.parallel_access}
    %swap3A_388 = arith.constant 126 : i32
    %swap3A_389 = arith.index_cast %swap3A_388 : i32 to index
    %swap3A_390 = arith.constant 0 : index
    %swap3A_391 = tpu.vector_load %arg10[%swap3A_389, %swap3A_390] {strides = array<i32>} : memref<128x128xf32, #tpu.memory_space<vmem>>, vector<1x16xf32>,
    %swap3A_392 = vector.shape_cast %swap3A_391 : vector<1x16xf32> to vector<16xf32>
    %swap3A_393 = vector.shape_cast %parallel_loop3A_387#0 : vector<16xf32> to vector<1x16xf32>
    tpu.vector_store %arg10[%swap3A_389, %swap3A_390], %swap3A_393 {strides = array<i32>} : memref<128x128xf32, #tpu.memory_space<vmem>>, vector<1x16xf32>,
    %swap3A_394 = arith.constant 126 : i32
    %swap3A_395 = arith.index_cast %swap3A_394 : i32 to index
    %swap3A_396 = arith.constant 16 : index
    %swap3A_397 = tpu.vector_load %arg10[%swap3A_395, %swap3A_396] {strides = array<i32>} : memref<128x128xf32, #tpu.memory_space<vmem>>, vector<1x16xf32>,
    %swap3A_398 = vector.shape_cast %swap3A_397 : vector<1x16xf32> to vector<16xf32>
    %swap3A_399 = vector.shape_cast %parallel_loop3A_387#1 : vector<16xf32> to vector<1x16xf32>
    tpu.vector_store %arg10[%swap3A_395, %swap3A_396], %swap3A_399 {strides = array<i32>} : memref<128x128xf32, #tpu.memory_space<vmem>>, vector<1x16xf32>,
    %swap3A_400 = arith.constant 126 : i32
    %swap3A_401 = arith.index_cast %swap3A_400 : i32 to index
    %swap3A_402 = arith.constant 32 : index
    %swap3A_403 = tpu.vector_load %arg10[%swap3A_401, %swap3A_402] {strides = array<i32>} : memref<128x128xf32, #tpu.memory_space<vmem>>, vector<1x16xf32>,
    %swap3A_404 = vector.shape_cast %swap3A_403 : vector<1x16xf32> to vector<16xf32>
    %swap3A_405 = vector.shape_cast %parallel_loop3A_387#2 : vector<16xf32> to vector<1x16xf32>
    tpu.vector_store %arg10[%swap3A_401, %swap3A_402], %swap3A_405 {strides = array<i32>} : memref<128x128xf32, #tpu.memory_space<vmem>>, vector<1x16xf32>,
    %swap3A_406 = arith.constant 126 : i32
    %swap3A_407 = arith.index_cast %swap3A_406 : i32 to index
    %swap3A_408 = arith.constant 48 : index
    %swap3A_409 = tpu.vector_load %arg10[%swap3A_407, %swap3A_408] {strides = array<i32>} : memref<128x128xf32, #tpu.memory_space<vmem>>, vector<1x16xf32>,
    %swap3A_410 = vector.shape_cast %swap3A_409 : vector<1x16xf32> to vector<16xf32>
    %swap3A_411 = vector.shape_cast %parallel_loop3A_387#3 : vector<16xf32> to vector<1x16xf32>
    tpu.vector_store %arg10[%swap3A_407, %swap3A_408], %swap3A_411 {strides = array<i32>} : memref<128x128xf32, #tpu.memory_space<vmem>>, vector<1x16xf32>,
    %swap3A_412 = arith.constant 126 : i32
    %swap3A_413 = arith.index_cast %swap3A_412 : i32 to index
    %swap3A_414 = arith.constant 64 : index
    %swap3A_415 = tpu.vector_load %arg10[%swap3A_413, %swap3A_414] {strides = array<i32>} : memref<128x128xf32, #tpu.memory_space<vmem>>, vector<1x16xf32>,
    %swap3A_416 = vector.shape_cast %swap3A_415 : vector<1x16xf32> to vector<16xf32>
    %swap3A_417 = vector.shape_cast %parallel_loop3A_387#4 : vector<16xf32> to vector<1x16xf32>
    tpu.vector_store %arg10[%swap3A_413, %swap3A_414], %swap3A_417 {strides = array<i32>} : memref<128x128xf32, #tpu.memory_space<vmem>>, vector<1x16xf32>,
    %swap3A_418 = arith.constant 126 : i32
    %swap3A_419 = arith.index_cast %swap3A_418 : i32 to index
    %swap3A_420 = arith.constant 80 : index
    %swap3A_421 = tpu.vector_load %arg10[%swap3A_419, %swap3A_420] {strides = array<i32>} : memref<128x128xf32, #tpu.memory_space<vmem>>, vector<1x16xf32>,
    %swap3A_422 = vector.shape_cast %swap3A_421 : vector<1x16xf32> to vector<16xf32>
    %swap3A_423 = vector.shape_cast %parallel_loop3A_387#5 : vector<16xf32> to vector<1x16xf32>
    tpu.vector_store %arg10[%swap3A_419, %swap3A_420], %swap3A_423 {strides = array<i32>} : memref<128x128xf32, #tpu.memory_space<vmem>>, vector<1x16xf32>,
    %swap3A_424 = arith.constant 126 : i32
    %swap3A_425 = arith.index_cast %swap3A_424 : i32 to index
    %swap3A_426 = arith.constant 96 : index
    %swap3A_427 = tpu.vector_load %arg10[%swap3A_425, %swap3A_426] {strides = array<i32>} : memref<128x128xf32, #tpu.memory_space<vmem>>, vector<1x16xf32>,
    %swap3A_428 = vector.shape_cast %swap3A_427 : vector<1x16xf32> to vector<16xf32>
    %swap3A_429 = vector.shape_cast %parallel_loop3A_387#6 : vector<16xf32> to vector<1x16xf32>
    tpu.vector_store %arg10[%swap3A_425, %swap3A_426], %swap3A_429 {strides = array<i32>} : memref<128x128xf32, #tpu.memory_space<vmem>>, vector<1x16xf32>,
    %swap3A_430 = arith.constant 126 : i32
    %swap3A_431 = arith.index_cast %swap3A_430 : i32 to index
    %swap3A_432 = arith.constant 112 : index
    %swap3A_433 = tpu.vector_load %arg10[%swap3A_431, %swap3A_432] {strides = array<i32>} : memref<128x128xf32, #tpu.memory_space<vmem>>, vector<1x16xf32>,
    %swap3A_434 = vector.shape_cast %swap3A_433 : vector<1x16xf32> to vector<16xf32>
    %swap3A_435 = vector.shape_cast %parallel_loop3A_387#7 : vector<16xf32> to vector<1x16xf32>
    tpu.vector_store %arg10[%swap3A_431, %swap3A_432], %swap3A_435 {strides = array<i32>} : memref<128x128xf32, #tpu.memory_space<vmem>>, vector<1x16xf32>,
    %broadcast_in_dim3A_436 = arith.constant 0.000000e+00 : f32
    %broadcast_in_dim3A_437 = vector.broadcast %broadcast_in_dim3A_436 : f32 to vector<16xf32>
    %parallel_loop3A_438 = arith.constant 50 : i32
    %parallel_loop3A_439 = arith.constant 100 : i32
    %parallel_loop3A_440 = arith.constant 1 : i32
    %parallel_loop3A_441:8 = scf.for %parallel_loop3A_492 = %parallel_loop3A_438 to %parallel_loop3A_439 step %parallel_loop3A_440 iter_args(%parallel_loop3A_493 = %broadcast_in_dim3A_437, %parallel_loop3A_494 = %broadcast_in_dim3A_437, %parallel_loop3A_495 = %broadcast_in_dim3A_437, %parallel_loop3A_496 = %broadcast_in_dim3A_437, %parallel_loop3A_497 = %broadcast_in_dim3A_437, %parallel_loop3A_498 = %broadcast_in_dim3A_437, %parallel_loop3A_499 = %broadcast_in_dim3A_437, %parallel_loop3A_500 = %broadcast_in_dim3A_437) -> (vector<16xf32>, vector<16xf32>, vector<16xf32>, vector<16xf32>, vector<16xf32>, vector<16xf32>, vector<16xf32>, vector<16xf32>)  : i32 {
      %parallel_loop3A_501 = arith.index_cast %parallel_loop3A_492 : i32 to index
      %parallel_loop3A_502 = arith.constant 0 : index
      %parallel_loop3A_503 = tpu.vector_load %arg9[%parallel_loop3A_501, %parallel_loop3A_502] {strides = array<i32>} : memref<100x128xf32, #tpu.memory_space<vmem>>, vector<1x16xf32>,
      %parallel_loop3A_504 = vector.shape_cast %parallel_loop3A_503 : vector<1x16xf32> to vector<16xf32>
      %parallel_loop3A_505 = arith.addf %parallel_loop3A_493, %parallel_loop3A_504 : vector<16xf32>
      %parallel_loop3A_506 = arith.index_cast %parallel_loop3A_492 : i32 to index
      %parallel_loop3A_507 = arith.constant 16 : index
      %parallel_loop3A_508 = tpu.vector_load %arg9[%parallel_loop3A_506, %parallel_loop3A_507] {strides = array<i32>} : memref<100x128xf32, #tpu.memory_space<vmem>>, vector<1x16xf32>,
      %parallel_loop3A_509 = vector.shape_cast %parallel_loop3A_508 : vector<1x16xf32> to vector<16xf32>
      %parallel_loop3A_510 = arith.addf %parallel_loop3A_494, %parallel_loop3A_509 : vector<16xf32>
      %parallel_loop3A_511 = arith.index_cast %parallel_loop3A_492 : i32 to index
      %parallel_loop3A_512 = arith.constant 32 : index
      %parallel_loop3A_513 = tpu.vector_load %arg9[%parallel_loop3A_511, %parallel_loop3A_512] {strides = array<i32>} : memref<100x128xf32, #tpu.memory_space<vmem>>, vector<1x16xf32>,
      %parallel_loop3A_514 = vector.shape_cast %parallel_loop3A_513 : vector<1x16xf32> to vector<16xf32>
      %parallel_loop3A_515 = arith.addf %parallel_loop3A_495, %parallel_loop3A_514 : vector<16xf32>
      %parallel_loop3A_516 = arith.index_cast %parallel_loop3A_492 : i32 to index
      %parallel_loop3A_517 = arith.constant 48 : index
      %parallel_loop3A_518 = tpu.vector_load %arg9[%parallel_loop3A_516, %parallel_loop3A_517] {strides = array<i32>} : memref<100x128xf32, #tpu.memory_space<vmem>>, vector<1x16xf32>,
      %parallel_loop3A_519 = vector.shape_cast %parallel_loop3A_518 : vector<1x16xf32> to vector<16xf32>
      %parallel_loop3A_520 = arith.addf %parallel_loop3A_496, %parallel_loop3A_519 : vector<16xf32>
      %parallel_loop3A_521 = arith.index_cast %parallel_loop3A_492 : i32 to index
      %parallel_loop3A_522 = arith.constant 64 : index
      %parallel_loop3A_523 = tpu.vector_load %arg9[%parallel_loop3A_521, %parallel_loop3A_522] {strides = array<i32>} : memref<100x128xf32, #tpu.memory_space<vmem>>, vector<1x16xf32>,
      %parallel_loop3A_524 = vector.shape_cast %parallel_loop3A_523 : vector<1x16xf32> to vector<16xf32>
      %parallel_loop3A_525 = arith.addf %parallel_loop3A_497, %parallel_loop3A_524 : vector<16xf32>
      %parallel_loop3A_526 = arith.index_cast %parallel_loop3A_492 : i32 to index
      %parallel_loop3A_527 = arith.constant 80 : index
      %parallel_loop3A_528 = tpu.vector_load %arg9[%parallel_loop3A_526, %parallel_loop3A_527] {strides = array<i32>} : memref<100x128xf32, #tpu.memory_space<vmem>>, vector<1x16xf32>,
      %parallel_loop3A_529 = vector.shape_cast %parallel_loop3A_528 : vector<1x16xf32> to vector<16xf32>
      %parallel_loop3A_530 = arith.addf %parallel_loop3A_498, %parallel_loop3A_529 : vector<16xf32>
      %parallel_loop3A_531 = arith.index_cast %parallel_loop3A_492 : i32 to index
      %parallel_loop3A_532 = arith.constant 96 : index
      %parallel_loop3A_533 = tpu.vector_load %arg9[%parallel_loop3A_531, %parallel_loop3A_532] {strides = array<i32>} : memref<100x128xf32, #tpu.memory_space<vmem>>, vector<1x16xf32>,
      %parallel_loop3A_534 = vector.shape_cast %parallel_loop3A_533 : vector<1x16xf32> to vector<16xf32>
      %parallel_loop3A_535 = arith.addf %parallel_loop3A_499, %parallel_loop3A_534 : vector<16xf32>
      %parallel_loop3A_536 = arith.index_cast %parallel_loop3A_492 : i32 to index
      %parallel_loop3A_537 = arith.constant 112 : index
      %parallel_loop3A_538 = tpu.vector_load %arg9[%parallel_loop3A_536, %parallel_loop3A_537] {strides = array<i32>} : memref<100x128xf32, #tpu.memory_space<vmem>>, vector<1x16xf32>,
      %parallel_loop3A_539 = vector.shape_cast %parallel_loop3A_538 : vector<1x16xf32> to vector<16xf32>
      %parallel_loop3A_540 = arith.addf %parallel_loop3A_500, %parallel_loop3A_539 : vector<16xf32>
      scf.yield %parallel_loop3A_505, %parallel_loop3A_510, %parallel_loop3A_515, %parallel_loop3A_520, %parallel_loop3A_525, %parallel_loop3A_530, %parallel_loop3A_535, %parallel_loop3A_540 : vector<16xf32>, vector<16xf32>, vector<16xf32>, vector<16xf32>, vector<16xf32>, vector<16xf32>, vector<16xf32>, vector<16xf32>
    } {sc.loop_unroll_factor = 10 : i64, sc.parallel_access}
    %swap3A_442 = arith.constant 127 : i32
    %swap3A_443 = arith.index_cast %swap3A_442 : i32 to index
    %swap3A_444 = arith.constant 0 : index
    %swap3A_445 = tpu.vector_load %arg10[%swap3A_443, %swap3A_444] {strides = array<i32>} : memref<128x128xf32, #tpu.memory_space<vmem>>, vector<1x16xf32>,
    %swap3A_446 = vector.shape_cast %swap3A_445 : vector<1x16xf32> to vector<16xf32>
    %swap3A_447 = vector.shape_cast %parallel_loop3A_441#0 : vector<16xf32> to vector<1x16xf32>
    tpu.vector_store %arg10[%swap3A_443, %swap3A_444], %swap3A_447 {strides = array<i32>} : memref<128x128xf32, #tpu.memory_space<vmem>>, vector<1x16xf32>,
    %swap3A_448 = arith.constant 127 : i32
    %swap3A_449 = arith.index_cast %swap3A_448 : i32 to index
    %swap3A_450 = arith.constant 16 : index
    %swap3A_451 = tpu.vector_load %arg10[%swap3A_449, %swap3A_450] {strides = array<i32>} : memref<128x128xf32, #tpu.memory_space<vmem>>, vector<1x16xf32>,
    %swap3A_452 = vector.shape_cast %swap3A_451 : vector<1x16xf32> to vector<16xf32>
    %swap3A_453 = vector.shape_cast %parallel_loop3A_441#1 : vector<16xf32> to vector<1x16xf32>
    tpu.vector_store %arg10[%swap3A_449, %swap3A_450], %swap3A_453 {strides = array<i32>} : memref<128x128xf32, #tpu.memory_space<vmem>>, vector<1x16xf32>,
    %swap3A_454 = arith.constant 127 : i32
    %swap3A_455 = arith.index_cast %swap3A_454 : i32 to index
    %swap3A_456 = arith.constant 32 : index
    %swap3A_457 = tpu.vector_load %arg10[%swap3A_455, %swap3A_456] {strides = array<i32>} : memref<128x128xf32, #tpu.memory_space<vmem>>, vector<1x16xf32>,
    %swap3A_458 = vector.shape_cast %swap3A_457 : vector<1x16xf32> to vector<16xf32>
    %swap3A_459 = vector.shape_cast %parallel_loop3A_441#2 : vector<16xf32> to vector<1x16xf32>
    tpu.vector_store %arg10[%swap3A_455, %swap3A_456], %swap3A_459 {strides = array<i32>} : memref<128x128xf32, #tpu.memory_space<vmem>>, vector<1x16xf32>,
    %swap3A_460 = arith.constant 127 : i32
    %swap3A_461 = arith.index_cast %swap3A_460 : i32 to index
    %swap3A_462 = arith.constant 48 : index
    %swap3A_463 = tpu.vector_load %arg10[%swap3A_461, %swap3A_462] {strides = array<i32>} : memref<128x128xf32, #tpu.memory_space<vmem>>, vector<1x16xf32>,
    %swap3A_464 = vector.shape_cast %swap3A_463 : vector<1x16xf32> to vector<16xf32>
    %swap3A_465 = vector.shape_cast %parallel_loop3A_441#3 : vector<16xf32> to vector<1x16xf32>
    tpu.vector_store %arg10[%swap3A_461, %swap3A_462], %swap3A_465 {strides = array<i32>} : memref<128x128xf32, #tpu.memory_space<vmem>>, vector<1x16xf32>,
    %swap3A_466 = arith.constant 127 : i32
    %swap3A_467 = arith.index_cast %swap3A_466 : i32 to index
    %swap3A_468 = arith.constant 64 : index
    %swap3A_469 = tpu.vector_load %arg10[%swap3A_467, %swap3A_468] {strides = array<i32>} : memref<128x128xf32, #tpu.memory_space<vmem>>, vector<1x16xf32>,
    %swap3A_470 = vector.shape_cast %swap3A_469 : vector<1x16xf32> to vector<16xf32>
    %swap3A_471 = vector.shape_cast %parallel_loop3A_441#4 : vector<16xf32> to vector<1x16xf32>
    tpu.vector_store %arg10[%swap3A_467, %swap3A_468], %swap3A_471 {strides = array<i32>} : memref<128x128xf32, #tpu.memory_space<vmem>>, vector<1x16xf32>,
    %swap3A_472 = arith.constant 127 : i32
    %swap3A_473 = arith.index_cast %swap3A_472 : i32 to index
    %swap3A_474 = arith.constant 80 : index
    %swap3A_475 = tpu.vector_load %arg10[%swap3A_473, %swap3A_474] {strides = array<i32>} : memref<128x128xf32, #tpu.memory_space<vmem>>, vector<1x16xf32>,
    %swap3A_476 = vector.shape_cast %swap3A_475 : vector<1x16xf32> to vector<16xf32>
    %swap3A_477 = vector.shape_cast %parallel_loop3A_441#5 : vector<16xf32> to vector<1x16xf32>
    tpu.vector_store %arg10[%swap3A_473, %swap3A_474], %swap3A_477 {strides = array<i32>} : memref<128x128xf32, #tpu.memory_space<vmem>>, vector<1x16xf32>,
    %swap3A_478 = arith.constant 127 : i32
    %swap3A_479 = arith.index_cast %swap3A_478 : i32 to index
    %swap3A_480 = arith.constant 96 : index
    %swap3A_481 = tpu.vector_load %arg10[%swap3A_479, %swap3A_480] {strides = array<i32>} : memref<128x128xf32, #tpu.memory_space<vmem>>, vector<1x16xf32>,
    %swap3A_482 = vector.shape_cast %swap3A_481 : vector<1x16xf32> to vector<16xf32>
    %swap3A_483 = vector.shape_cast %parallel_loop3A_441#6 : vector<16xf32> to vector<1x16xf32>
    tpu.vector_store %arg10[%swap3A_479, %swap3A_480], %swap3A_483 {strides = array<i32>} : memref<128x128xf32, #tpu.memory_space<vmem>>, vector<1x16xf32>,
    %swap3A_484 = arith.constant 127 : i32
    %swap3A_485 = arith.index_cast %swap3A_484 : i32 to index
    %swap3A_486 = arith.constant 112 : index
    %swap3A_487 = tpu.vector_load %arg10[%swap3A_485, %swap3A_486] {strides = array<i32>} : memref<128x128xf32, #tpu.memory_space<vmem>>, vector<1x16xf32>,
    %swap3A_488 = vector.shape_cast %swap3A_487 : vector<1x16xf32> to vector<16xf32>
    %swap3A_489 = vector.shape_cast %parallel_loop3A_441#7 : vector<16xf32> to vector<1x16xf32>
    tpu.vector_store %arg10[%swap3A_485, %swap3A_486], %swap3A_489 {strides = array<i32>} : memref<128x128xf32, #tpu.memory_space<vmem>>, vector<1x16xf32>,
    %mul3A_490 = arith.constant 128 : i32
    %mul3A_491 = arith.muli %add3A, %mul3A_490 : i32
    "tpu.region"() ({
      %run_scoped3A = tpu.sem_alloc : memref<!tpu.dma_semaphore, #tpu.memory_space<semaphore_mem>>
      %dma_start3A_492 = arith.constant 0 : i32
      %dma_start3A_493 = tpu.memref_slice %arg4[%mul3A_491, %dma_start3A_492] : memref<4096x128xf32, #tpu.memory_space<hbm>> -> memref<128x128xf32, #tpu.memory_space<hbm>>
      %dma_start3A_494 = arith.constant 0 : i32
      %dma_start3A_495 = tpu.memref_slice %arg4[%mul3A_491, %dma_start3A_494] : memref<4096x128xf32, #tpu.memory_space<hbm>> -> memref<128x128xf32, #tpu.memory_space<hbm>>
      tpu.enqueue_dma source(%arg10 : memref<128x128xf32, #tpu.memory_space<vmem>>) target(%dma_start3A_495 : memref<128x128xf32, #tpu.memory_space<hbm>>) target_semaphore(%run_scoped3A : memref<!tpu.dma_semaphore, #tpu.memory_space<semaphore_mem>>)
      %dma_wait3A_496 = arith.constant 0 : i32
      %dma_wait3A_497 = tpu.memref_slice %arg4[%mul3A_491, %dma_wait3A_496] : memref<4096x128xf32, #tpu.memory_space<hbm>> -> memref<128x128xf32, #tpu.memory_space<hbm>>
      %dma_wait3A_498 = arith.constant 0 : i32
      %dma_wait3A_499 = tpu.memref_slice %arg4[%mul3A_491, %dma_wait3A_498] : memref<4096x128xf32, #tpu.memory_space<hbm>> -> memref<128x128xf32, #tpu.memory_space<hbm>>
      tpu.wait_dma2 semaphore(%run_scoped3A : memref<!tpu.dma_semaphore, #tpu.memory_space<semaphore_mem>>) src(%arg10 : memref<128x128xf32, #tpu.memory_space<vmem>>) dst(%dma_wait3A_499 : memref<128x128xf32, #tpu.memory_space<hbm>>)
      tpu.yield
    }) : () -> ()
    return
  }
}

module attributes {stable_mosaic.version = 14 : i64} {
  func.func @body(%arg0: i32, %arg1: memref<4096x128xf32, #tpu.memory_space<vmem>>, %arg2: memref<128x128xf32, #tpu.memory_space<vmem>>, %arg3: memref<1x128xf32, #tpu.memory_space<vmem>>, %arg4: memref<64x128xf32, #tpu.memory_space<vmem>>, %arg5: memref<64x1xf32, #tpu.memory_space<vmem>>, %arg6: memref<64x4096xf32, #tpu.memory_space<vmem>>) attributes {dimension_semantics = [#tpu.dimension_semantics<arbitrary>], iteration_bounds = array<i64: 1>, scalar_prefetch = 0 : i64, scratch_operands = 0 : i64, tpu.core_type = #tpu.core_type<tc>, window_params = [{transform_indices = @transform_0, window_bounds = array<i64: 4096, 128>}, {pipeline_mode = #tpu.pipeline_mode<synchronous>, transform_indices = @transform_1, window_bounds = array<i64: 128, 128>}, {pipeline_mode = #tpu.pipeline_mode<synchronous>, transform_indices = @transform_2, window_bounds = array<i64: 1, 128>}, {pipeline_mode = #tpu.pipeline_mode<synchronous>, transform_indices = @transform_3, window_bounds = array<i64: 64, 128>}, {pipeline_mode = #tpu.pipeline_mode<synchronous>, transform_indices = @transform_4, window_bounds = array<i64: 64, 1>}, {transform_indices = @transform_5, window_bounds = array<i64: 64, 4096>}]} {
    %get3A = arith.constant 0 : index
    %get3A_0 = arith.constant 0 : index
    %get3A_1 = vector.load %arg2[%get3A, %get3A_0] : memref<128x128xf32, #tpu.memory_space<vmem>>, vector<128x128xf32>
    %mul3A = arith.constant 2.000000e-02 : f32
    %mul3A_2 = vector.broadcast %mul3A : f32 to vector<128x128xf32>
    %mul3A_3 = arith.mulf %get3A_1, %mul3A_2 : vector<128x128xf32>
    %get3A_4 = arith.constant 0 : index
    %get3A_5 = arith.constant 0 : index
    %get3A_6 = vector.load %arg1[%get3A_4, %get3A_5] : memref<4096x128xf32, #tpu.memory_space<vmem>>, vector<4096x128xf32>
    %dot_general3A = arith.constant dense<0.000000e+00> : vector<4096x128xf32>
    %dot_general3A_7 = tpu.matmul %get3A_6, %mul3A_3, %dot_general3A {dimension_numbers = #tpu.dot_dimension_numbers<[1], [1], [0], [0], [0, 0, 1, 0], [], []>, transpose_lhs_hint = false} : vector<4096x128xf32>, vector<128x128xf32>, vector<4096x128xf32> -> vector<4096x128xf32>
    %get3A_8 = arith.constant 0 : index
    %get3A_9 = arith.constant 0 : index
    %get3A_10 = vector.load %arg3[%get3A_8, %get3A_9] : memref<1x128xf32, #tpu.memory_space<vmem>>, vector<1x128xf32>
    %add3A = vector.broadcast %get3A_10 : vector<1x128xf32> to vector<4096x128xf32>
    %add3A_11 = arith.addf %dot_general3A_7, %add3A : vector<4096x128xf32>
    %max3A = arith.constant 0.000000e+00 : f32
    %max3A_12 = vector.broadcast %max3A : f32 to vector<4096x128xf32>
    %max3A_13 = arith.maximumf %add3A_11, %max3A_12 : vector<4096x128xf32>
    %get3A_14 = arith.constant 0 : index
    %get3A_15 = arith.constant 0 : index
    %get3A_16 = vector.load %arg4[%get3A_14, %get3A_15] : memref<64x128xf32, #tpu.memory_space<vmem>>, vector<64x128xf32>
    %dot_general3A_17 = arith.constant dense<0.000000e+00> : vector<64x4096xf32>
    %dot_general3A_18 = tpu.matmul %get3A_16, %max3A_13, %dot_general3A_17 {dimension_numbers = #tpu.dot_dimension_numbers<[1], [1], [0], [0], [0, 0, 1, 0], [], []>, transpose_lhs_hint = false} : vector<64x128xf32>, vector<4096x128xf32>, vector<64x4096xf32> -> vector<64x4096xf32>
    %get3A_19 = arith.constant 0 : index
    %get3A_20 = arith.constant 0 : index
    %get3A_21 = vector.load %arg5[%get3A_19, %get3A_20] : memref<64x1xf32, #tpu.memory_space<vmem>>, vector<64x1xf32>
    %add3A_22 = vector.broadcast %get3A_21 : vector<64x1xf32> to vector<64x4096xf32>
    %add3A_23 = arith.addf %dot_general3A_18, %add3A_22 : vector<64x4096xf32>
    %swap3A = arith.constant 0 : index
    %swap3A_24 = arith.constant 0 : index
    %swap3A_25 = vector.load %arg6[%swap3A, %swap3A_24] : memref<64x4096xf32, #tpu.memory_space<vmem>>, vector<64x4096xf32>
    tpu.vector_store %arg6[%swap3A, %swap3A_24], %add3A_23 {strides = array<i32>} : memref<64x4096xf32, #tpu.memory_space<vmem>>, vector<64x4096xf32>,
    return
  }
  func.func @transform_0(%arg0: i32) -> (i32, i32) {
    %c0_i32 = arith.constant 0 : i32
    %c0_i32_0 = arith.constant 0 : i32
    return %arg0, %c0_i32 : i32, i32
  }
  func.func @transform_1(%arg0: i32) -> (i32, i32) {
    %c0_i32 = arith.constant 0 : i32
    %c0_i32_0 = arith.constant 0 : i32
    %c0_i32_1 = arith.constant 0 : i32
    return %c0_i32, %c0_i32_0 : i32, i32
  }
  func.func @transform_2(%arg0: i32) -> (i32, i32) {
    %c0_i32 = arith.constant 0 : i32
    %c0_i32_0 = arith.constant 0 : i32
    %c0_i32_1 = arith.constant 0 : i32
    return %c0_i32, %c0_i32_0 : i32, i32
  }
  func.func @transform_3(%arg0: i32) -> (i32, i32) {
    %c0_i32 = arith.constant 0 : i32
    %c0_i32_0 = arith.constant 0 : i32
    %c0_i32_1 = arith.constant 0 : i32
    return %c0_i32, %c0_i32_0 : i32, i32
  }
  func.func @transform_4(%arg0: i32) -> (i32, i32) {
    %c0_i32 = arith.constant 0 : i32
    %c0_i32_0 = arith.constant 0 : i32
    %c0_i32_1 = arith.constant 0 : i32
    return %c0_i32, %c0_i32_0 : i32, i32
  }
  func.func @transform_5(%arg0: i32) -> (i32, i32) {
    %c0_i32 = arith.constant 0 : i32
    %c0_i32_0 = arith.constant 0 : i32
    return %c0_i32, %arg0 : i32, i32
  }
}

</mosaic_0001>

<sc_bundles>
// kernel: kernel.4.cloned.1.call-start
scs
__scs_entry_jumppad:
0x0: {  	(pc) =	sbr.rel $0x88, $3  }
0x1: {  	(tag) =	ssettag $0x0;
	lr =	simm.s32 $0x1  }
0x2: {  	[smem:$0x3F9B] =	sst lr;
	_ =	strace $0xD0000000  }
0x3: {  	_ = 	snop  }
0x4: {  	_ = 	snop  }
0x5: {  	_ = 	snop  }
0x6: {  	_ = 	snop  }
0x7: {  	_ = 	snop  }
__scs_overlays_trampoline_lowered:
0x8: {  	[smem:$0x3FAA] =	sst s0  }
0x9: {  	[smem:$0x3FAB] =	sst s1  }
0xa: {  	[smem:$0x3FAC] =	sst s2  }
0xb: {  	[smem:$0x3FAD] =	sst s3  }
0xc: {  	[smem:$0x3FAE] =	sst s4  }
0xd: {  	[smem:$0x3FAF] =	sst s5  }
0xe: {  	[smem:$0x3FB0] =	sst s6  }
0xf: {  	[smem:$0x3FB1] =	sst s7  }
0x10: {  	[smem:$0x3FB2] =	sst s8  }
0x11: {  	[smem:$0x3FB3] =	sst s9;
	s0 =	simm.s32 @!p0 $0x0  }
0x12: {  	s1 =	sld [smem:$0x3F99];
	s0 =	simm.s32 @p0 $0x1  }
0x13: {  	[smem:$0x3FB4] =	sst s0;
	s0 =	simm.s32 @!p1 $0x0  }
0x14: {  	s2 =	sld [smem:$0x3F98];
	s0 =	simm.s32 @p1 $0x1  }
0x15: {  	[smem:$0x3FB5] =	sst s0;
	s0 =	simm.s32 @!p2 $0x0  }
0x16: {  	s3 =	sld [smem:$0x3FDB];
	s0 =	simm.s32 @p2 $0x1  }
0x17: {  	s4 =	simm.s32 $0x1BF5;
	[smem:$0x3FB7] =	sst s0  }
0x18: {  	s0 =	sld [smem:$0x3F9A];
	_ =	swait.ge [sflag:s4], $0x0  }
0x19: {  	s7 =	sld [smem:$0x3F9B]  }
0x1a: {  	s8 =	sadd.s32 $0xFFFFE003, lr  }
0x1b: {  	s9 =	sadd.s32 $0xFFFFFEF7, lr;
	s5 =	simm.s32 $0xFFFFFFFF;
	p2 =	slt.u32 s8, $0xFFFFF086  }
0x1c: {  	p1 =	slt.u32 s9, $0xF7A;
	s5 =	simm.s32 @!p2 $0x0  }
0x1d: {  	s5 =	simm.s32 @p1 $0x1;
	p0 =	seq.s32 s7, s2  }
0x1e: {  	s7 =	smul.u32 @!p0 $0xF7A, s2;
	p2 =	seq.s32 @!p0 s5, $0x0  }
0x1f: {  	s9 =	smul.u32 $0xF7A, s1;
	s8 =	simm.s32 @!p0 $0x1BF5;
	p2 =	por !p2, p0  }
0x20: {  	[sflag:s8] =	ssyncset.s32 @!p0 $0xFFFFF086;
	s6 =	sadd.s32 @!p0 s3, s7;
	s7 =	simm.s32 @!p0 $0x108  }
0x21: {  	s3 =	sadd.s32 s3, s9;
	s6 =	sadd.s32 @!p0 $0x88, s6;
	s7 =	simm.s32 @p2 $0x1082  }
0x22: {  	[simem:s7], [sflag:s8] =	dma.local @!p0 [hbm:s6], $0xF7A  }
0x23: {  	s9 =	sor.u32 $0xD0000000, s2;
	s6 =	simm.s32 $0x108;
	_ =	swait.ge @!p0 [sflag:s8], $0x0  }
0x24: {  	s3 =	sadd.s32 $0x88, s3;
	s6 =	simm.s32 @!p1 $0x1082;
	[sflag:s4] =	ssyncset.s32 $0xFFFFF086  }
0x25: {  	[simem:s6], [sflag:s4] =	dma.local [hbm:s3], $0xF7A  }
0x26: {  	[smem:$0x3F9B] =	sst s1;
	(tag) =	ssettag s2;
	_ =	strace s9  }
0x27: {  	s1 =	sld [smem:$0x3FAB]  }
0x28: {  	s2 =	sld [smem:$0x3FAC]  }
0x29: {  	s4 =	sld [smem:$0x3FAE]  }
0x2a: {  	p0 =	seq.s32 s5, $0x0;
	s5 =	sld [smem:$0x3FAF]  }
0x2b: {  	s6 =	sld [smem:$0x3FB0]  }
0x2c: {  	s7 =	sld [smem:$0x3FB1]  }
0x2d: {  	s3 =	simm.s32 $0x108;
	s8 =	sld [smem:$0x3FB2]  }
0x2e: {  	s3 =	simm.s32 @!p0 $0x1082;
	s9 =	sld [smem:$0x3FB3]  }
0x2f: {  	lr =	sadd.s32 s0, s3;
	s0 =	sld [smem:$0x3FAA]  }
0x30: {  	s3 =	sld [smem:$0x3FAD]  }
0x31: {  	[smem:$0x3FB6] =	sst s10  }
0x32: {  	s10 =	sld [smem:$0x3FB4];
	_ =	sdelay $0x3  }
0x33: {  	p0 =	seq.s32 s10, $0x1;
	s10 =	sld [smem:$0x3FB6];
	_ =	sdelay $0x3  }
0x34: {  	[smem:$0x3FB6] =	sst s10  }
0x35: {  	s10 =	sld [smem:$0x3FB5];
	_ =	sdelay $0x3  }
0x36: {  	p1 =	seq.s32 s10, $0x1;
	s10 =	sld [smem:$0x3FB6];
	_ =	sdelay $0x3  }
0x37: {  	[smem:$0x3FB6] =	sst s10  }
0x38: {  	s10 =	sld [smem:$0x3FB7]  }
0x39: {  	_ = 	snop;
	(pc) =	sbr.ind lr, $3  }
0x3a: {  	_ = 	snop  }
0x3b: {  	_ = 	snop  }
0x3c: {  	p2 =	seq.s32 s10, $0x1;
	s10 =	sld [smem:$0x3FB6]  }
0x3d: {  	_ =	shalt  }
0x3e: {  	_ =	shalt  }
0x3f: {  	_ =	shalt  }
0x40: {  	_ =	shalt  }
0x41: {  	_ =	shalt  }
0x42: {  	_ =	shalt  }
0x43: {  	_ =	shalt  }
0x44: {  	_ =	shalt  }
0x45: {  	_ =	shalt  }
0x46: {  	_ =	shalt  }
0x47: {  	_ =	shalt  }
0x48: {  	_ =	shalt  }
0x49: {  	_ =	shalt  }
0x4a: {  	_ =	shalt  }
0x4b: {  	_ =	shalt  }
0x4c: {  	_ =	shalt  }
0x4d: {  	_ =	shalt  }
0x4e: {  	_ =	shalt  }
0x4f: {  	_ =	shalt  }
0x50: {  	_ =	shalt  }
0x51: {  	_ =	shalt  }
0x52: {  	_ =	shalt  }
0x53: {  	_ =	shalt  }
0x54: {  	_ =	shalt  }
0x55: {  	_ =	shalt  }
0x56: {  	_ =	shalt  }
0x57: {  	_ =	shalt  }
0x58: {  	_ =	shalt  }
0x59: {  	_ =	shalt  }
0x5a: {  	_ =	shalt  }
0x5b: {  	_ =	shalt  }
0x5c: {  	_ =	shalt  }
0x5d: {  	_ =	shalt  }
0x5e: {  	_ =	shalt  }
0x5f: {  	_ =	shalt  }
0x60: {  	_ =	shalt  }
0x61: {  	_ =	shalt  }
0x62: {  	_ =	shalt  }
0x63: {  	_ =	shalt  }
0x64: {  	_ =	shalt  }
0x65: {  	_ =	shalt  }
0x66: {  	_ =	shalt  }
0x67: {  	_ =	shalt  }
0x68: {  	_ =	shalt  }
0x69: {  	_ =	shalt  }
0x6a: {  	_ =	shalt  }
0x6b: {  	_ =	shalt  }
0x6c: {  	_ =	shalt  }
0x6d: {  	_ =	shalt  }
0x6e: {  	_ =	shalt  }
0x6f: {  	_ =	shalt  }
0x70: {  	_ =	shalt  }
0x71: {  	_ =	shalt  }
0x72: {  	_ =	shalt  }
0x73: {  	_ =	shalt  }
0x74: {  	_ =	shalt  }
0x75: {  	_ =	shalt  }
0x76: {  	_ =	shalt  }
0x77: {  	_ =	shalt  }
0x78: {  	_ =	shalt  }
0x79: {  	_ =	shalt  }
0x7a: {  	_ =	shalt  }
0x7b: {  	_ =	shalt  }
0x7c: {  	_ =	shalt  }
0x7d: {  	_ =	shalt  }
0x7e: {  	_ =	shalt  }
0x7f: {  	_ =	shalt  }
0x80: {  	_ =	shalt  }
0x81: {  	_ =	shalt  }
0x82: {  	_ =	shalt  }
0x83: {  	_ =	shalt  }
0x84: {  	_ =	shalt  }
0x85: {  	_ =	shalt  }
0x86: {  	_ =	shalt  }
0x87: {  	_ =	shalt  }
.Lfunc_end0:
.L_simem_size_0:
called_computation_lowered:
.L_overlay_start_0:
0x88: {  	s2 =	sld [smem:$0x3FD9]  }
0x89: {  	s3 =	sld [smem:$0x3FFE];
	_ =	sdelay $0x1  }
0x8a: {  	s1 =	srdreg.scid  }
0x8b: {  	s0 =	sand.u32 $0x1, s1  }
0x8c: {  	s17 =	sshll.u32 s0, $0xA;
	s2 =	sadd.s32 s3, s2  }
0x8d: {  	s2 =	sadd.s32 s2, s17  }
0x8e: {  	[smem:$0x3FC2] =	sst s2  }
0x8f: {  	_ = 	snop  }
0x90: {  	s2 =	sld [smem:$0x3FC8]  }
0x91: {  	s18 =	sld [smem:$0x3FD0];
	(tm) =	ssettm $0x1  }
0x92: {  	s4 =	sld [smem:$0x3FFB];
	_ =	sdelay $0x3  }
0x93: {  	_ =	strace s4  }
0x94: {  	s4 =	sld [smem:$0x3FFC];
	_ =	sdelay $0x3  }
0x95: {  	_ =	strace s4  }
0x96: {  	s4 =	sld [smem:$0x3FFD];
	_ =	sdelay $0x3  }
0x97: {  	_ =	strace s4  }
0x98: {  	_ =	strace $0x8FFFFFFF  }
0x99: {  	s19 =	sld [smem:$0x3FDB];
	_ =	sdelay $0x1  }
0x9a: {  	s5 =	simm.s32 $_scs_section_size  }
0x9b: {  	s6 =	simm.s32 $_size__tile_overlayer_lowered;
	s7 =	simm.s32 $_tile_overlayer_lowered  }
0x9c: {  	s22 =	simm.s32 $0x1BFF;
	s21 =	sshll.u32 s7, $0x1;
	s4 =	sadd.s32 s5, s19  }
0x9d: {  	s8 =	simm.s32 $0x0;
	s20 =	sshll.u32 s6, $0x1;
	s6 =	sadd.s32 s21, s4  }
0x9e: {  	[timem:s8], [sflag:s22] =	dma.local [hbm:s6], s20  }
0x9f: {  	_ =	swait.ge [sflag:s22], s20  }
0xa0: {  	s5 =	ssub.s32 $0x0, s20;
	[sflag:s22] =	ssyncset.done $0x0  }
0xa1: {  	[sflag:s22] =	ssyncadd.s32 s5;
	_ =	sdelay $0x1  }
0xa2: {  	s23 =	simm.s32 $0x1B8B  }
0xa3: {  	_ =	swait.ge [sflag:s23], $0x1  }
0xa4: {  	[sflag:s23] =	ssyncset.done $0x0  }
0xa5: {  	s25 =	simm.s32 $0x1B8E;
	s24 =	sld [smem:$0x3FFE];
	[sflag:s23] =	ssyncadd.s32 $0xFFFFFFFF  }
0xa6: {  	s26 =	simm.s32 $execute0_lowered;
	[smem:$0x3FD2] =	sst s25  }
0xa7: {  	s6 =	sshll.u32 s26, $0x1;
	_ =	strace $0x80000046;
	[dreg:$0x1] =	wrdreg $0xFFFFFFFF  }
0xa8: {  	s28 =	simm.s32 $_size_execute0_lowered;
	s4 =	sadd.s32 s4, s6;
	[dreg:$0x0] =	wrdreg $0x0  }
0xa9: {  	s6 =	sshll.u32 s28, $0x1;
	[dreg:$0x2] =	wrdreg s4  }
0xaa: {  	[dreg:$0x3] =	wrdreg s6  }
0xab: {  	[dreg:$0x4] =	wrdreg $0xC0  }
0xac: {  	_ =	task [dreg:s8], $0x5FFFF  }
0xad: {  	[dreg:$0x1] =	wrdreg $0xFFFFFFFF  }
0xae: {  	[dreg:$0x0] =	wrdreg $0x60  }
0xaf: {  	[dreg:$0x2] =	wrdreg s2  }
0xb0: {  	[dreg:$0x3] =	wrdreg s18  }
0xb1: {  	[dreg:$0x4] =	wrdreg s24  }
0xb2: {  	[dreg:$0x5] =	wrdreg $0x9  }
0xb3: {  	_ =	task.clear_ibuf [dreg:s8], $0x6FFFF;
	_ =	strace $0x90000046  }
0xb4: {  	s29 =	simm.s32 $0x9;
	_ =	strace $0x80000048  }
0xb5: {  	_ =	swait.ge [sflag:s29], $0x1  }
0xb6: {  	[sflag:s29] =	ssyncadd.s32 $0xFFFFFFFF  }
0xb7: {  	_ =	strace $0x90000048  }
0xb8: {  	_ =	sfence  }
0xb9: {  	s30 =	sld [smem:$0x0];
	_ =	sdelay $0x2  }
0xba: {  	s31 =	sshll.u32 s1, $0xD;
	s1 =	sshrl.u32 s1, $0x2  }
0xbb: {  	s3 =	sand.u32 $0x4000, s31;
	s1 =	sadd.s32 s1, s30  }
0xbc: {  	s0 =	sor.u32 s3, s0;
	s1 =	sshll.u32 s1, $0x11  }
0xbd: {  	s0 =	sor.u32 s1, s0  }
0xbe: {  	s0 =	sadd.s32 $0x8F2B, s0  }
0xbf: {  	[sflag:s0] =	ssyncadd.remote.s32 $0x1  }
0xc0: {  	_ =	sfence.sel $0xFFFF  }
0xc1: {  	[dreg:$0x0] =	wrdreg $0xFFFFFFFF;
	(pc) =	sbr.abs _section_cstart, $3  }
0xc2: {  	[dreg:$0x1] =	wrdreg $0xFFFFFFFF  }
0xc3: {  	_ =	task.clear_ibuf [dreg:s8], $0x2FFFF;
	_ =	strace $0x9FFFFFFF  }
0xc4: {  	(tm) =	ssettm $0x7FFFFFFF  }
0xc5: {  	_ =	shalt  }
tec
execute0_lowered:
.L_overlay_start_1:
0x0: {  	(tag) =	ssettag $0x1  }
0x1: {  	s1 =	rddreg [dreg:$0x0]  }
0x2: {  	s4 =	rddreg [dreg:$0x1]  }
0x3: {  	s5 =	rddreg [dreg:$0x2]  }
0x4: {  	s0 =	rddreg [dreg:$0x3]  }
0x5: {  	s6 =	srdreg.scid;
	s2 =	stileid.u32  }
0x6: {  	s3 =	simm.s32 $0x0;
	s10 =	simm.s32 $0x80;
	s11 =	simm.s32 $0x5400  }
0x7: {  	s12 =	simm.s32 $0x100;
	s13 =	simm.s32 $0x8800;
	s14 =	simm.s32 $0x180  }
0x8: {  	s15 =	simm.s32 $0xBC00;
	s16 =	simm.s32 $0x1;
	s17 =	simm.s32 $0x2  }
0x9: {  	s18 =	simm.s32 $0x3;
	s19 =	simm.s32 $0x4;
	s20 =	simm.s32 $0xF000  }
0xa: {  	s21 =	simm.s32 $0x0;
	s6 =	sand.u32 $0x1, s6;
	s7 =	sshll.u32 s2, $0x1  }
0xb: {  	[smem:$0x7FF] =	sst s3;
	s7 =	sor.u32 s6, s7;
	s6 =	ssub.s32 $0x2, s6  }
0xc: {  	_ =	strace $0x80000047;
	s8 =	sshll.u32 s7, $0xB;
	s9 =	sshrl.u32 s6, $0x1  }
0xd: {  	s7 =	sshll.u32 s7, $0xA;
	s5 =	sadd.s32 s8, s5;
	s6 =	ssub.s32 s6, s9  }
0xe: {  	s4 =	sadd.s32 s4, s7;
	s7 =	simm.s32 $0x5;
	s8 =	simm.s32 $0x64  }
0xf: {  	s9 =	simm.s32 $0x2000;
	s5 =	sadd.s32 $0xE00, s5;
	s6 =	smax.u32 s6, $0x1  }
.LBB2_1:
0x10: {  	[tilespmem:s3], [sflag:$0x5] =	stream.linear.gather [hbm4b:s4+s3], $0x2000, $0x38;
	[tilespmem:$0x13000] =	vst v63  }
0x11: {  	_ =	swait.ge [sflag:s7], $0x2000  }
0x12: {  	[sflag:s7] =	ssyncset.done $0x0  }
0x13: {  	[sflag:s7] =	ssyncadd.s32 $0xFFFFE000  }
0x14: {  	[tilespmem:s9], [sflag:$0x1] =	stream.indirect.gather [hbm4b:s1+s8], $0x80, s3, s8, $0xb8;
	[tilespmem:$0x13000] =	vst v63  }
0x15: {  	_ = 	snop  }
0x16: {  	[tilespmem:s11], [sflag:$0x2] =	stream.indirect.gather [hbm4b:s1+s8], $0x80, s10, s8, $0xb8;
	[tilespmem:$0x13000] =	vst v63  }
0x17: {  	_ = 	snop  }
0x18: {  	[tilespmem:s13], [sflag:$0x3] =	stream.indirect.gather [hbm4b:s1+s8], $0x80, s12, s8, $0xb8;
	[tilespmem:$0x13000] =	vst v63  }
0x19: {  	s22 =	simm.s32 $0x0  }
0x1a: {  	[tilespmem:s15], [sflag:$0x4] =	stream.indirect.gather [hbm4b:s1+s8], $0x80, s14, s8, $0xb8;
	[tilespmem:$0x13000] =	vst v63  }
.LBB2_2:
0x1b: {  	_ =	swait.ge [sflag:s16], $0x3200  }
0x1c: {  	[sflag:s16] =	ssyncset.done $0x0  }
0x1d: {  	s25 =	simm.s32 $0x0;
	[sflag:s16] =	ssyncadd.s32 $0xFFFFCE00  }
0x1e: {  	v0 =	vld [tilespmem:s25+$0x2070]  }
0x1f: {  	v1 =	vld [tilespmem:s25+$0x2000]  }
0x20: {  	v3 =	vld [tilespmem:s25+$0x2010]  }
0x21: {  	v12 =	vld [tilespmem:s25+$0x2020]  }
0x22: {  	v10 =	vld [tilespmem:s25+$0x2030]  }
0x23: {  	v2 =	vimm.f32 $0.0e+00;
	v6 =	vimm.f32 $0.0e+00;
	v5 =	vld [tilespmem:s25+$0x2040]  }
0x24: {  	v7 =	vimm.f32 $0.0e+00;
	v8 =	vld [tilespmem:s25+$0x2050];
	v0 =	vadd.f32 v0, v2;
	v9 =	vadd.f32 v1, v2  }
0x25: {  	s23 =	simm.s32 $0x80;
	s24 =	simm.s32 $0x400;
	v11 =	vld [tilespmem:s25+$0x2060];
	v4 =	vadd.f32 v3, v2;
	v3 =	vimm.f32 $0.0e+00;
	v1 =	vimm.f32 $0.0e+00  }
.LBB2_3:
0x26: {  	p0 =	sne.s32 s24, $0x6200;
	v13 =	vld [tilespmem:s23+$0x2070];
	v2 =	vadd.f32 v12, v2  }
0x27: {  	v14 =	vld [tilespmem:s23+$0x2000];
	v6 =	vadd.f32 v10, v6  }
0x28: {  	v15 =	vld [tilespmem:s23+$0x2010];
	v7 =	vadd.f32 v5, v7  }
.Ltmp0:
0x29: {  	v12 =	vld [tilespmem:s23+$0x2020];
	v3 =	vadd.f32 v8, v3;
	(pc) =	sbr.rel @p0 .LBB2_3-.Ltmp0, $4  }
0x2a: {  	v10 =	vld [tilespmem:s23+$0x2030];
	v1 =	vadd.f32 v11, v1  }
0x2b: {  	v5 =	vld [tilespmem:s23+$0x2040];
	v0 =	vadd.f32 v13, v0  }
0x2c: {  	v9 =	vadd.f32 v14, v9;
	v8 =	vld [tilespmem:s23+$0x2050]  }
0x2d: {  	v4 =	vadd.f32 v15, v4;
	v11 =	vld [tilespmem:s23+$0x2060];
	s23 =	sshra.s32 s24, $0x2;
	s24 =	sadd.s32 $0x200, s24  }
0x2e: {  	v13 =	vld [tilespmem:s23+$0x2070]  }
0x2f: {  	v14 =	vld [tilespmem:s23+$0x2000]  }
0x30: {  	v15 =	vld [tilespmem:s23+$0x2010]  }
0x31: {  	v16 =	vld [tilespmem:s23+$0x2020]  }
0x32: {  	v17 =	vld [tilespmem:s23+$0x2030]  }
0x33: {  	v18 =	vld [tilespmem:s23+$0x2040];
	v2 =	vadd.f32 v12, v2  }
0x34: {  	s24 =	sshll.u32 s22, $0xC;
	v6 =	vadd.f32 v10, v6;
	v10 =	vld [tilespmem:s23+$0x2060];
	v9 =	vadd.f32 v14, v9  }
0x35: {  	v12 =	vld [tilespmem:s23+$0x2050];
	s23 =	sshra.s32 s24, $0x2;
	v4 =	vadd.f32 v15, v4  }
0x36: {  	v2 =	vadd.f32 v16, v2;
	[tilespmem:s23+$0xF000] =	vst v9  }
0x37: {  	v1 =	vadd.f32 v11, v1;
	v6 =	vadd.f32 v17, v6;
	[tilespmem:s23+$0xF010] =	vst v4  }
0x38: {  	v5 =	vadd.f32 v5, v7;
	v0 =	vadd.f32 v13, v0;
	[tilespmem:s23+$0xF020] =	vst v2  }
0x39: {  	v3 =	vadd.f32 v8, v3;
	v1 =	vadd.f32 v10, v1;
	[tilespmem:s23+$0xF030] =	vst v6  }
0x3a: {  	v4 =	vadd.f32 v18, v5;
	[tilespmem:s23+$0xF070] =	vst v0  }
0x3b: {  	v2 =	vadd.f32 v12, v3;
	[tilespmem:s23+$0xF060] =	vst v1  }
0x3c: {  	[tilespmem:s23+$0xF040] =	vst v4  }
0x3d: {  	s26 =	simm.s32 $0x0;
	[tilespmem:s23+$0xF050] =	vst v2  }
0x3e: {  	v0 =	vld [tilespmem:s26+$0x3970]  }
0x3f: {  	v2 =	vld [tilespmem:s26+$0x3900]  }
0x40: {  	v3 =	vld [tilespmem:s26+$0x3910]  }
0x41: {  	v11 =	vld [tilespmem:s26+$0x3920]  }
0x42: {  	v10 =	vld [tilespmem:s26+$0x3930]  }
0x43: {  	v8 =	vimm.f32 $0.0e+00;
	v1 =	vimm.f32 $0.0e+00;
	v7 =	vld [tilespmem:s26+$0x3940]  }
0x44: {  	v6 =	vimm.f32 $0.0e+00;
	v4 =	vimm.f32 $0.0e+00;
	v9 =	vld [tilespmem:s26+$0x3950];
	v0 =	vadd.f32 v0, v1  }
0x45: {  	s25 =	simm.s32 $0x400;
	s24 =	simm.s32 $0x80;
	v12 =	vld [tilespmem:s26+$0x3960];
	v5 =	vadd.f32 v2, v1;
	v3 =	vadd.f32 v3, v1;
	v2 =	vimm.f32 $0.0e+00  }
.LBB2_5:
0x46: {  	p0 =	sne.s32 s25, $0x6200;
	v13 =	vld [tilespmem:s24+$0x3970];
	v1 =	vadd.f32 v11, v1  }
0x47: {  	v14 =	vld [tilespmem:s24+$0x3900];
	v6 =	vadd.f32 v10, v6  }
0x48: {  	v15 =	vld [tilespmem:s24+$0x3910];
	v8 =	vadd.f32 v7, v8  }
.Ltmp1:
0x49: {  	v11 =	vld [tilespmem:s24+$0x3920];
	v4 =	vadd.f32 v9, v4;
	(pc) =	sbr.rel @p0 .LBB2_5-.Ltmp1, $4  }
0x4a: {  	v10 =	vld [tilespmem:s24+$0x3930];
	v2 =	vadd.f32 v12, v2  }
0x4b: {  	v7 =	vld [tilespmem:s24+$0x3940];
	v0 =	vadd.f32 v13, v0  }
0x4c: {  	v5 =	vadd.f32 v14, v5;
	v9 =	vld [tilespmem:s24+$0x3950]  }
0x4d: {  	v3 =	vadd.f32 v15, v3;
	v12 =	vld [tilespmem:s24+$0x3960];
	s24 =	sshra.s32 s25, $0x2;
	s25 =	sadd.s32 $0x200, s25  }
0x4e: {  	v14 =	vld [tilespmem:s24+$0x3900]  }
0x4f: {  	v15 =	vld [tilespmem:s24+$0x3910]  }
0x50: {  	v16 =	vld [tilespmem:s24+$0x3920]  }
0x51: {  	v13 =	vld [tilespmem:s24+$0x3970]  }
0x52: {  	v6 =	vadd.f32 v10, v6;
	v10 =	vld [tilespmem:s24+$0x3960]  }
0x53: {  	v17 =	vld [tilespmem:s24+$0x3930];
	v1 =	vadd.f32 v11, v1;
	v5 =	vadd.f32 v14, v5  }
0x54: {  	v18 =	vld [tilespmem:s24+$0x3940];
	v3 =	vadd.f32 v15, v3  }
0x55: {  	v11 =	vld [tilespmem:s24+$0x3950];
	v2 =	vadd.f32 v12, v2;
	v1 =	vadd.f32 v16, v1;
	[tilespmem:s23+$0xF080] =	vst v5  }
0x56: {  	v0 =	vadd.f32 v13, v0;
	[tilespmem:s23+$0xF090] =	vst v3  }
0x57: {  	v7 =	vadd.f32 v7, v8;
	v2 =	vadd.f32 v10, v2;
	[tilespmem:s23+$0xF0A0] =	vst v1  }
0x58: {  	v4 =	vadd.f32 v9, v4;
	v5 =	vadd.f32 v17, v6;
	[tilespmem:s23+$0xF0F0] =	vst v0  }
0x59: {  	v3 =	vadd.f32 v18, v7;
	[tilespmem:s23+$0xF0E0] =	vst v2  }
0x5a: {  	s31 =	sshll.u32 s22, $0x9;
	v1 =	vadd.f32 v11, v4;
	[tilespmem:s23+$0xF0B0] =	vst v5  }
0x5b: {  	s24 =	sand.u32 $0x3FFFFE00, s31;
	[tilespmem:s23+$0xF0C0] =	vst v3  }
0x5c: {  	s25 =	sadd.s32 $0x200, s24;
	[tilespmem:s23+$0xF0D0] =	vst v1  }
0x5d: {  	[tilespmem:s9], [sflag:$0x1] =	stream.indirect.gather [hbm4b:s1+s8], $0x80, s25, s8, $0xb8;
	[tilespmem:$0x13000] =	vst v63  }
0x5e: {  	_ =	swait.ge [sflag:s17], $0x3200  }
0x5f: {  	[sflag:s17] =	ssyncset.done $0x0  }
0x60: {  	s28 =	simm.s32 $0x0;
	[sflag:s17] =	ssyncadd.s32 $0xFFFFCE00  }
0x61: {  	v0 =	vld [tilespmem:s28+$0x5470]  }
0x62: {  	v2 =	vld [tilespmem:s28+$0x5400]  }
0x63: {  	v3 =	vld [tilespmem:s28+$0x5410]  }
0x64: {  	v11 =	vld [tilespmem:s28+$0x5420]  }
0x65: {  	v10 =	vld [tilespmem:s28+$0x5430]  }
0x66: {  	v8 =	vimm.f32 $0.0e+00;
	v1 =	vimm.f32 $0.0e+00;
	v7 =	vld [tilespmem:s28+$0x5440]  }
0x67: {  	v6 =	vimm.f32 $0.0e+00;
	v4 =	vimm.f32 $0.0e+00;
	v9 =	vld [tilespmem:s28+$0x5450];
	v0 =	vadd.f32 v0, v1  }
0x68: {  	s26 =	simm.s32 $0x400;
	s25 =	simm.s32 $0x80;
	v12 =	vld [tilespmem:s28+$0x5460];
	v5 =	vadd.f32 v2, v1;
	v3 =	vadd.f32 v3, v1;
	v2 =	vimm.f32 $0.0e+00  }
.LBB2_7:
0x69: {  	p0 =	sne.s32 s26, $0x6200;
	v13 =	vld [tilespmem:s25+$0x5470];
	v1 =	vadd.f32 v11, v1  }
0x6a: {  	v14 =	vld [tilespmem:s25+$0x5400];
	v6 =	vadd.f32 v10, v6  }
0x6b: {  	v15 =	vld [tilespmem:s25+$0x5410];
	v8 =	vadd.f32 v7, v8  }
.Ltmp2:
0x6c: {  	v11 =	vld [tilespmem:s25+$0x5420];
	v4 =	vadd.f32 v9, v4;
	(pc) =	sbr.rel @p0 .LBB2_7-.Ltmp2, $4  }
0x6d: {  	v10 =	vld [tilespmem:s25+$0x5430];
	v2 =	vadd.f32 v12, v2  }
0x6e: {  	v7 =	vld [tilespmem:s25+$0x5440];
	v0 =	vadd.f32 v13, v0  }
0x6f: {  	v5 =	vadd.f32 v14, v5;
	v9 =	vld [tilespmem:s25+$0x5450]  }
0x70: {  	v3 =	vadd.f32 v15, v3;
	v12 =	vld [tilespmem:s25+$0x5460];
	s25 =	sshra.s32 s26, $0x2;
	s26 =	sadd.s32 $0x200, s26  }
0x71: {  	v14 =	vld [tilespmem:s25+$0x5400]  }
0x72: {  	v15 =	vld [tilespmem:s25+$0x5410]  }
0x73: {  	v16 =	vld [tilespmem:s25+$0x5420]  }
0x74: {  	v13 =	vld [tilespmem:s25+$0x5470]  }
0x75: {  	v6 =	vadd.f32 v10, v6;
	v10 =	vld [tilespmem:s25+$0x5460]  }
0x76: {  	v17 =	vld [tilespmem:s25+$0x5430];
	v1 =	vadd.f32 v11, v1;
	v5 =	vadd.f32 v14, v5  }
0x77: {  	v18 =	vld [tilespmem:s25+$0x5440];
	v3 =	vadd.f32 v15, v3  }
0x78: {  	v11 =	vld [tilespmem:s25+$0x5450];
	v2 =	vadd.f32 v12, v2;
	v1 =	vadd.f32 v16, v1;
	[tilespmem:s23+$0xF100] =	vst v5  }
0x79: {  	v0 =	vadd.f32 v13, v0;
	[tilespmem:s23+$0xF110] =	vst v3  }
0x7a: {  	v7 =	vadd.f32 v7, v8;
	v2 =	vadd.f32 v10, v2;
	[tilespmem:s23+$0xF120] =	vst v1  }
0x7b: {  	v4 =	vadd.f32 v9, v4;
	v5 =	vadd.f32 v17, v6;
	[tilespmem:s23+$0xF170] =	vst v0  }
0x7c: {  	v3 =	vadd.f32 v18, v7;
	[tilespmem:s23+$0xF160] =	vst v2  }
0x7d: {  	v1 =	vadd.f32 v11, v4;
	[tilespmem:s23+$0xF130] =	vst v5  }
0x7e: {  	[tilespmem:s23+$0xF140] =	vst v3  }
0x7f: {  	s28 =	simm.s32 $0x0;
	[tilespmem:s23+$0xF150] =	vst v1  }
0x80: {  	v0 =	vld [tilespmem:s28+$0x6D70]  }
0x81: {  	v2 =	vld [tilespmem:s28+$0x6D00]  }
0x82: {  	v3 =	vld [tilespmem:s28+$0x6D10]  }
0x83: {  	v11 =	vld [tilespmem:s28+$0x6D20]  }
0x84: {  	v10 =	vld [tilespmem:s28+$0x6D30]  }
0x85: {  	v8 =	vimm.f32 $0.0e+00;
	v1 =	vimm.f32 $0.0e+00;
	v7 =	vld [tilespmem:s28+$0x6D40]  }
0x86: {  	v6 =	vimm.f32 $0.0e+00;
	v4 =	vimm.f32 $0.0e+00;
	v9 =	vld [tilespmem:s28+$0x6D50];
	v0 =	vadd.f32 v0, v1  }
0x87: {  	s26 =	simm.s32 $0x400;
	s25 =	simm.s32 $0x80;
	v12 =	vld [tilespmem:s28+$0x6D60];
	v5 =	vadd.f32 v2, v1;
	v3 =	vadd.f32 v3, v1;
	v2 =	vimm.f32 $0.0e+00  }
.LBB2_9:
0x88: {  	p0 =	sne.s32 s26, $0x6200;
	v13 =	vld [tilespmem:s25+$0x6D70];
	v1 =	vadd.f32 v11, v1  }
0x89: {  	v14 =	vld [tilespmem:s25+$0x6D00];
	v6 =	vadd.f32 v10, v6  }
0x8a: {  	v15 =	vld [tilespmem:s25+$0x6D10];
	v8 =	vadd.f32 v7, v8  }
.Ltmp3:
0x8b: {  	v11 =	vld [tilespmem:s25+$0x6D20];
	v4 =	vadd.f32 v9, v4;
	(pc) =	sbr.rel @p0 .LBB2_9-.Ltmp3, $4  }
0x8c: {  	v10 =	vld [tilespmem:s25+$0x6D30];
	v2 =	vadd.f32 v12, v2  }
0x8d: {  	v7 =	vld [tilespmem:s25+$0x6D40];
	v0 =	vadd.f32 v13, v0  }
0x8e: {  	v5 =	vadd.f32 v14, v5;
	v9 =	vld [tilespmem:s25+$0x6D50]  }
0x8f: {  	v3 =	vadd.f32 v15, v3;
	v12 =	vld [tilespmem:s25+$0x6D60];
	s25 =	sshra.s32 s26, $0x2;
	s26 =	sadd.s32 $0x200, s26  }
0x90: {  	v14 =	vld [tilespmem:s25+$0x6D00]  }
0x91: {  	v15 =	vld [tilespmem:s25+$0x6D10]  }
0x92: {  	v16 =	vld [tilespmem:s25+$0x6D20]  }
0x93: {  	v13 =	vld [tilespmem:s25+$0x6D70]  }
0x94: {  	v6 =	vadd.f32 v10, v6;
	v10 =	vld [tilespmem:s25+$0x6D60]  }
0x95: {  	v17 =	vld [tilespmem:s25+$0x6D30];
	v1 =	vadd.f32 v11, v1;
	v5 =	vadd.f32 v14, v5  }
0x96: {  	v18 =	vld [tilespmem:s25+$0x6D40];
	v3 =	vadd.f32 v15, v3  }
0x97: {  	v11 =	vld [tilespmem:s25+$0x6D50];
	v2 =	vadd.f32 v12, v2;
	v1 =	vadd.f32 v16, v1;
	[tilespmem:s23+$0xF180] =	vst v5  }
0x98: {  	v0 =	vadd.f32 v13, v0;
	[tilespmem:s23+$0xF190] =	vst v3  }
0x99: {  	v7 =	vadd.f32 v7, v8;
	v2 =	vadd.f32 v10, v2;
	[tilespmem:s23+$0xF1A0] =	vst v1  }
0x9a: {  	v4 =	vadd.f32 v9, v4;
	v5 =	vadd.f32 v17, v6;
	[tilespmem:s23+$0xF1F0] =	vst v0  }
0x9b: {  	v3 =	vadd.f32 v18, v7;
	[tilespmem:s23+$0xF1E0] =	vst v2  }
0x9c: {  	v1 =	vadd.f32 v11, v4;
	[tilespmem:s23+$0xF1B0] =	vst v5  }
0x9d: {  	[tilespmem:s23+$0xF1C0] =	vst v3  }
0x9e: {  	s31 =	sadd.s32 $0x280, s24;
	[tilespmem:s23+$0xF1D0] =	vst v1  }
0x9f: {  	[tilespmem:s11], [sflag:$0x2] =	stream.indirect.gather [hbm4b:s1+s8], $0x80, s31, s8, $0xb8;
	[tilespmem:$0x13000] =	vst v63  }
0xa0: {  	_ =	swait.ge [sflag:s18], $0x3200  }
0xa1: {  	[sflag:s18] =	ssyncset.done $0x0  }
0xa2: {  	s28 =	simm.s32 $0x0;
	[sflag:s18] =	ssyncadd.s32 $0xFFFFCE00  }
0xa3: {  	v0 =	vld [tilespmem:s28+$0x8870]  }
0xa4: {  	v2 =	vld [tilespmem:s28+$0x8800]  }
0xa5: {  	v3 =	vld [tilespmem:s28+$0x8810]  }
0xa6: {  	v11 =	vld [tilespmem:s28+$0x8820]  }
0xa7: {  	v10 =	vld [tilespmem:s28+$0x8830]  }
0xa8: {  	v8 =	vimm.f32 $0.0e+00;
	v1 =	vimm.f32 $0.0e+00;
	v7 =	vld [tilespmem:s28+$0x8840]  }
0xa9: {  	v6 =	vimm.f32 $0.0e+00;
	v4 =	vimm.f32 $0.0e+00;
	v9 =	vld [tilespmem:s28+$0x8850];
	v0 =	vadd.f32 v0, v1  }
0xaa: {  	s26 =	simm.s32 $0x400;
	s25 =	simm.s32 $0x80;
	v12 =	vld [tilespmem:s28+$0x8860];
	v5 =	vadd.f32 v2, v1;
	v3 =	vadd.f32 v3, v1;
	v2 =	vimm.f32 $0.0e+00  }
.LBB2_11:
0xab: {  	p0 =	sne.s32 s26, $0x6200;
	v13 =	vld [tilespmem:s25+$0x8870];
	v1 =	vadd.f32 v11, v1  }
0xac: {  	v14 =	vld [tilespmem:s25+$0x8800];
	v6 =	vadd.f32 v10, v6  }
0xad: {  	v15 =	vld [tilespmem:s25+$0x8810];
	v8 =	vadd.f32 v7, v8  }
.Ltmp4:
0xae: {  	v11 =	vld [tilespmem:s25+$0x8820];
	v4 =	vadd.f32 v9, v4;
	(pc) =	sbr.rel @p0 .LBB2_11-.Ltmp4, $4  }
0xaf: {  	v10 =	vld [tilespmem:s25+$0x8830];
	v2 =	vadd.f32 v12, v2  }
0xb0: {  	v7 =	vld [tilespmem:s25+$0x8840];
	v0 =	vadd.f32 v13, v0  }
0xb1: {  	v5 =	vadd.f32 v14, v5;
	v9 =	vld [tilespmem:s25+$0x8850]  }
0xb2: {  	v3 =	vadd.f32 v15, v3;
	v12 =	vld [tilespmem:s25+$0x8860];
	s25 =	sshra.s32 s26, $0x2;
	s26 =	sadd.s32 $0x200, s26  }
0xb3: {  	v14 =	vld [tilespmem:s25+$0x8800]  }
0xb4: {  	v15 =	vld [tilespmem:s25+$0x8810]  }
0xb5: {  	v16 =	vld [tilespmem:s25+$0x8820]  }
0xb6: {  	v13 =	vld [tilespmem:s25+$0x8870]  }
0xb7: {  	v6 =	vadd.f32 v10, v6;
	v10 =	vld [tilespmem:s25+$0x8860]  }
0xb8: {  	v17 =	vld [tilespmem:s25+$0x8830];
	v1 =	vadd.f32 v11, v1;
	v5 =	vadd.f32 v14, v5  }
0xb9: {  	v18 =	vld [tilespmem:s25+$0x8840];
	v3 =	vadd.f32 v15, v3  }
0xba: {  	v11 =	vld [tilespmem:s25+$0x8850];
	v2 =	vadd.f32 v12, v2;
	v1 =	vadd.f32 v16, v1;
	[tilespmem:s23+$0xF200] =	vst v5  }
0xbb: {  	v0 =	vadd.f32 v13, v0;
	[tilespmem:s23+$0xF210] =	vst v3  }
0xbc: {  	v7 =	vadd.f32 v7, v8;
	v2 =	vadd.f32 v10, v2;
	[tilespmem:s23+$0xF220] =	vst v1  }
0xbd: {  	v4 =	vadd.f32 v9, v4;
	v5 =	vadd.f32 v17, v6;
	[tilespmem:s23+$0xF270] =	vst v0  }
0xbe: {  	v3 =	vadd.f32 v18, v7;
	[tilespmem:s23+$0xF260] =	vst v2  }
0xbf: {  	v1 =	vadd.f32 v11, v4;
	[tilespmem:s23+$0xF230] =	vst v5  }
0xc0: {  	[tilespmem:s23+$0xF240] =	vst v3  }
0xc1: {  	s28 =	simm.s32 $0x0;
	[tilespmem:s23+$0xF250] =	vst v1  }
0xc2: {  	v0 =	vld [tilespmem:s28+$0xA170]  }
0xc3: {  	v2 =	vld [tilespmem:s28+$0xA100]  }
0xc4: {  	v3 =	vld [tilespmem:s28+$0xA110]  }
0xc5: {  	v11 =	vld [tilespmem:s28+$0xA120]  }
0xc6: {  	v10 =	vld [tilespmem:s28+$0xA130]  }
0xc7: {  	v8 =	vimm.f32 $0.0e+00;
	v1 =	vimm.f32 $0.0e+00;
	v7 =	vld [tilespmem:s28+$0xA140]  }
0xc8: {  	v6 =	vimm.f32 $0.0e+00;
	v4 =	vimm.f32 $0.0e+00;
	v9 =	vld [tilespmem:s28+$0xA150];
	v0 =	vadd.f32 v0, v1  }
0xc9: {  	s26 =	simm.s32 $0x400;
	s25 =	simm.s32 $0x80;
	v12 =	vld [tilespmem:s28+$0xA160];
	v5 =	vadd.f32 v2, v1;
	v3 =	vadd.f32 v3, v1;
	v2 =	vimm.f32 $0.0e+00  }
.LBB2_13:
0xca: {  	p0 =	sne.s32 s26, $0x6200;
	v13 =	vld [tilespmem:s25+$0xA170];
	v1 =	vadd.f32 v11, v1  }
0xcb: {  	v14 =	vld [tilespmem:s25+$0xA100];
	v6 =	vadd.f32 v10, v6  }
0xcc: {  	v15 =	vld [tilespmem:s25+$0xA110];
	v8 =	vadd.f32 v7, v8  }
.Ltmp5:
0xcd: {  	v11 =	vld [tilespmem:s25+$0xA120];
	v4 =	vadd.f32 v9, v4;
	(pc) =	sbr.rel @p0 .LBB2_13-.Ltmp5, $4  }
0xce: {  	v10 =	vld [tilespmem:s25+$0xA130];
	v2 =	vadd.f32 v12, v2  }
0xcf: {  	v7 =	vld [tilespmem:s25+$0xA140];
	v0 =	vadd.f32 v13, v0  }
0xd0: {  	v5 =	vadd.f32 v14, v5;
	v9 =	vld [tilespmem:s25+$0xA150]  }
0xd1: {  	v3 =	vadd.f32 v15, v3;
	v12 =	vld [tilespmem:s25+$0xA160];
	s25 =	sshra.s32 s26, $0x2;
	s26 =	sadd.s32 $0x200, s26  }
0xd2: {  	v14 =	vld [tilespmem:s25+$0xA100]  }
0xd3: {  	v15 =	vld [tilespmem:s25+$0xA110]  }
0xd4: {  	v16 =	vld [tilespmem:s25+$0xA120]  }
0xd5: {  	v13 =	vld [tilespmem:s25+$0xA170]  }
0xd6: {  	v6 =	vadd.f32 v10, v6;
	v10 =	vld [tilespmem:s25+$0xA160]  }
0xd7: {  	v17 =	vld [tilespmem:s25+$0xA130];
	v1 =	vadd.f32 v11, v1;
	v5 =	vadd.f32 v14, v5  }
0xd8: {  	v18 =	vld [tilespmem:s25+$0xA140];
	v3 =	vadd.f32 v15, v3  }
0xd9: {  	v11 =	vld [tilespmem:s25+$0xA150];
	v2 =	vadd.f32 v12, v2;
	v1 =	vadd.f32 v16, v1;
	[tilespmem:s23+$0xF280] =	vst v5  }
0xda: {  	v0 =	vadd.f32 v13, v0;
	[tilespmem:s23+$0xF290] =	vst v3  }
0xdb: {  	v7 =	vadd.f32 v7, v8;
	v2 =	vadd.f32 v10, v2;
	[tilespmem:s23+$0xF2A0] =	vst v1  }
0xdc: {  	v4 =	vadd.f32 v9, v4;
	v5 =	vadd.f32 v17, v6;
	[tilespmem:s23+$0xF2F0] =	vst v0  }
0xdd: {  	v3 =	vadd.f32 v18, v7;
	[tilespmem:s23+$0xF2E0] =	vst v2  }
0xde: {  	v1 =	vadd.f32 v11, v4;
	[tilespmem:s23+$0xF2B0] =	vst v5  }
0xdf: {  	[tilespmem:s23+$0xF2C0] =	vst v3  }
0xe0: {  	s31 =	sadd.s32 $0x300, s24;
	[tilespmem:s23+$0xF2D0] =	vst v1  }
0xe1: {  	[tilespmem:s13], [sflag:$0x3] =	stream.indirect.gather [hbm4b:s1+s8], $0x80, s31, s8, $0xb8;
	[tilespmem:$0x13000] =	vst v63  }
0xe2: {  	_ =	swait.ge [sflag:s19], $0x3200  }
0xe3: {  	[sflag:s19] =	ssyncset.done $0x0  }
0xe4: {  	s28 =	simm.s32 $0x0;
	[sflag:s19] =	ssyncadd.s32 $0xFFFFCE00  }
0xe5: {  	v0 =	vld [tilespmem:s28+$0xBC70]  }
0xe6: {  	v2 =	vld [tilespmem:s28+$0xBC00]  }
0xe7: {  	v3 =	vld [tilespmem:s28+$0xBC10]  }
0xe8: {  	v11 =	vld [tilespmem:s28+$0xBC20]  }
0xe9: {  	v10 =	vld [tilespmem:s28+$0xBC30]  }
0xea: {  	v8 =	vimm.f32 $0.0e+00;
	v1 =	vimm.f32 $0.0e+00;
	v7 =	vld [tilespmem:s28+$0xBC40]  }
0xeb: {  	v6 =	vimm.f32 $0.0e+00;
	v4 =	vimm.f32 $0.0e+00;
	v9 =	vld [tilespmem:s28+$0xBC50];
	v0 =	vadd.f32 v0, v1  }
0xec: {  	s26 =	simm.s32 $0x400;
	s25 =	simm.s32 $0x80;
	v12 =	vld [tilespmem:s28+$0xBC60];
	v5 =	vadd.f32 v2, v1;
	v3 =	vadd.f32 v3, v1;
	v2 =	vimm.f32 $0.0e+00  }
.LBB2_15:
0xed: {  	p0 =	sne.s32 s26, $0x6200;
	v13 =	vld [tilespmem:s25+$0xBC70];
	v1 =	vadd.f32 v11, v1  }
0xee: {  	v14 =	vld [tilespmem:s25+$0xBC00];
	v6 =	vadd.f32 v10, v6  }
0xef: {  	v15 =	vld [tilespmem:s25+$0xBC10];
	v8 =	vadd.f32 v7, v8  }
.Ltmp6:
0xf0: {  	v11 =	vld [tilespmem:s25+$0xBC20];
	v4 =	vadd.f32 v9, v4;
	(pc) =	sbr.rel @p0 .LBB2_15-.Ltmp6, $4  }
0xf1: {  	v10 =	vld [tilespmem:s25+$0xBC30];
	v2 =	vadd.f32 v12, v2  }
0xf2: {  	v7 =	vld [tilespmem:s25+$0xBC40];
	v0 =	vadd.f32 v13, v0  }
0xf3: {  	v5 =	vadd.f32 v14, v5;
	v9 =	vld [tilespmem:s25+$0xBC50]  }
0xf4: {  	v3 =	vadd.f32 v15, v3;
	v12 =	vld [tilespmem:s25+$0xBC60];
	s25 =	sshra.s32 s26, $0x2;
	s26 =	sadd.s32 $0x200, s26  }
0xf5: {  	v14 =	vld [tilespmem:s25+$0xBC00]  }
0xf6: {  	v15 =	vld [tilespmem:s25+$0xBC10]  }
0xf7: {  	v16 =	vld [tilespmem:s25+$0xBC20]  }
0xf8: {  	v13 =	vld [tilespmem:s25+$0xBC70]  }
0xf9: {  	v6 =	vadd.f32 v10, v6;
	v10 =	vld [tilespmem:s25+$0xBC60]  }
0xfa: {  	v17 =	vld [tilespmem:s25+$0xBC30];
	v1 =	vadd.f32 v11, v1;
	v5 =	vadd.f32 v14, v5  }
0xfb: {  	v18 =	vld [tilespmem:s25+$0xBC40];
	v3 =	vadd.f32 v15, v3  }
0xfc: {  	v11 =	vld [tilespmem:s25+$0xBC50];
	v2 =	vadd.f32 v12, v2;
	v1 =	vadd.f32 v16, v1;
	[tilespmem:s23+$0xF300] =	vst v5  }
0xfd: {  	v0 =	vadd.f32 v13, v0;
	[tilespmem:s23+$0xF310] =	vst v3  }
0xfe: {  	v7 =	vadd.f32 v7, v8;
	v2 =	vadd.f32 v10, v2;
	[tilespmem:s23+$0xF320] =	vst v1  }
0xff: {  	v4 =	vadd.f32 v9, v4;
	v5 =	vadd.f32 v17, v6;
	[tilespmem:s23+$0xF370] =	vst v0  }
0x100: {  	v3 =	vadd.f32 v18, v7;
	[tilespmem:s23+$0xF360] =	vst v2  }
0x101: {  	v1 =	vadd.f32 v11, v4;
	[tilespmem:s23+$0xF330] =	vst v5  }
0x102: {  	[tilespmem:s23+$0xF340] =	vst v3  }
0x103: {  	s28 =	simm.s32 $0x0;
	[tilespmem:s23+$0xF350] =	vst v1  }
0x104: {  	v0 =	vld [tilespmem:s28+$0xD570]  }
0x105: {  	v2 =	vld [tilespmem:s28+$0xD500]  }
0x106: {  	v3 =	vld [tilespmem:s28+$0xD510]  }
0x107: {  	v11 =	vld [tilespmem:s28+$0xD520]  }
0x108: {  	v10 =	vld [tilespmem:s28+$0xD530]  }
0x109: {  	v8 =	vimm.f32 $0.0e+00;
	v1 =	vimm.f32 $0.0e+00;
	v7 =	vld [tilespmem:s28+$0xD540]  }
0x10a: {  	v6 =	vimm.f32 $0.0e+00;
	v4 =	vimm.f32 $0.0e+00;
	v9 =	vld [tilespmem:s28+$0xD550];
	v0 =	vadd.f32 v0, v1  }
0x10b: {  	s26 =	simm.s32 $0x400;
	s25 =	simm.s32 $0x80;
	v12 =	vld [tilespmem:s28+$0xD560];
	v5 =	vadd.f32 v2, v1;
	v3 =	vadd.f32 v3, v1;
	v2 =	vimm.f32 $0.0e+00  }
.LBB2_17:
0x10c: {  	p0 =	sne.s32 s26, $0x6200;
	v13 =	vld [tilespmem:s25+$0xD570];
	v1 =	vadd.f32 v11, v1  }
0x10d: {  	v14 =	vld [tilespmem:s25+$0xD500];
	v6 =	vadd.f32 v10, v6  }
0x10e: {  	v15 =	vld [tilespmem:s25+$0xD510];
	v8 =	vadd.f32 v7, v8  }
.Ltmp7:
0x10f: {  	v11 =	vld [tilespmem:s25+$0xD520];
	v4 =	vadd.f32 v9, v4;
	(pc) =	sbr.rel @p0 .LBB2_17-.Ltmp7, $4  }
0x110: {  	v10 =	vld [tilespmem:s25+$0xD530];
	v2 =	vadd.f32 v12, v2  }
0x111: {  	v7 =	vld [tilespmem:s25+$0xD540];
	v0 =	vadd.f32 v13, v0  }
0x112: {  	v5 =	vadd.f32 v14, v5;
	v9 =	vld [tilespmem:s25+$0xD550]  }
0x113: {  	v3 =	vadd.f32 v15, v3;
	v12 =	vld [tilespmem:s25+$0xD560];
	s25 =	sshra.s32 s26, $0x2;
	s26 =	sadd.s32 $0x200, s26  }
0x114: {  	v14 =	vld [tilespmem:s25+$0xD500]  }
0x115: {  	v15 =	vld [tilespmem:s25+$0xD510]  }
0x116: {  	v16 =	vld [tilespmem:s25+$0xD520]  }
0x117: {  	v17 =	vld [tilespmem:s25+$0xD530]  }
0x118: {  	v18 =	vld [tilespmem:s25+$0xD540]  }
0x119: {  	v1 =	vadd.f32 v11, v1;
	v59 =	vld [tilespmem:s25+$0xD550];
	v5 =	vadd.f32 v14, v5  }
0x11a: {  	v13 =	vld [tilespmem:s25+$0xD570];
	v6 =	vadd.f32 v10, v6;
	v3 =	vadd.f32 v15, v3  }
0x11b: {  	v60 =	vld [tilespmem:s25+$0xD560];
	v7 =	vadd.f32 v7, v8;
	v1 =	vadd.f32 v16, v1;
	[tilespmem:s23+$0xF380] =	vst v5  }
0x11c: {  	v4 =	vadd.f32 v9, v4;
	v61 =	vadd.f32 v17, v6;
	[tilespmem:s23+$0xF390] =	vst v3  }
0x11d: {  	s22 =	sadd.s32 $0x1, s22;
	v62 =	vadd.f32 v18, v7;
	[tilespmem:s23+$0xF3A0] =	vst v1  }
0x11e: {  	p0 =	sne.s32 s22, $0xF;
	v2 =	vadd.f32 v12, v2;
	v63 =	vadd.f32 v59, v4;
	[tilespmem:s23+$0xF3B0] =	vst v61  }
.Ltmp8:
0x11f: {  	v0 =	vadd.f32 v13, v0;
	[tilespmem:s23+$0xF3C0] =	vst v62;
	(pc) =	sbr.rel @p0 .LBB2_2-.Ltmp8, $4  }
0x120: {  	v2 =	vadd.f32 v60, v2;
	[tilespmem:s23+$0xF3D0] =	vst v63  }
0x121: {  	[tilespmem:s23+$0xF3F0] =	vst v0  }
0x122: {  	s31 =	sadd.s32 $0x380, s24;
	[tilespmem:s23+$0xF3E0] =	vst v2  }
0x123: {  	[tilespmem:s15], [sflag:$0x4] =	stream.indirect.gather [hbm4b:s1+s8], $0x80, s31, s8, $0xb8;
	[tilespmem:$0x13000] =	vst v63  }
0x124: {  	_ =	swait.ge [sflag:s16], $0x3200  }
0x125: {  	[sflag:s16] =	ssyncset.done $0x0  }
0x126: {  	s24 =	simm.s32 $0x0;
	[sflag:s16] =	ssyncadd.s32 $0xFFFFCE00  }
0x127: {  	v0 =	vld [tilespmem:s24+$0x2070]  }
0x128: {  	v2 =	vld [tilespmem:s24+$0x2000]  }
0x129: {  	v3 =	vld [tilespmem:s24+$0x2010]  }
0x12a: {  	v11 =	vld [tilespmem:s24+$0x2020]  }
0x12b: {  	v10 =	vld [tilespmem:s24+$0x2030]  }
0x12c: {  	v1 =	vimm.f32 $0.0e+00;
	v6 =	vimm.f32 $0.0e+00;
	v7 =	vld [tilespmem:s24+$0x2040]  }
0x12d: {  	v8 =	vimm.f32 $0.0e+00;
	v4 =	vimm.f32 $0.0e+00;
	v9 =	vld [tilespmem:s24+$0x2050];
	v0 =	vadd.f32 v0, v1  }
0x12e: {  	s22 =	simm.s32 $0x80;
	s23 =	simm.s32 $0x400;
	v12 =	vld [tilespmem:s24+$0x2060];
	v5 =	vadd.f32 v2, v1;
	v3 =	vadd.f32 v3, v1;
	v2 =	vimm.f32 $0.0e+00  }
.LBB2_20:
0x12f: {  	p0 =	sne.s32 s23, $0x6200;
	v13 =	vld [tilespmem:s22+$0x2070];
	v1 =	vadd.f32 v11, v1  }
0x130: {  	v14 =	vld [tilespmem:s22+$0x2000];
	v6 =	vadd.f32 v10, v6  }
0x131: {  	v15 =	vld [tilespmem:s22+$0x2010];
	v8 =	vadd.f32 v7, v8  }
.Ltmp9:
0x132: {  	v11 =	vld [tilespmem:s22+$0x2020];
	v4 =	vadd.f32 v9, v4;
	(pc) =	sbr.rel @p0 .LBB2_20-.Ltmp9, $4  }
0x133: {  	v10 =	vld [tilespmem:s22+$0x2030];
	v2 =	vadd.f32 v12, v2  }
0x134: {  	v7 =	vld [tilespmem:s22+$0x2040];
	v0 =	vadd.f32 v13, v0  }
0x135: {  	v5 =	vadd.f32 v14, v5;
	v9 =	vld [tilespmem:s22+$0x2050]  }
0x136: {  	v3 =	vadd.f32 v15, v3;
	v12 =	vld [tilespmem:s22+$0x2060];
	s22 =	sshra.s32 s23, $0x2;
	s23 =	sadd.s32 $0x200, s23  }
0x137: {  	v14 =	vld [tilespmem:s22+$0x2000]  }
0x138: {  	v15 =	vld [tilespmem:s22+$0x2010]  }
0x139: {  	v16 =	vld [tilespmem:s22+$0x2020]  }
0x13a: {  	v13 =	vld [tilespmem:s22+$0x2070]  }
0x13b: {  	v6 =	vadd.f32 v10, v6;
	v10 =	vld [tilespmem:s22+$0x2060]  }
0x13c: {  	v17 =	vld [tilespmem:s22+$0x2030];
	v1 =	vadd.f32 v11, v1;
	v5 =	vadd.f32 v14, v5  }
0x13d: {  	v18 =	vld [tilespmem:s22+$0x2040];
	v3 =	vadd.f32 v15, v3  }
0x13e: {  	v11 =	vld [tilespmem:s22+$0x2050];
	v2 =	vadd.f32 v12, v2;
	v1 =	vadd.f32 v16, v1;
	[tilespmem:$0x12C00] =	vst v5  }
0x13f: {  	v0 =	vadd.f32 v13, v0;
	[tilespmem:$0x12C10] =	vst v3  }
0x140: {  	v7 =	vadd.f32 v7, v8;
	v2 =	vadd.f32 v10, v2;
	[tilespmem:$0x12C20] =	vst v1  }
0x141: {  	v4 =	vadd.f32 v9, v4;
	v5 =	vadd.f32 v17, v6;
	[tilespmem:$0x12C70] =	vst v0  }
0x142: {  	v3 =	vadd.f32 v18, v7;
	[tilespmem:$0x12C60] =	vst v2  }
0x143: {  	v1 =	vadd.f32 v11, v4;
	[tilespmem:$0x12C30] =	vst v5  }
0x144: {  	[tilespmem:$0x12C40] =	vst v3  }
0x145: {  	s24 =	simm.s32 $0x0;
	[tilespmem:$0x12C50] =	vst v1  }
0x146: {  	v0 =	vld [tilespmem:s24+$0x3970]  }
0x147: {  	v2 =	vld [tilespmem:s24+$0x3900]  }
0x148: {  	v3 =	vld [tilespmem:s24+$0x3910]  }
0x149: {  	v11 =	vld [tilespmem:s24+$0x3920]  }
0x14a: {  	v10 =	vld [tilespmem:s24+$0x3930]  }
0x14b: {  	v8 =	vimm.f32 $0.0e+00;
	v1 =	vimm.f32 $0.0e+00;
	v7 =	vld [tilespmem:s24+$0x3940]  }
0x14c: {  	v6 =	vimm.f32 $0.0e+00;
	v4 =	vimm.f32 $0.0e+00;
	v9 =	vld [tilespmem:s24+$0x3950];
	v0 =	vadd.f32 v0, v1  }
0x14d: {  	s23 =	simm.s32 $0x400;
	s22 =	simm.s32 $0x80;
	v12 =	vld [tilespmem:s24+$0x3960];
	v5 =	vadd.f32 v2, v1;
	v3 =	vadd.f32 v3, v1;
	v2 =	vimm.f32 $0.0e+00  }
.LBB2_22:
0x14e: {  	p0 =	sne.s32 s23, $0x6200;
	v13 =	vld [tilespmem:s22+$0x3970];
	v1 =	vadd.f32 v11, v1  }
0x14f: {  	v14 =	vld [tilespmem:s22+$0x3900];
	v6 =	vadd.f32 v10, v6  }
0x150: {  	v15 =	vld [tilespmem:s22+$0x3910];
	v8 =	vadd.f32 v7, v8  }
.Ltmp10:
0x151: {  	v11 =	vld [tilespmem:s22+$0x3920];
	v4 =	vadd.f32 v9, v4;
	(pc) =	sbr.rel @p0 .LBB2_22-.Ltmp10, $4  }
0x152: {  	v10 =	vld [tilespmem:s22+$0x3930];
	v2 =	vadd.f32 v12, v2  }
0x153: {  	v7 =	vld [tilespmem:s22+$0x3940];
	v0 =	vadd.f32 v13, v0  }
0x154: {  	v5 =	vadd.f32 v14, v5;
	v9 =	vld [tilespmem:s22+$0x3950]  }
0x155: {  	v3 =	vadd.f32 v15, v3;
	v12 =	vld [tilespmem:s22+$0x3960];
	s22 =	sshra.s32 s23, $0x2;
	s23 =	sadd.s32 $0x200, s23  }
0x156: {  	v14 =	vld [tilespmem:s22+$0x3900]  }
0x157: {  	v15 =	vld [tilespmem:s22+$0x3910]  }
0x158: {  	v16 =	vld [tilespmem:s22+$0x3920]  }
0x159: {  	v13 =	vld [tilespmem:s22+$0x3970]  }
0x15a: {  	v6 =	vadd.f32 v10, v6;
	v10 =	vld [tilespmem:s22+$0x3960]  }
0x15b: {  	v17 =	vld [tilespmem:s22+$0x3930];
	v1 =	vadd.f32 v11, v1;
	v5 =	vadd.f32 v14, v5  }
0x15c: {  	v18 =	vld [tilespmem:s22+$0x3940];
	v3 =	vadd.f32 v15, v3  }
0x15d: {  	v11 =	vld [tilespmem:s22+$0x3950];
	v2 =	vadd.f32 v12, v2;
	v1 =	vadd.f32 v16, v1;
	[tilespmem:$0x12C80] =	vst v5  }
0x15e: {  	v0 =	vadd.f32 v13, v0;
	[tilespmem:$0x12C90] =	vst v3  }
0x15f: {  	v7 =	vadd.f32 v7, v8;
	v2 =	vadd.f32 v10, v2;
	[tilespmem:$0x12CA0] =	vst v1  }
0x160: {  	v4 =	vadd.f32 v9, v4;
	v5 =	vadd.f32 v17, v6;
	[tilespmem:$0x12CF0] =	vst v0  }
0x161: {  	v3 =	vadd.f32 v18, v7;
	[tilespmem:$0x12CE0] =	vst v2  }
0x162: {  	v1 =	vadd.f32 v11, v4;
	[tilespmem:$0x12CB0] =	vst v5  }
0x163: {  	[tilespmem:$0x12CC0] =	vst v3  }
0x164: {  	[tilespmem:$0x12CD0] =	vst v1  }
0x165: {  	_ =	swait.ge [sflag:s17], $0x3200  }
0x166: {  	[sflag:s17] =	ssyncset.done $0x0  }
0x167: {  	s24 =	simm.s32 $0x0;
	[sflag:s17] =	ssyncadd.s32 $0xFFFFCE00  }
0x168: {  	v0 =	vld [tilespmem:s24+$0x5470]  }
0x169: {  	v2 =	vld [tilespmem:s24+$0x5400]  }
0x16a: {  	v3 =	vld [tilespmem:s24+$0x5410]  }
0x16b: {  	v11 =	vld [tilespmem:s24+$0x5420]  }
0x16c: {  	v10 =	vld [tilespmem:s24+$0x5430]  }
0x16d: {  	v8 =	vimm.f32 $0.0e+00;
	v1 =	vimm.f32 $0.0e+00;
	v7 =	vld [tilespmem:s24+$0x5440]  }
0x16e: {  	v6 =	vimm.f32 $0.0e+00;
	v4 =	vimm.f32 $0.0e+00;
	v9 =	vld [tilespmem:s24+$0x5450];
	v0 =	vadd.f32 v0, v1  }
0x16f: {  	s23 =	simm.s32 $0x400;
	s22 =	simm.s32 $0x80;
	v12 =	vld [tilespmem:s24+$0x5460];
	v5 =	vadd.f32 v2, v1;
	v3 =	vadd.f32 v3, v1;
	v2 =	vimm.f32 $0.0e+00  }
.LBB2_24:
0x170: {  	p0 =	sne.s32 s23, $0x6200;
	v13 =	vld [tilespmem:s22+$0x5470];
	v1 =	vadd.f32 v11, v1  }
0x171: {  	v14 =	vld [tilespmem:s22+$0x5400];
	v6 =	vadd.f32 v10, v6  }
0x172: {  	v15 =	vld [tilespmem:s22+$0x5410];
	v8 =	vadd.f32 v7, v8  }
.Ltmp11:
0x173: {  	v11 =	vld [tilespmem:s22+$0x5420];
	v4 =	vadd.f32 v9, v4;
	(pc) =	sbr.rel @p0 .LBB2_24-.Ltmp11, $4  }
0x174: {  	v10 =	vld [tilespmem:s22+$0x5430];
	v2 =	vadd.f32 v12, v2  }
0x175: {  	v7 =	vld [tilespmem:s22+$0x5440];
	v0 =	vadd.f32 v13, v0  }
0x176: {  	v5 =	vadd.f32 v14, v5;
	v9 =	vld [tilespmem:s22+$0x5450]  }
0x177: {  	v3 =	vadd.f32 v15, v3;
	v12 =	vld [tilespmem:s22+$0x5460];
	s22 =	sshra.s32 s23, $0x2;
	s23 =	sadd.s32 $0x200, s23  }
0x178: {  	v14 =	vld [tilespmem:s22+$0x5400]  }
0x179: {  	v15 =	vld [tilespmem:s22+$0x5410]  }
0x17a: {  	v16 =	vld [tilespmem:s22+$0x5420]  }
0x17b: {  	v13 =	vld [tilespmem:s22+$0x5470]  }
0x17c: {  	v6 =	vadd.f32 v10, v6;
	v10 =	vld [tilespmem:s22+$0x5460]  }
0x17d: {  	v17 =	vld [tilespmem:s22+$0x5430];
	v1 =	vadd.f32 v11, v1;
	v5 =	vadd.f32 v14, v5  }
0x17e: {  	v18 =	vld [tilespmem:s22+$0x5440];
	v3 =	vadd.f32 v15, v3  }
0x17f: {  	v11 =	vld [tilespmem:s22+$0x5450];
	v2 =	vadd.f32 v12, v2;
	v1 =	vadd.f32 v16, v1;
	[tilespmem:$0x12D00] =	vst v5  }
0x180: {  	v0 =	vadd.f32 v13, v0;
	[tilespmem:$0x12D10] =	vst v3  }
0x181: {  	v7 =	vadd.f32 v7, v8;
	v2 =	vadd.f32 v10, v2;
	[tilespmem:$0x12D20] =	vst v1  }
0x182: {  	v4 =	vadd.f32 v9, v4;
	v5 =	vadd.f32 v17, v6;
	[tilespmem:$0x12D70] =	vst v0  }
0x183: {  	v3 =	vadd.f32 v18, v7;
	[tilespmem:$0x12D60] =	vst v2  }
0x184: {  	v1 =	vadd.f32 v11, v4;
	[tilespmem:$0x12D30] =	vst v5  }
0x185: {  	[tilespmem:$0x12D40] =	vst v3  }
0x186: {  	s24 =	simm.s32 $0x0;
	[tilespmem:$0x12D50] =	vst v1  }
0x187: {  	v0 =	vld [tilespmem:s24+$0x6D70]  }
0x188: {  	v2 =	vld [tilespmem:s24+$0x6D00]  }
0x189: {  	v3 =	vld [tilespmem:s24+$0x6D10]  }
0x18a: {  	v11 =	vld [tilespmem:s24+$0x6D20]  }
0x18b: {  	v10 =	vld [tilespmem:s24+$0x6D30]  }
0x18c: {  	v8 =	vimm.f32 $0.0e+00;
	v1 =	vimm.f32 $0.0e+00;
	v7 =	vld [tilespmem:s24+$0x6D40]  }
0x18d: {  	v6 =	vimm.f32 $0.0e+00;
	v4 =	vimm.f32 $0.0e+00;
	v9 =	vld [tilespmem:s24+$0x6D50];
	v0 =	vadd.f32 v0, v1  }
0x18e: {  	s23 =	simm.s32 $0x400;
	s22 =	simm.s32 $0x80;
	v12 =	vld [tilespmem:s24+$0x6D60];
	v5 =	vadd.f32 v2, v1;
	v3 =	vadd.f32 v3, v1;
	v2 =	vimm.f32 $0.0e+00  }
.LBB2_26:
0x18f: {  	p0 =	sne.s32 s23, $0x6200;
	v13 =	vld [tilespmem:s22+$0x6D70];
	v1 =	vadd.f32 v11, v1  }
0x190: {  	v14 =	vld [tilespmem:s22+$0x6D00];
	v6 =	vadd.f32 v10, v6  }
0x191: {  	v15 =	vld [tilespmem:s22+$0x6D10];
	v8 =	vadd.f32 v7, v8  }
.Ltmp12:
0x192: {  	v11 =	vld [tilespmem:s22+$0x6D20];
	v4 =	vadd.f32 v9, v4;
	(pc) =	sbr.rel @p0 .LBB2_26-.Ltmp12, $4  }
0x193: {  	v10 =	vld [tilespmem:s22+$0x6D30];
	v2 =	vadd.f32 v12, v2  }
0x194: {  	v7 =	vld [tilespmem:s22+$0x6D40];
	v0 =	vadd.f32 v13, v0  }
0x195: {  	v5 =	vadd.f32 v14, v5;
	v9 =	vld [tilespmem:s22+$0x6D50]  }
0x196: {  	v3 =	vadd.f32 v15, v3;
	v12 =	vld [tilespmem:s22+$0x6D60];
	s22 =	sshra.s32 s23, $0x2;
	s23 =	sadd.s32 $0x200, s23  }
0x197: {  	v14 =	vld [tilespmem:s22+$0x6D00]  }
0x198: {  	v15 =	vld [tilespmem:s22+$0x6D10]  }
0x199: {  	v16 =	vld [tilespmem:s22+$0x6D20]  }
0x19a: {  	v13 =	vld [tilespmem:s22+$0x6D70]  }
0x19b: {  	v6 =	vadd.f32 v10, v6;
	v10 =	vld [tilespmem:s22+$0x6D60]  }
0x19c: {  	v17 =	vld [tilespmem:s22+$0x6D30];
	v1 =	vadd.f32 v11, v1;
	v5 =	vadd.f32 v14, v5  }
0x19d: {  	v18 =	vld [tilespmem:s22+$0x6D40];
	v3 =	vadd.f32 v15, v3  }
0x19e: {  	v11 =	vld [tilespmem:s22+$0x6D50];
	v2 =	vadd.f32 v12, v2;
	v1 =	vadd.f32 v16, v1;
	[tilespmem:$0x12D80] =	vst v5  }
0x19f: {  	v0 =	vadd.f32 v13, v0;
	[tilespmem:$0x12D90] =	vst v3  }
0x1a0: {  	v7 =	vadd.f32 v7, v8;
	v2 =	vadd.f32 v10, v2;
	[tilespmem:$0x12DA0] =	vst v1  }
0x1a1: {  	v4 =	vadd.f32 v9, v4;
	v5 =	vadd.f32 v17, v6;
	[tilespmem:$0x12DF0] =	vst v0  }
0x1a2: {  	v3 =	vadd.f32 v18, v7;
	[tilespmem:$0x12DE0] =	vst v2  }
0x1a3: {  	v1 =	vadd.f32 v11, v4;
	[tilespmem:$0x12DB0] =	vst v5  }
0x1a4: {  	[tilespmem:$0x12DC0] =	vst v3  }
0x1a5: {  	[tilespmem:$0x12DD0] =	vst v1  }
0x1a6: {  	_ =	swait.ge [sflag:s18], $0x3200  }
0x1a7: {  	[sflag:s18] =	ssyncset.done $0x0  }
0x1a8: {  	s24 =	simm.s32 $0x0;
	[sflag:s18] =	ssyncadd.s32 $0xFFFFCE00  }
0x1a9: {  	v0 =	vld [tilespmem:s24+$0x8870]  }
0x1aa: {  	v2 =	vld [tilespmem:s24+$0x8800]  }
0x1ab: {  	v3 =	vld [tilespmem:s24+$0x8810]  }
0x1ac: {  	v11 =	vld [tilespmem:s24+$0x8820]  }
0x1ad: {  	v10 =	vld [tilespmem:s24+$0x8830]  }
0x1ae: {  	v8 =	vimm.f32 $0.0e+00;
	v1 =	vimm.f32 $0.0e+00;
	v7 =	vld [tilespmem:s24+$0x8840]  }
0x1af: {  	v6 =	vimm.f32 $0.0e+00;
	v4 =	vimm.f32 $0.0e+00;
	v9 =	vld [tilespmem:s24+$0x8850];
	v0 =	vadd.f32 v0, v1  }
0x1b0: {  	s23 =	simm.s32 $0x400;
	s22 =	simm.s32 $0x80;
	v12 =	vld [tilespmem:s24+$0x8860];
	v5 =	vadd.f32 v2, v1;
	v3 =	vadd.f32 v3, v1;
	v2 =	vimm.f32 $0.0e+00  }
.LBB2_28:
0x1b1: {  	p0 =	sne.s32 s23, $0x6200;
	v13 =	vld [tilespmem:s22+$0x8870];
	v1 =	vadd.f32 v11, v1  }
0x1b2: {  	v14 =	vld [tilespmem:s22+$0x8800];
	v6 =	vadd.f32 v10, v6  }
0x1b3: {  	v15 =	vld [tilespmem:s22+$0x8810];
	v8 =	vadd.f32 v7, v8  }
.Ltmp13:
0x1b4: {  	v11 =	vld [tilespmem:s22+$0x8820];
	v4 =	vadd.f32 v9, v4;
	(pc) =	sbr.rel @p0 .LBB2_28-.Ltmp13, $4  }
0x1b5: {  	v10 =	vld [tilespmem:s22+$0x8830];
	v2 =	vadd.f32 v12, v2  }
0x1b6: {  	v7 =	vld [tilespmem:s22+$0x8840];
	v0 =	vadd.f32 v13, v0  }
0x1b7: {  	v5 =	vadd.f32 v14, v5;
	v9 =	vld [tilespmem:s22+$0x8850]  }
0x1b8: {  	v3 =	vadd.f32 v15, v3;
	v12 =	vld [tilespmem:s22+$0x8860];
	s22 =	sshra.s32 s23, $0x2;
	s23 =	sadd.s32 $0x200, s23  }
0x1b9: {  	v14 =	vld [tilespmem:s22+$0x8800]  }
0x1ba: {  	v15 =	vld [tilespmem:s22+$0x8810]  }
0x1bb: {  	v16 =	vld [tilespmem:s22+$0x8820]  }
0x1bc: {  	v13 =	vld [tilespmem:s22+$0x8870]  }
0x1bd: {  	v6 =	vadd.f32 v10, v6;
	v10 =	vld [tilespmem:s22+$0x8860]  }
0x1be: {  	v17 =	vld [tilespmem:s22+$0x8830];
	v1 =	vadd.f32 v11, v1;
	v5 =	vadd.f32 v14, v5  }
0x1bf: {  	v18 =	vld [tilespmem:s22+$0x8840];
	v3 =	vadd.f32 v15, v3  }
0x1c0: {  	v11 =	vld [tilespmem:s22+$0x8850];
	v2 =	vadd.f32 v12, v2;
	v1 =	vadd.f32 v16, v1;
	[tilespmem:$0x12E00] =	vst v5  }
0x1c1: {  	v0 =	vadd.f32 v13, v0;
	[tilespmem:$0x12E10] =	vst v3  }
0x1c2: {  	v7 =	vadd.f32 v7, v8;
	v2 =	vadd.f32 v10, v2;
	[tilespmem:$0x12E20] =	vst v1  }
0x1c3: {  	v4 =	vadd.f32 v9, v4;
	v5 =	vadd.f32 v17, v6;
	[tilespmem:$0x12E70] =	vst v0  }
0x1c4: {  	v3 =	vadd.f32 v18, v7;
	[tilespmem:$0x12E60] =	vst v2  }
0x1c5: {  	v1 =	vadd.f32 v11, v4;
	[tilespmem:$0x12E30] =	vst v5  }
0x1c6: {  	[tilespmem:$0x12E40] =	vst v3  }
0x1c7: {  	s24 =	simm.s32 $0x0;
	[tilespmem:$0x12E50] =	vst v1  }
0x1c8: {  	v0 =	vld [tilespmem:s24+$0xA170]  }
0x1c9: {  	v2 =	vld [tilespmem:s24+$0xA100]  }
0x1ca: {  	v3 =	vld [tilespmem:s24+$0xA110]  }
0x1cb: {  	v11 =	vld [tilespmem:s24+$0xA120]  }
0x1cc: {  	v10 =	vld [tilespmem:s24+$0xA130]  }
0x1cd: {  	v8 =	vimm.f32 $0.0e+00;
	v1 =	vimm.f32 $0.0e+00;
	v7 =	vld [tilespmem:s24+$0xA140]  }
0x1ce: {  	v6 =	vimm.f32 $0.0e+00;
	v4 =	vimm.f32 $0.0e+00;
	v9 =	vld [tilespmem:s24+$0xA150];
	v0 =	vadd.f32 v0, v1  }
0x1cf: {  	s23 =	simm.s32 $0x400;
	s22 =	simm.s32 $0x80;
	v12 =	vld [tilespmem:s24+$0xA160];
	v5 =	vadd.f32 v2, v1;
	v3 =	vadd.f32 v3, v1;
	v2 =	vimm.f32 $0.0e+00  }
.LBB2_30:
0x1d0: {  	p0 =	sne.s32 s23, $0x6200;
	v13 =	vld [tilespmem:s22+$0xA170];
	v1 =	vadd.f32 v11, v1  }
0x1d1: {  	v14 =	vld [tilespmem:s22+$0xA100];
	v6 =	vadd.f32 v10, v6  }
0x1d2: {  	v15 =	vld [tilespmem:s22+$0xA110];
	v8 =	vadd.f32 v7, v8  }
.Ltmp14:
0x1d3: {  	v11 =	vld [tilespmem:s22+$0xA120];
	v4 =	vadd.f32 v9, v4;
	(pc) =	sbr.rel @p0 .LBB2_30-.Ltmp14, $4  }
0x1d4: {  	v10 =	vld [tilespmem:s22+$0xA130];
	v2 =	vadd.f32 v12, v2  }
0x1d5: {  	v7 =	vld [tilespmem:s22+$0xA140];
	v0 =	vadd.f32 v13, v0  }
0x1d6: {  	v5 =	vadd.f32 v14, v5;
	v9 =	vld [tilespmem:s22+$0xA150]  }
0x1d7: {  	v3 =	vadd.f32 v15, v3;
	v12 =	vld [tilespmem:s22+$0xA160];
	s22 =	sshra.s32 s23, $0x2;
	s23 =	sadd.s32 $0x200, s23  }
0x1d8: {  	v14 =	vld [tilespmem:s22+$0xA100]  }
0x1d9: {  	v15 =	vld [tilespmem:s22+$0xA110]  }
0x1da: {  	v16 =	vld [tilespmem:s22+$0xA120]  }
0x1db: {  	v13 =	vld [tilespmem:s22+$0xA170]  }
0x1dc: {  	v6 =	vadd.f32 v10, v6;
	v10 =	vld [tilespmem:s22+$0xA160]  }
0x1dd: {  	v17 =	vld [tilespmem:s22+$0xA130];
	v1 =	vadd.f32 v11, v1;
	v5 =	vadd.f32 v14, v5  }
0x1de: {  	v18 =	vld [tilespmem:s22+$0xA140];
	v3 =	vadd.f32 v15, v3  }
0x1df: {  	v11 =	vld [tilespmem:s22+$0xA150];
	v2 =	vadd.f32 v12, v2;
	v1 =	vadd.f32 v16, v1;
	[tilespmem:$0x12E80] =	vst v5  }
0x1e0: {  	v0 =	vadd.f32 v13, v0;
	[tilespmem:$0x12E90] =	vst v3  }
0x1e1: {  	v7 =	vadd.f32 v7, v8;
	v2 =	vadd.f32 v10, v2;
	[tilespmem:$0x12EA0] =	vst v1  }
0x1e2: {  	v4 =	vadd.f32 v9, v4;
	v5 =	vadd.f32 v17, v6;
	[tilespmem:$0x12EF0] =	vst v0  }
0x1e3: {  	v3 =	vadd.f32 v18, v7;
	[tilespmem:$0x12EE0] =	vst v2  }
0x1e4: {  	v1 =	vadd.f32 v11, v4;
	[tilespmem:$0x12EB0] =	vst v5  }
0x1e5: {  	[tilespmem:$0x12EC0] =	vst v3  }
0x1e6: {  	[tilespmem:$0x12ED0] =	vst v1  }
0x1e7: {  	_ =	swait.ge [sflag:s19], $0x3200  }
0x1e8: {  	[sflag:s19] =	ssyncset.done $0x0  }
0x1e9: {  	s24 =	simm.s32 $0x0;
	[sflag:s19] =	ssyncadd.s32 $0xFFFFCE00  }
0x1ea: {  	v0 =	vld [tilespmem:s24+$0xBC70]  }
0x1eb: {  	v2 =	vld [tilespmem:s24+$0xBC00]  }
0x1ec: {  	v3 =	vld [tilespmem:s24+$0xBC10]  }
0x1ed: {  	v11 =	vld [tilespmem:s24+$0xBC20]  }
0x1ee: {  	v10 =	vld [tilespmem:s24+$0xBC30]  }
0x1ef: {  	v8 =	vimm.f32 $0.0e+00;
	v1 =	vimm.f32 $0.0e+00;
	v7 =	vld [tilespmem:s24+$0xBC40]  }
0x1f0: {  	v6 =	vimm.f32 $0.0e+00;
	v4 =	vimm.f32 $0.0e+00;
	v9 =	vld [tilespmem:s24+$0xBC50];
	v0 =	vadd.f32 v0, v1  }
0x1f1: {  	s23 =	simm.s32 $0x400;
	s22 =	simm.s32 $0x80;
	v12 =	vld [tilespmem:s24+$0xBC60];
	v5 =	vadd.f32 v2, v1;
	v3 =	vadd.f32 v3, v1;
	v2 =	vimm.f32 $0.0e+00  }
.LBB2_32:
0x1f2: {  	p0 =	sne.s32 s23, $0x6200;
	v13 =	vld [tilespmem:s22+$0xBC70];
	v1 =	vadd.f32 v11, v1  }
0x1f3: {  	v14 =	vld [tilespmem:s22+$0xBC00];
	v6 =	vadd.f32 v10, v6  }
0x1f4: {  	v15 =	vld [tilespmem:s22+$0xBC10];
	v8 =	vadd.f32 v7, v8  }
.Ltmp15:
0x1f5: {  	v11 =	vld [tilespmem:s22+$0xBC20];
	v4 =	vadd.f32 v9, v4;
	(pc) =	sbr.rel @p0 .LBB2_32-.Ltmp15, $4  }
0x1f6: {  	v10 =	vld [tilespmem:s22+$0xBC30];
	v2 =	vadd.f32 v12, v2  }
0x1f7: {  	v7 =	vld [tilespmem:s22+$0xBC40];
	v0 =	vadd.f32 v13, v0  }
0x1f8: {  	v5 =	vadd.f32 v14, v5;
	v9 =	vld [tilespmem:s22+$0xBC50]  }
0x1f9: {  	v3 =	vadd.f32 v15, v3;
	v12 =	vld [tilespmem:s22+$0xBC60];
	s22 =	sshra.s32 s23, $0x2;
	s23 =	sadd.s32 $0x200, s23  }
0x1fa: {  	v14 =	vld [tilespmem:s22+$0xBC00]  }
0x1fb: {  	v15 =	vld [tilespmem:s22+$0xBC10]  }
0x1fc: {  	v16 =	vld [tilespmem:s22+$0xBC20]  }
0x1fd: {  	v13 =	vld [tilespmem:s22+$0xBC70]  }
0x1fe: {  	v6 =	vadd.f32 v10, v6;
	v10 =	vld [tilespmem:s22+$0xBC60]  }
0x1ff: {  	v17 =	vld [tilespmem:s22+$0xBC30];
	v1 =	vadd.f32 v11, v1;
	v5 =	vadd.f32 v14, v5  }
0x200: {  	v18 =	vld [tilespmem:s22+$0xBC40];
	v3 =	vadd.f32 v15, v3  }
0x201: {  	v11 =	vld [tilespmem:s22+$0xBC50];
	v2 =	vadd.f32 v12, v2;
	v1 =	vadd.f32 v16, v1;
	[tilespmem:$0x12F00] =	vst v5  }
0x202: {  	v0 =	vadd.f32 v13, v0;
	[tilespmem:$0x12F10] =	vst v3  }
0x203: {  	v7 =	vadd.f32 v7, v8;
	v2 =	vadd.f32 v10, v2;
	[tilespmem:$0x12F20] =	vst v1  }
0x204: {  	v4 =	vadd.f32 v9, v4;
	v5 =	vadd.f32 v17, v6;
	[tilespmem:$0x12F70] =	vst v0  }
0x205: {  	v3 =	vadd.f32 v18, v7;
	[tilespmem:$0x12F60] =	vst v2  }
0x206: {  	v1 =	vadd.f32 v11, v4;
	[tilespmem:$0x12F30] =	vst v5  }
0x207: {  	[tilespmem:$0x12F40] =	vst v3  }
0x208: {  	s24 =	simm.s32 $0x0;
	[tilespmem:$0x12F50] =	vst v1  }
0x209: {  	v0 =	vld [tilespmem:s24+$0xD570]  }
0x20a: {  	v2 =	vld [tilespmem:s24+$0xD500]  }
0x20b: {  	v3 =	vld [tilespmem:s24+$0xD510]  }
0x20c: {  	v11 =	vld [tilespmem:s24+$0xD520]  }
0x20d: {  	v10 =	vld [tilespmem:s24+$0xD530]  }
0x20e: {  	v8 =	vimm.f32 $0.0e+00;
	v1 =	vimm.f32 $0.0e+00;
	v7 =	vld [tilespmem:s24+$0xD540]  }
0x20f: {  	v6 =	vimm.f32 $0.0e+00;
	v4 =	vimm.f32 $0.0e+00;
	v9 =	vld [tilespmem:s24+$0xD550];
	v0 =	vadd.f32 v0, v1  }
0x210: {  	s23 =	simm.s32 $0x400;
	s22 =	simm.s32 $0x80;
	v12 =	vld [tilespmem:s24+$0xD560];
	v5 =	vadd.f32 v2, v1;
	v3 =	vadd.f32 v3, v1;
	v2 =	vimm.f32 $0.0e+00  }
.LBB2_34:
0x211: {  	p0 =	sne.s32 s23, $0x6200;
	v13 =	vld [tilespmem:s22+$0xD570];
	v1 =	vadd.f32 v11, v1  }
0x212: {  	v14 =	vld [tilespmem:s22+$0xD500];
	v6 =	vadd.f32 v10, v6  }
0x213: {  	v15 =	vld [tilespmem:s22+$0xD510];
	v8 =	vadd.f32 v7, v8  }
.Ltmp16:
0x214: {  	v11 =	vld [tilespmem:s22+$0xD520];
	v4 =	vadd.f32 v9, v4;
	(pc) =	sbr.rel @p0 .LBB2_34-.Ltmp16, $4  }
0x215: {  	v10 =	vld [tilespmem:s22+$0xD530];
	v2 =	vadd.f32 v12, v2  }
0x216: {  	v7 =	vld [tilespmem:s22+$0xD540];
	v0 =	vadd.f32 v13, v0  }
0x217: {  	v5 =	vadd.f32 v14, v5;
	v9 =	vld [tilespmem:s22+$0xD550]  }
0x218: {  	v3 =	vadd.f32 v15, v3;
	v12 =	vld [tilespmem:s22+$0xD560];
	s22 =	sshra.s32 s23, $0x2;
	s23 =	sadd.s32 $0x200, s23  }
0x219: {  	v14 =	vld [tilespmem:s22+$0xD500]  }
0x21a: {  	v15 =	vld [tilespmem:s22+$0xD510]  }
0x21b: {  	v16 =	vld [tilespmem:s22+$0xD520]  }
0x21c: {  	v17 =	vld [tilespmem:s22+$0xD530]  }
0x21d: {  	v18 =	vld [tilespmem:s22+$0xD540]  }
0x21e: {  	v1 =	vadd.f32 v11, v1;
	v59 =	vld [tilespmem:s22+$0xD550];
	v5 =	vadd.f32 v14, v5  }
0x21f: {  	v13 =	vld [tilespmem:s22+$0xD570];
	v6 =	vadd.f32 v10, v6;
	v3 =	vadd.f32 v15, v3  }
0x220: {  	v60 =	vld [tilespmem:s22+$0xD560];
	v7 =	vadd.f32 v7, v8;
	v1 =	vadd.f32 v16, v1;
	[tilespmem:$0x12F80] =	vst v5  }
0x221: {  	v4 =	vadd.f32 v9, v4;
	v61 =	vadd.f32 v17, v6;
	[tilespmem:$0x12F90] =	vst v3  }
0x222: {  	v62 =	vadd.f32 v18, v7;
	[tilespmem:$0x12FA0] =	vst v1  }
0x223: {  	v2 =	vadd.f32 v12, v2;
	v63 =	vadd.f32 v59, v4;
	[tilespmem:$0x12FB0] =	vst v61  }
0x224: {  	v0 =	vadd.f32 v13, v0;
	[tilespmem:$0x12FC0] =	vst v62  }
0x225: {  	s21 =	sadd.s32 $0x1, s21;
	v2 =	vadd.f32 v60, v2;
	[tilespmem:$0x12FD0] =	vst v63  }
0x226: {  	p0 =	sne.s32 s21, s6;
	[tilespmem:$0x12FF0] =	vst v0  }
.Ltmp17:
0x227: {  	[tilespmem:$0x12FE0] =	vst v2;
	(pc) =	sbr.rel @p0 .LBB2_1-.Ltmp17, $4  }
0x228: {  	[hbm4b:s5+s3] =	stream.linear.scatter [tilespmem:s20], [sflag:$0x5], $0x4000, $0x38;
	[tilespmem:$0x13000] =	vst v63  }
0x229: {  	_ =	swait.ge [sflag:s7], $0x4000  }
0x22a: {  	[sflag:s7] =	ssyncset.done $0x0  }
0x22b: {  	[sflag:s7] =	ssyncadd.s32 $0xFFFFC000  }
0x22c: {  	_ =	sfence.sel $0x180000  }
0x22d: {  	[bflag:$0x0] =	sbarrier.arrive $0xFFFF  }
0x22e: {  	p0 =	sne.s32 s2, $0x0;
	_ =	strace $0x90000047  }
0x22f: {  	s0 =	sadd.s32 @!p0 $0x100000, s0;
	[bflag:$0x2] =	sbarrier.arrive $0xFFFF  }
0x230: {  	[sflag:s0] =	ssyncadd.tile.s32 @!p0 $0x1;
	_ =	shalt  }
.Lfunc_end2:
_tile_overlayer_lowered:
.L_overlay_start_2:
0x231: {  	(tag) =	ssettag $0x2  }
0x232: {  	s0 =	rddreg [dreg:$0x0];
	s2 =	stileid.u32  }
0x233: {  	s1 =	rddreg [dreg:$0x1];
	p0 =	sne.s32 s2, $0x0  }
0x234: {  	s3 =	rddreg [dreg:$0x2];
	[bflag:$0x3] =	sbarrier.arrive $0xFFFF;
	s2 =	simm.s32 @!p0 $0x1C05  }
0x235: {  	[timem:s3], [sflag:s2] =	dma.local @!p0 [hbm:s0], s1  }
0x236: {  	s0 =	simm.s32 @!p0 $0x5  }
0x237: {  	_ =	swait.ge @!p0 [sflag:s0], s1  }
0x238: {  	s1 =	ssub.s32 @!p0 $0x0, s1;
	[sflag:s0] =	ssyncset.done @!p0 $0x0  }
0x239: {  	[sflag:s0] =	ssyncadd.s32 @!p0 s1  }
0x23a: {  	[bflag:$0x3] =	sbarrier.arrive $0xFFFF  }
0x23b: {  	_ =	shalt  }

</sc_bundles>
